<compile_context>
chip_gen: v7x
topology: tpu7x:2x2x1
jax: 0.10.2.dev20260603
libtpu: 0.0.44.dev20260713+nightly
codegen_flags: <defaults>
</compile_context>

<pallas_src>
import jax
import jax.numpy as jnp
from jax import lax
from jax.experimental import pallas as pl
from jax.experimental.pallas import tpu as pltpu
from jax.experimental.pallas import tpu_sc as plsc

N = 10000
E = 160000
D_IN = 128
D_HID = 128
D_OUT = 64

N_TILES = 16
NPAD = 10240
RPT = NPAD // N_TILES
CHUNK = 128
NCHUNK = RPT // CHUNK

BLK = 128
EPT = 10240
ROWS_PT = EPT // BLK
KB = 4
GROUPS = ROWS_PT // KB
EPAD = EPT * N_TILES
EROWS = EPAD // BLK


def _sc_agg(D):
    mesh = plsc.VectorSubcoreMesh(core_axis_name="c", subcore_axis_name="s")
    outs = [jax.ShapeDtypeStruct((NPAD, D), jnp.float32),
            jax.ShapeDtypeStruct((NPAD, D), jnp.float32)]
    scratch = [
        pltpu.VMEM((BLK,), jnp.int32),
        pltpu.VMEM((BLK,), jnp.int32),
        pltpu.VMEM((BLK, D), jnp.float32),
        pltpu.VMEM_SHARED((NPAD, D), jnp.float32),
        pltpu.SemaphoreType.DMA,
    ]

    def body(t0, t1, src0, dst0, src1, dst1, zrow,
             out0, out1, srci, dsti, rows, acc, sem):
        s = lax.axis_index("s")
        c = lax.axis_index("c")

        pltpu.sync_copy(zrow, rows)
        for k in range(NCHUNK):
            pltpu.sync_copy(rows, acc.at[pl.ds(s * RPT + k * CHUNK, CHUNK)])
        plsc.subcore_barrier()

        def run(table, srch, dsth):
            @pl.loop(0, ROWS_PT)
            def step(r):
                row = s * ROWS_PT + r
                pltpu.sync_copy(srch.at[row], srci)
                pltpu.sync_copy(dsth.at[row], dsti)
                pltpu.async_copy(table.at[srci], rows, sem).wait()
                pltpu.sync_copy(rows, acc.at[dsti], add=True)

        pl.when(c == 0)(lambda: run(t0, src0, dst0))
        pl.when(c == 1)(lambda: run(t1, src1, dst1))
        plsc.subcore_barrier()

        def flush(outh):
            for k in range(NCHUNK):
                sl = pl.ds(s * RPT + k * CHUNK, CHUNK)
                pltpu.sync_copy(acc.at[sl], rows)
                pltpu.sync_copy(rows, outh.at[sl])

        pl.when(c == 0)(lambda: flush(out0))
        pl.when(c == 1)(lambda: flush(out1))

    return pl.kernel(body, out_type=tuple(outs), mesh=mesh,
                     scratch_types=tuple(scratch))


RB = 1000


def _tc_mid_body(a0r, a1r, c0r, c1r, w10r, b10r, w11r, b11r,
                 w20r, b20r, w21r, b21r, o0r):
    cc0 = c0r[...][:, 0:1]
    cc1 = c1r[...][:, 0:1]
    n0 = a0r[...] / jnp.maximum(cc0, 1.0)
    n1 = a1r[...] / jnp.maximum(cc1, 1.0)
    m0 = (cc0 > 0.0).astype(jnp.float32)
    m1 = (cc1 > 0.0).astype(jnp.float32)
    h = (jnp.dot(n0, w10r[...], preferred_element_type=jnp.float32)
         + m0 * b10r[...]
         + jnp.dot(n1, w11r[...], preferred_element_type=jnp.float32)
         + m1 * b11r[...])
    h = jnp.maximum(h, 0.0)
    o0r[:, 0:D_OUT] = jnp.dot(h, w20r[...], preferred_element_type=jnp.float32) + b20r[...]
    o0r[:, D_OUT:2 * D_OUT] = jnp.dot(h, w21r[...], preferred_element_type=jnp.float32) + b21r[...]


def _tc_mid(a0, a1, c0, c1, W1_0, b1_0, W1_1, b1_1, W2_0, b2_0, W2_1, b2_1):
    grid = (N // RB,)
    full = lambda shape: pl.BlockSpec(shape, lambda i: (0, 0))
    row = lambda shape: pl.BlockSpec(shape, lambda i: (i, 0))
    return pl.pallas_call(
        _tc_mid_body,
        grid=grid,
        in_specs=[row((RB, D_IN)), row((RB, D_IN)),
                  row((RB, 16)), row((RB, 16)),
                  full((D_IN, D_HID)), full((1, D_HID)),
                  full((D_IN, D_HID)), full((1, D_HID)),
                  full((D_HID, D_OUT)), full((1, D_OUT)),
                  full((D_HID, D_OUT)), full((1, D_OUT))],
        out_specs=row((RB, 2 * D_OUT)),
        out_shape=jax.ShapeDtypeStruct((N, 2 * D_OUT), jnp.float32),
    )(a0, a1, c0, c1,
      W1_0, b1_0.reshape(1, -1), W1_1, b1_1.reshape(1, -1),
      W2_0, b2_0.reshape(1, -1), W2_1, b2_1.reshape(1, -1))


def _tc_final_body(a0r, a1r, c0r, c1r, o):
    cc0 = c0r[...][:, 0:1]
    cc1 = c1r[...][:, 0:1]
    o[...] = (a0r[...] / jnp.maximum(cc0, 1.0)
              + a1r[...] / jnp.maximum(cc1, 1.0))


def _tc_final(a0, a1, c0, c1):
    grid = (N // RB,)
    row = lambda shape: pl.BlockSpec(shape, lambda i: (i, 0))
    return pl.pallas_call(
        _tc_final_body,
        grid=grid,
        in_specs=[row((RB, D_OUT)), row((RB, D_OUT)),
                  row((RB, 16)), row((RB, 16))],
        out_specs=row((RB, D_OUT)),
        out_shape=jax.ShapeDtypeStruct((N, D_OUT), jnp.float32),
    )(a0, a1, c0, c1)


def _pad_idx(src, dst):
    pad = EPAD - E
    fill = jnp.arange(pad, dtype=jnp.int32)
    srcp = jnp.concatenate([src, fill % N]).reshape(EROWS, BLK)
    dstp = jnp.concatenate([dst, N + fill % (NPAD - N)]).reshape(EROWS, BLK)
    return srcp, dstp


@jax.jit
def kernel(feat, edge_index_rel0, edge_index_rel1,
           W1_0, b1_0, W1_1, b1_1, W2_0, b2_0, W2_1, b2_1):
    src0, dst0 = _pad_idx(edge_index_rel0[0], edge_index_rel0[1])
    src1, dst1 = _pad_idx(edge_index_rel1[0], edge_index_rel1[1])
    zrow128 = jnp.zeros((BLK, D_IN), jnp.float32)
    ones_tab = jnp.ones((N, D_IN), jnp.float32)

    a0p, a1p = _sc_agg(D_IN)(feat, feat, src0, dst0, src1, dst1, zrow128)
    c0p, c1p = _sc_agg(D_IN)(ones_tab, ones_tab,
                             src0, dst0, src1, dst1, zrow128)
    a0, a1 = a0p[:N], a1p[:N]
    c0, c1 = c0p[:N, :16], c1p[:N, :16]

    wh = _tc_mid(a0, a1, c0, c1,
                 W1_0, b1_0, W1_1, b1_1, W2_0, b2_0, W2_1, b2_1)

    g0p, g1p = _sc_agg(2 * D_OUT)(wh, wh, src0, dst0, src1, dst1, zrow128)

    return _tc_final(g0p[:N, :D_OUT], g1p[:N, D_OUT:], c0, c1)

# --- scband reference (transcript-rebuilt; emitter-appended) ---
"""Pipeline reference for scband-hetero-rgcn-17188459119123 (READ-ONLY COPY).

The authoritative reference and input builder live on the scoring server;
editing this copy changes nothing except your own understanding.
"""

import jax, jax.numpy as jnp
import numpy as np

N = 10000
E = 160000
D_IN = 128
D_HID = 128
D_OUT = 64

def setup_inputs(seed: int = 0) -> dict:
    key = jax.random.key(seed)
    ks = jax.random.split(key, 16)
    feat = jax.random.normal(ks[0], (N, D_IN), dtype=jnp.float32)
    edge_index_rel0 = jax.random.randint(ks[1], (2, E), 0, N, dtype=jnp.int32)
    edge_index_rel1 = jax.random.randint(ks[2], (2, E), 0, N, dtype=jnp.int32)
    # layer 1 (in -> hidden) per-relation Linear weights
    W1_0 = jax.random.normal(ks[3], (D_IN, D_HID), dtype=jnp.float32) / np.sqrt(D_IN)
    b1_0 = jax.random.normal(ks[4], (D_HID,), dtype=jnp.float32) * 0.01
    W1_1 = jax.random.normal(ks[5], (D_IN, D_HID), dtype=jnp.float32) / np.sqrt(D_IN)
    b1_1 = jax.random.normal(ks[6], (D_HID,), dtype=jnp.float32) * 0.01
    # layer 2 (hidden -> num_class) per-relation Linear weights
    W2_0 = jax.random.normal(ks[7], (D_HID, D_OUT), dtype=jnp.float32) / np.sqrt(D_HID)
    b2_0 = jax.random.normal(ks[8], (D_OUT,), dtype=jnp.float32) * 0.01
    W2_1 = jax.random.normal(ks[9], (D_HID, D_OUT), dtype=jnp.float32) / np.sqrt(D_HID)
    b2_1 = jax.random.normal(ks[10], (D_OUT,), dtype=jnp.float32) * 0.01
    return {
        "feat": feat,
        "edge_index_rel0": edge_index_rel0,
        "edge_index_rel1": edge_index_rel1,
        "W1_0": W1_0, "b1_0": b1_0, "W1_1": W1_1, "b1_1": b1_1,
        "W2_0": W2_0, "b2_0": b2_0, "W2_1": W2_1, "b2_1": b2_1,
    }


def _hetero_rgcn_layer(h, edge_indices, Ws, bs):
    # For each etype: Wh = Linear_etype(h); message = copy_u(Wh); reduce = mean over incoming edges.
    # Cross-etype aggregation: sum.
    out = jnp.zeros((N, Ws[0].shape[1]), dtype=h.dtype)
    for ei, W, b in zip(edge_indices, Ws, bs):
        Wh = h @ W + b
        src = ei[0]
        dst = ei[1]
        m = jnp.take(Wh, src, axis=0)
        s = jax.ops.segment_sum(m, dst, num_segments=N)
        cnt = jax.ops.segment_sum(jnp.ones((ei.shape[1],), dtype=h.dtype), dst, num_segments=N)
        out = out + s / jnp.maximum(cnt, 1.0)[:, None]
    return out


def reference(feat, edge_index_rel0, edge_index_rel1, W1_0, b1_0, W1_1, b1_1, W2_0, b2_0, W2_1, b2_1):
    edge_indices = [edge_index_rel0, edge_index_rel1]
    h = _hetero_rgcn_layer(feat, edge_indices, [W1_0, W1_1], [b1_0, b1_1])
    h = jax.nn.relu(h)
    h = _hetero_rgcn_layer(h, edge_indices, [W2_0, W2_1], [b2_0, b2_1])
    return h

if __name__ == "__main__":
    import jax
    _d = setup_inputs()
    print(jax.jit(kernel)(*tuple(_d.values())))

</pallas_src>

<mosaic_0001>
#map = affine_map<(d0, d1) -> (0, 0)>
module attributes {stable_mosaic.version = 14 : i64} {
  func.func @body(%arg0: i32, %arg1: i32, %arg2: memref<10000x128xf32, #tpu.memory_space<hbm>>, %arg3: memref<10000x128xf32, #tpu.memory_space<hbm>>, %arg4: memref<1280x128xi32, #tpu.memory_space<hbm>>, %arg5: memref<1280x128xi32, #tpu.memory_space<hbm>>, %arg6: memref<1280x128xi32, #tpu.memory_space<hbm>>, %arg7: memref<1280x128xi32, #tpu.memory_space<hbm>>, %arg8: memref<128x128xf32, #tpu.memory_space<hbm>>, %arg9: memref<10240x128xf32, #tpu.memory_space<hbm>>, %arg10: memref<10240x128xf32, #tpu.memory_space<hbm>>, %arg11: memref<128xi32, #tpu.memory_space<vmem>>, %arg12: memref<128xi32, #tpu.memory_space<vmem>>, %arg13: memref<128x128xf32, #tpu.memory_space<vmem>>, %arg14: memref<10240x128xf32, #tpu.memory_space<vmem_shared>>, %arg15: memref<!tpu.dma_semaphore, #tpu.memory_space<semaphore_mem>>) attributes {dimension_semantics = [#tpu.dimension_semantics<core_parallel>, #tpu.dimension_semantics<subcore_parallel>], iteration_bounds = array<i64: 2, 16>, scalar_prefetch = 0 : i64, scratch_operands = 5 : i64, tpu.core_type = #tpu.core_type<sc_vector_subcore>, window_params = [{transform_indices = #map}, {transform_indices = #map}, {transform_indices = #map}, {transform_indices = #map}, {transform_indices = #map}, {transform_indices = #map}, {transform_indices = #map}, {transform_indices = #map}, {transform_indices = #map}]} {
    "tpu.region"() ({
      %run_scoped3A = tpu.sem_alloc : memref<!tpu.dma_semaphore, #tpu.memory_space<semaphore_mem>>
      tpu.enqueue_dma source(%arg8 : memref<128x128xf32, #tpu.memory_space<hbm>>) target(%arg13 : memref<128x128xf32, #tpu.memory_space<vmem>>) target_semaphore(%run_scoped3A : memref<!tpu.dma_semaphore, #tpu.memory_space<semaphore_mem>>)
      tpu.wait_dma2 semaphore(%run_scoped3A : memref<!tpu.dma_semaphore, #tpu.memory_space<semaphore_mem>>) src(%arg8 : memref<128x128xf32, #tpu.memory_space<hbm>>) dst(%arg13 : memref<128x128xf32, #tpu.memory_space<vmem>>)
      tpu.yield
    }) : () -> ()
    %mul3A = arith.constant 640 : i32
    %mul3A_0 = arith.muli %arg1, %mul3A : i32
    %add3A = arith.constant 0 : i32
    %add3A_1 = arith.addi %mul3A_0, %add3A : i32
    "tpu.region"() ({
      %run_scoped3A = tpu.sem_alloc : memref<!tpu.dma_semaphore, #tpu.memory_space<semaphore_mem>>
      %dma_start3A = arith.constant 0 : i32
      %dma_start3A_36 = tpu.memref_slice %arg14[%add3A_1, %dma_start3A] : memref<10240x128xf32, #tpu.memory_space<vmem_shared>> -> memref<128x128xf32, #tpu.memory_space<vmem_shared>>
      %dma_start3A_37 = arith.constant 0 : i32
      %dma_start3A_38 = tpu.memref_slice %arg14[%add3A_1, %dma_start3A_37] : memref<10240x128xf32, #tpu.memory_space<vmem_shared>> -> memref<128x128xf32, #tpu.memory_space<vmem_shared>>
      tpu.enqueue_dma source(%arg13 : memref<128x128xf32, #tpu.memory_space<vmem>>) target(%dma_start3A_38 : memref<128x128xf32, #tpu.memory_space<vmem_shared>>) target_semaphore(%run_scoped3A : memref<!tpu.dma_semaphore, #tpu.memory_space<semaphore_mem>>)
      %dma_wait3A = arith.constant 0 : i32
      %dma_wait3A_39 = tpu.memref_slice %arg14[%add3A_1, %dma_wait3A] : memref<10240x128xf32, #tpu.memory_space<vmem_shared>> -> memref<128x128xf32, #tpu.memory_space<vmem_shared>>
      %dma_wait3A_40 = arith.constant 0 : i32
      %dma_wait3A_41 = tpu.memref_slice %arg14[%add3A_1, %dma_wait3A_40] : memref<10240x128xf32, #tpu.memory_space<vmem_shared>> -> memref<128x128xf32, #tpu.memory_space<vmem_shared>>
      tpu.wait_dma2 semaphore(%run_scoped3A : memref<!tpu.dma_semaphore, #tpu.memory_space<semaphore_mem>>) src(%arg13 : memref<128x128xf32, #tpu.memory_space<vmem>>) dst(%dma_wait3A_41 : memref<128x128xf32, #tpu.memory_space<vmem_shared>>)
      tpu.yield
    }) : () -> ()
    %mul3A_2 = arith.constant 640 : i32
    %mul3A_3 = arith.muli %arg1, %mul3A_2 : i32
    %add3A_4 = arith.constant 128 : i32
    %add3A_5 = arith.addi %mul3A_3, %add3A_4 : i32
    "tpu.region"() ({
      %run_scoped3A = tpu.sem_alloc : memref<!tpu.dma_semaphore, #tpu.memory_space<semaphore_mem>>
      %dma_start3A = arith.constant 0 : i32
      %dma_start3A_36 = tpu.memref_slice %arg14[%add3A_5, %dma_start3A] : memref<10240x128xf32, #tpu.memory_space<vmem_shared>> -> memref<128x128xf32, #tpu.memory_space<vmem_shared>>
      %dma_start3A_37 = arith.constant 0 : i32
      %dma_start3A_38 = tpu.memref_slice %arg14[%add3A_5, %dma_start3A_37] : memref<10240x128xf32, #tpu.memory_space<vmem_shared>> -> memref<128x128xf32, #tpu.memory_space<vmem_shared>>
      tpu.enqueue_dma source(%arg13 : memref<128x128xf32, #tpu.memory_space<vmem>>) target(%dma_start3A_38 : memref<128x128xf32, #tpu.memory_space<vmem_shared>>) target_semaphore(%run_scoped3A : memref<!tpu.dma_semaphore, #tpu.memory_space<semaphore_mem>>)
      %dma_wait3A = arith.constant 0 : i32
      %dma_wait3A_39 = tpu.memref_slice %arg14[%add3A_5, %dma_wait3A] : memref<10240x128xf32, #tpu.memory_space<vmem_shared>> -> memref<128x128xf32, #tpu.memory_space<vmem_shared>>
      %dma_wait3A_40 = arith.constant 0 : i32
      %dma_wait3A_41 = tpu.memref_slice %arg14[%add3A_5, %dma_wait3A_40] : memref<10240x128xf32, #tpu.memory_space<vmem_shared>> -> memref<128x128xf32, #tpu.memory_space<vmem_shared>>
      tpu.wait_dma2 semaphore(%run_scoped3A : memref<!tpu.dma_semaphore, #tpu.memory_space<semaphore_mem>>) src(%arg13 : memref<128x128xf32, #tpu.memory_space<vmem>>) dst(%dma_wait3A_41 : memref<128x128xf32, #tpu.memory_space<vmem_shared>>)
      tpu.yield
    }) : () -> ()
    %mul3A_6 = arith.constant 640 : i32
    %mul3A_7 = arith.muli %arg1, %mul3A_6 : i32
    %add3A_8 = arith.constant 256 : i32
    %add3A_9 = arith.addi %mul3A_7, %add3A_8 : i32
    "tpu.region"() ({
      %run_scoped3A = tpu.sem_alloc : memref<!tpu.dma_semaphore, #tpu.memory_space<semaphore_mem>>
      %dma_start3A = arith.constant 0 : i32
      %dma_start3A_36 = tpu.memref_slice %arg14[%add3A_9, %dma_start3A] : memref<10240x128xf32, #tpu.memory_space<vmem_shared>> -> memref<128x128xf32, #tpu.memory_space<vmem_shared>>
      %dma_start3A_37 = arith.constant 0 : i32
      %dma_start3A_38 = tpu.memref_slice %arg14[%add3A_9, %dma_start3A_37] : memref<10240x128xf32, #tpu.memory_space<vmem_shared>> -> memref<128x128xf32, #tpu.memory_space<vmem_shared>>
      tpu.enqueue_dma source(%arg13 : memref<128x128xf32, #tpu.memory_space<vmem>>) target(%dma_start3A_38 : memref<128x128xf32, #tpu.memory_space<vmem_shared>>) target_semaphore(%run_scoped3A : memref<!tpu.dma_semaphore, #tpu.memory_space<semaphore_mem>>)
      %dma_wait3A = arith.constant 0 : i32
      %dma_wait3A_39 = tpu.memref_slice %arg14[%add3A_9, %dma_wait3A] : memref<10240x128xf32, #tpu.memory_space<vmem_shared>> -> memref<128x128xf32, #tpu.memory_space<vmem_shared>>
      %dma_wait3A_40 = arith.constant 0 : i32
      %dma_wait3A_41 = tpu.memref_slice %arg14[%add3A_9, %dma_wait3A_40] : memref<10240x128xf32, #tpu.memory_space<vmem_shared>> -> memref<128x128xf32, #tpu.memory_space<vmem_shared>>
      tpu.wait_dma2 semaphore(%run_scoped3A : memref<!tpu.dma_semaphore, #tpu.memory_space<semaphore_mem>>) src(%arg13 : memref<128x128xf32, #tpu.memory_space<vmem>>) dst(%dma_wait3A_41 : memref<128x128xf32, #tpu.memory_space<vmem_shared>>)
      tpu.yield
    }) : () -> ()
    %mul3A_10 = arith.constant 640 : i32
    %mul3A_11 = arith.muli %arg1, %mul3A_10 : i32
    %add3A_12 = arith.constant 384 : i32
    %add3A_13 = arith.addi %mul3A_11, %add3A_12 : i32
    "tpu.region"() ({
      %run_scoped3A = tpu.sem_alloc : memref<!tpu.dma_semaphore, #tpu.memory_space<semaphore_mem>>
      %dma_start3A = arith.constant 0 : i32
      %dma_start3A_36 = tpu.memref_slice %arg14[%add3A_13, %dma_start3A] : memref<10240x128xf32, #tpu.memory_space<vmem_shared>> -> memref<128x128xf32, #tpu.memory_space<vmem_shared>>
      %dma_start3A_37 = arith.constant 0 : i32
      %dma_start3A_38 = tpu.memref_slice %arg14[%add3A_13, %dma_start3A_37] : memref<10240x128xf32, #tpu.memory_space<vmem_shared>> -> memref<128x128xf32, #tpu.memory_space<vmem_shared>>
      tpu.enqueue_dma source(%arg13 : memref<128x128xf32, #tpu.memory_space<vmem>>) target(%dma_start3A_38 : memref<128x128xf32, #tpu.memory_space<vmem_shared>>) target_semaphore(%run_scoped3A : memref<!tpu.dma_semaphore, #tpu.memory_space<semaphore_mem>>)
      %dma_wait3A = arith.constant 0 : i32
      %dma_wait3A_39 = tpu.memref_slice %arg14[%add3A_13, %dma_wait3A] : memref<10240x128xf32, #tpu.memory_space<vmem_shared>> -> memref<128x128xf32, #tpu.memory_space<vmem_shared>>
      %dma_wait3A_40 = arith.constant 0 : i32
      %dma_wait3A_41 = tpu.memref_slice %arg14[%add3A_13, %dma_wait3A_40] : memref<10240x128xf32, #tpu.memory_space<vmem_shared>> -> memref<128x128xf32, #tpu.memory_space<vmem_shared>>
      tpu.wait_dma2 semaphore(%run_scoped3A : memref<!tpu.dma_semaphore, #tpu.memory_space<semaphore_mem>>) src(%arg13 : memref<128x128xf32, #tpu.memory_space<vmem>>) dst(%dma_wait3A_41 : memref<128x128xf32, #tpu.memory_space<vmem_shared>>)
      tpu.yield
    }) : () -> ()
    %mul3A_14 = arith.constant 640 : i32
    %mul3A_15 = arith.muli %arg1, %mul3A_14 : i32
    %add3A_16 = arith.constant 512 : i32
    %add3A_17 = arith.addi %mul3A_15, %add3A_16 : i32
    "tpu.region"() ({
      %run_scoped3A = tpu.sem_alloc : memref<!tpu.dma_semaphore, #tpu.memory_space<semaphore_mem>>
      %dma_start3A = arith.constant 0 : i32
      %dma_start3A_36 = tpu.memref_slice %arg14[%add3A_17, %dma_start3A] : memref<10240x128xf32, #tpu.memory_space<vmem_shared>> -> memref<128x128xf32, #tpu.memory_space<vmem_shared>>
      %dma_start3A_37 = arith.constant 0 : i32
      %dma_start3A_38 = tpu.memref_slice %arg14[%add3A_17, %dma_start3A_37] : memref<10240x128xf32, #tpu.memory_space<vmem_shared>> -> memref<128x128xf32, #tpu.memory_space<vmem_shared>>
      tpu.enqueue_dma source(%arg13 : memref<128x128xf32, #tpu.memory_space<vmem>>) target(%dma_start3A_38 : memref<128x128xf32, #tpu.memory_space<vmem_shared>>) target_semaphore(%run_scoped3A : memref<!tpu.dma_semaphore, #tpu.memory_space<semaphore_mem>>)
      %dma_wait3A = arith.constant 0 : i32
      %dma_wait3A_39 = tpu.memref_slice %arg14[%add3A_17, %dma_wait3A] : memref<10240x128xf32, #tpu.memory_space<vmem_shared>> -> memref<128x128xf32, #tpu.memory_space<vmem_shared>>
      %dma_wait3A_40 = arith.constant 0 : i32
      %dma_wait3A_41 = tpu.memref_slice %arg14[%add3A_17, %dma_wait3A_40] : memref<10240x128xf32, #tpu.memory_space<vmem_shared>> -> memref<128x128xf32, #tpu.memory_space<vmem_shared>>
      tpu.wait_dma2 semaphore(%run_scoped3A : memref<!tpu.dma_semaphore, #tpu.memory_space<semaphore_mem>>) src(%arg13 : memref<128x128xf32, #tpu.memory_space<vmem>>) dst(%dma_wait3A_41 : memref<128x128xf32, #tpu.memory_space<vmem_shared>>)
      tpu.yield
    }) : () -> ()
    %barrier3A = arith.constant 0 : index
    tpu.barrier barrier_id(%barrier3A)
    %eq3A = arith.constant 0 : i32
    %eq3A_18 = arith.cmpi eq, %arg0, %eq3A : i32
    %convert_element_type3A = arith.extui %eq3A_18 : i1 to i32
    %cond3A = arith.constant 0 : i32
    %cond3A_19 = arith.cmpi ne, %convert_element_type3A, %cond3A : i32
    scf.if %cond3A_19 {
      %scan3A = arith.constant 0 : i32
      %scan3A_36 = arith.constant 80 : i32
      %scan3A_37 = arith.addi %scan3A, %scan3A_36 : i32
      %scan3A_38 = arith.constant 1 : i32
      scf.for %scan3A_40 = %scan3A to %scan3A_37 step %scan3A_38  : i32 {
        %mul3A_41 = arith.constant 1 : i32
        %mul3A_42 = arith.muli %scan3A_40, %mul3A_41 : i32
        %add3A_43 = arith.constant 0 : i32
        %add3A_44 = arith.addi %add3A_43, %mul3A_42 : i32
        %mul3A_45 = arith.constant 80 : i32
        %mul3A_46 = arith.muli %arg1, %mul3A_45 : i32
        %add3A_47 = arith.addi %mul3A_46, %add3A_44 : i32
        "tpu.region"() ({
          %run_scoped3A = tpu.sem_alloc : memref<!tpu.dma_semaphore, #tpu.memory_space<semaphore_mem>>
          %dma_start3A_52 = arith.constant 0 : i32
          %dma_start3A_53 = tpu.memref_slice %arg4[%add3A_47, %dma_start3A_52] : memref<1280x128xi32, #tpu.memory_space<hbm>> -> memref<1x128xi32, #tpu.memory_space<hbm>>
          %dma_start3A_54 = tpu.memref_squeeze %dma_start3A_53 : memref<1x128xi32, #tpu.memory_space<hbm>> -> memref<128xi32, #tpu.memory_space<hbm>>
          %dma_start3A_55 = arith.constant 0 : i32
          %dma_start3A_56 = tpu.memref_slice %arg4[%add3A_47, %dma_start3A_55] : memref<1280x128xi32, #tpu.memory_space<hbm>> -> memref<1x128xi32, #tpu.memory_space<hbm>>
          %dma_start3A_57 = tpu.memref_squeeze %dma_start3A_56 : memref<1x128xi32, #tpu.memory_space<hbm>> -> memref<128xi32, #tpu.memory_space<hbm>>
          tpu.enqueue_dma source(%dma_start3A_57 : memref<128xi32, #tpu.memory_space<hbm>>) target(%arg11 : memref<128xi32, #tpu.memory_space<vmem>>) target_semaphore(%run_scoped3A : memref<!tpu.dma_semaphore, #tpu.memory_space<semaphore_mem>>)
          %dma_wait3A_58 = arith.constant 0 : i32
          %dma_wait3A_59 = tpu.memref_slice %arg4[%add3A_47, %dma_wait3A_58] : memref<1280x128xi32, #tpu.memory_space<hbm>> -> memref<1x128xi32, #tpu.memory_space<hbm>>
          %dma_wait3A_60 = tpu.memref_squeeze %dma_wait3A_59 : memref<1x128xi32, #tpu.memory_space<hbm>> -> memref<128xi32, #tpu.memory_space<hbm>>
          %dma_wait3A_61 = arith.constant 0 : i32
          %dma_wait3A_62 = tpu.memref_slice %arg4[%add3A_47, %dma_wait3A_61] : memref<1280x128xi32, #tpu.memory_space<hbm>> -> memref<1x128xi32, #tpu.memory_space<hbm>>
          %dma_wait3A_63 = tpu.memref_squeeze %dma_wait3A_62 : memref<1x128xi32, #tpu.memory_space<hbm>> -> memref<128xi32, #tpu.memory_space<hbm>>
          tpu.wait_dma2 semaphore(%run_scoped3A : memref<!tpu.dma_semaphore, #tpu.memory_space<semaphore_mem>>) src(%dma_wait3A_63 : memref<128xi32, #tpu.memory_space<hbm>>) dst(%arg11 : memref<128xi32, #tpu.memory_space<vmem>>)
          tpu.yield
        }) : () -> ()
        "tpu.region"() ({
          %run_scoped3A = tpu.sem_alloc : memref<!tpu.dma_semaphore, #tpu.memory_space<semaphore_mem>>
          %dma_start3A_52 = arith.constant 0 : i32
          %dma_start3A_53 = tpu.memref_slice %arg5[%add3A_47, %dma_start3A_52] : memref<1280x128xi32, #tpu.memory_space<hbm>> -> memref<1x128xi32, #tpu.memory_space<hbm>>
          %dma_start3A_54 = tpu.memref_squeeze %dma_start3A_53 : memref<1x128xi32, #tpu.memory_space<hbm>> -> memref<128xi32, #tpu.memory_space<hbm>>
          %dma_start3A_55 = arith.constant 0 : i32
          %dma_start3A_56 = tpu.memref_slice %arg5[%add3A_47, %dma_start3A_55] : memref<1280x128xi32, #tpu.memory_space<hbm>> -> memref<1x128xi32, #tpu.memory_space<hbm>>
          %dma_start3A_57 = tpu.memref_squeeze %dma_start3A_56 : memref<1x128xi32, #tpu.memory_space<hbm>> -> memref<128xi32, #tpu.memory_space<hbm>>
          tpu.enqueue_dma source(%dma_start3A_57 : memref<128xi32, #tpu.memory_space<hbm>>) target(%arg12 : memref<128xi32, #tpu.memory_space<vmem>>) target_semaphore(%run_scoped3A : memref<!tpu.dma_semaphore, #tpu.memory_space<semaphore_mem>>)
          %dma_wait3A_58 = arith.constant 0 : i32
          %dma_wait3A_59 = tpu.memref_slice %arg5[%add3A_47, %dma_wait3A_58] : memref<1280x128xi32, #tpu.memory_space<hbm>> -> memref<1x128xi32, #tpu.memory_space<hbm>>
          %dma_wait3A_60 = tpu.memref_squeeze %dma_wait3A_59 : memref<1x128xi32, #tpu.memory_space<hbm>> -> memref<128xi32, #tpu.memory_space<hbm>>
          %dma_wait3A_61 = arith.constant 0 : i32
          %dma_wait3A_62 = tpu.memref_slice %arg5[%add3A_47, %dma_wait3A_61] : memref<1280x128xi32, #tpu.memory_space<hbm>> -> memref<1x128xi32, #tpu.memory_space<hbm>>
          %dma_wait3A_63 = tpu.memref_squeeze %dma_wait3A_62 : memref<1x128xi32, #tpu.memory_space<hbm>> -> memref<128xi32, #tpu.memory_space<hbm>>
          tpu.wait_dma2 semaphore(%run_scoped3A : memref<!tpu.dma_semaphore, #tpu.memory_space<semaphore_mem>>) src(%dma_wait3A_63 : memref<128xi32, #tpu.memory_space<hbm>>) dst(%arg12 : memref<128xi32, #tpu.memory_space<vmem>>)
          tpu.yield
        }) : () -> ()
        %dma_start3A = arith.constant 0 : i32
        %dma_start3A_48 = arith.constant 0 : i32
        %dma_start3A_49 = tpu.memref_slice %arg2[%dma_start3A, %dma_start3A_48] : memref<10000x128xf32, #tpu.memory_space<hbm>> -> memref<10000x128xf32, #tpu.memory_space<hbm>>
        tpu.enqueue_indirect_dma source(%dma_start3A_49 : memref<10000x128xf32, #tpu.memory_space<hbm>>) target(%arg13 : memref<128x128xf32, #tpu.memory_space<vmem>>) offsets(%arg11 : memref<128xi32, #tpu.memory_space<vmem>>) semaphore(%arg15 : memref<!tpu.dma_semaphore, #tpu.memory_space<semaphore_mem>>)
        %dma_wait3A = arith.constant 0 : i32
        %dma_wait3A_50 = arith.constant 0 : i32
        %dma_wait3A_51 = tpu.memref_slice %arg2[%dma_wait3A, %dma_wait3A_50] : memref<10000x128xf32, #tpu.memory_space<hbm>> -> memref<10000x128xf32, #tpu.memory_space<hbm>>
        tpu.wait_indirect_dma semaphore(%arg15 : memref<!tpu.dma_semaphore, #tpu.memory_space<semaphore_mem>>) src(%dma_wait3A_51 : memref<10000x128xf32, #tpu.memory_space<hbm>>) dst(%arg13 : memref<128x128xf32, #tpu.memory_space<vmem>>)
        "tpu.region"() ({
          %run_scoped3A = tpu.sem_alloc : memref<!tpu.dma_semaphore, #tpu.memory_space<semaphore_mem>>
          %dma_start3A_52 = arith.constant 0 : i32
          %dma_start3A_53 = arith.constant 0 : i32
          %dma_start3A_54 = tpu.memref_slice %arg14[%dma_start3A_52, %dma_start3A_53] : memref<10240x128xf32, #tpu.memory_space<vmem_shared>> -> memref<10240x128xf32, #tpu.memory_space<vmem_shared>>
          tpu.enqueue_indirect_dma source(%arg13 : memref<128x128xf32, #tpu.memory_space<vmem>>) target(%dma_start3A_54 : memref<10240x128xf32, #tpu.memory_space<vmem_shared>>) offsets(%arg12 : memref<128xi32, #tpu.memory_space<vmem>>) semaphore(%run_scoped3A : memref<!tpu.dma_semaphore, #tpu.memory_space<semaphore_mem>>) {add = true}
          %dma_wait3A_55 = arith.constant 0 : i32
          %dma_wait3A_56 = arith.constant 0 : i32
          %dma_wait3A_57 = tpu.memref_slice %arg14[%dma_wait3A_55, %dma_wait3A_56] : memref<10240x128xf32, #tpu.memory_space<vmem_shared>> -> memref<10240x128xf32, #tpu.memory_space<vmem_shared>>
          tpu.wait_indirect_dma semaphore(%run_scoped3A : memref<!tpu.dma_semaphore, #tpu.memory_space<semaphore_mem>>) src(%arg13 : memref<128x128xf32, #tpu.memory_space<vmem>>) dst(%dma_wait3A_57 : memref<10240x128xf32, #tpu.memory_space<vmem_shared>>)
          tpu.yield
        }) : () -> ()
      }
      %scan3A_39 = arith.constant 80 : i32
    } else {
    }
    %eq3A_20 = arith.constant 1 : i32
    %eq3A_21 = arith.cmpi eq, %arg0, %eq3A_20 : i32
    %convert_element_type3A_22 = arith.extui %eq3A_21 : i1 to i32
    %cond3A_23 = arith.constant 0 : i32
    %cond3A_24 = arith.cmpi ne, %convert_element_type3A_22, %cond3A_23 : i32
    scf.if %cond3A_24 {
      %scan3A = arith.constant 0 : i32
      %scan3A_36 = arith.constant 80 : i32
      %scan3A_37 = arith.addi %scan3A, %scan3A_36 : i32
      %scan3A_38 = arith.constant 1 : i32
      scf.for %scan3A_40 = %scan3A to %scan3A_37 step %scan3A_38  : i32 {
        %mul3A_41 = arith.constant 1 : i32
        %mul3A_42 = arith.muli %scan3A_40, %mul3A_41 : i32
        %add3A_43 = arith.constant 0 : i32
        %add3A_44 = arith.addi %add3A_43, %mul3A_42 : i32
        %mul3A_45 = arith.constant 80 : i32
        %mul3A_46 = arith.muli %arg1, %mul3A_45 : i32
        %add3A_47 = arith.addi %mul3A_46, %add3A_44 : i32
        "tpu.region"() ({
          %run_scoped3A = tpu.sem_alloc : memref<!tpu.dma_semaphore, #tpu.memory_space<semaphore_mem>>
          %dma_start3A_52 = arith.constant 0 : i32
          %dma_start3A_53 = tpu.memref_slice %arg6[%add3A_47, %dma_start3A_52] : memref<1280x128xi32, #tpu.memory_space<hbm>> -> memref<1x128xi32, #tpu.memory_space<hbm>>
          %dma_start3A_54 = tpu.memref_squeeze %dma_start3A_53 : memref<1x128xi32, #tpu.memory_space<hbm>> -> memref<128xi32, #tpu.memory_space<hbm>>
          %dma_start3A_55 = arith.constant 0 : i32
          %dma_start3A_56 = tpu.memref_slice %arg6[%add3A_47, %dma_start3A_55] : memref<1280x128xi32, #tpu.memory_space<hbm>> -> memref<1x128xi32, #tpu.memory_space<hbm>>
          %dma_start3A_57 = tpu.memref_squeeze %dma_start3A_56 : memref<1x128xi32, #tpu.memory_space<hbm>> -> memref<128xi32, #tpu.memory_space<hbm>>
          tpu.enqueue_dma source(%dma_start3A_57 : memref<128xi32, #tpu.memory_space<hbm>>) target(%arg11 : memref<128xi32, #tpu.memory_space<vmem>>) target_semaphore(%run_scoped3A : memref<!tpu.dma_semaphore, #tpu.memory_space<semaphore_mem>>)
          %dma_wait3A_58 = arith.constant 0 : i32
          %dma_wait3A_59 = tpu.memref_slice %arg6[%add3A_47, %dma_wait3A_58] : memref<1280x128xi32, #tpu.memory_space<hbm>> -> memref<1x128xi32, #tpu.memory_space<hbm>>
          %dma_wait3A_60 = tpu.memref_squeeze %dma_wait3A_59 : memref<1x128xi32, #tpu.memory_space<hbm>> -> memref<128xi32, #tpu.memory_space<hbm>>
          %dma_wait3A_61 = arith.constant 0 : i32
          %dma_wait3A_62 = tpu.memref_slice %arg6[%add3A_47, %dma_wait3A_61] : memref<1280x128xi32, #tpu.memory_space<hbm>> -> memref<1x128xi32, #tpu.memory_space<hbm>>
          %dma_wait3A_63 = tpu.memref_squeeze %dma_wait3A_62 : memref<1x128xi32, #tpu.memory_space<hbm>> -> memref<128xi32, #tpu.memory_space<hbm>>
          tpu.wait_dma2 semaphore(%run_scoped3A : memref<!tpu.dma_semaphore, #tpu.memory_space<semaphore_mem>>) src(%dma_wait3A_63 : memref<128xi32, #tpu.memory_space<hbm>>) dst(%arg11 : memref<128xi32, #tpu.memory_space<vmem>>)
          tpu.yield
        }) : () -> ()
        "tpu.region"() ({
          %run_scoped3A = tpu.sem_alloc : memref<!tpu.dma_semaphore, #tpu.memory_space<semaphore_mem>>
          %dma_start3A_52 = arith.constant 0 : i32
          %dma_start3A_53 = tpu.memref_slice %arg7[%add3A_47, %dma_start3A_52] : memref<1280x128xi32, #tpu.memory_space<hbm>> -> memref<1x128xi32, #tpu.memory_space<hbm>>
          %dma_start3A_54 = tpu.memref_squeeze %dma_start3A_53 : memref<1x128xi32, #tpu.memory_space<hbm>> -> memref<128xi32, #tpu.memory_space<hbm>>
          %dma_start3A_55 = arith.constant 0 : i32
          %dma_start3A_56 = tpu.memref_slice %arg7[%add3A_47, %dma_start3A_55] : memref<1280x128xi32, #tpu.memory_space<hbm>> -> memref<1x128xi32, #tpu.memory_space<hbm>>
          %dma_start3A_57 = tpu.memref_squeeze %dma_start3A_56 : memref<1x128xi32, #tpu.memory_space<hbm>> -> memref<128xi32, #tpu.memory_space<hbm>>
          tpu.enqueue_dma source(%dma_start3A_57 : memref<128xi32, #tpu.memory_space<hbm>>) target(%arg12 : memref<128xi32, #tpu.memory_space<vmem>>) target_semaphore(%run_scoped3A : memref<!tpu.dma_semaphore, #tpu.memory_space<semaphore_mem>>)
          %dma_wait3A_58 = arith.constant 0 : i32
          %dma_wait3A_59 = tpu.memref_slice %arg7[%add3A_47, %dma_wait3A_58] : memref<1280x128xi32, #tpu.memory_space<hbm>> -> memref<1x128xi32, #tpu.memory_space<hbm>>
          %dma_wait3A_60 = tpu.memref_squeeze %dma_wait3A_59 : memref<1x128xi32, #tpu.memory_space<hbm>> -> memref<128xi32, #tpu.memory_space<hbm>>
          %dma_wait3A_61 = arith.constant 0 : i32
          %dma_wait3A_62 = tpu.memref_slice %arg7[%add3A_47, %dma_wait3A_61] : memref<1280x128xi32, #tpu.memory_space<hbm>> -> memref<1x128xi32, #tpu.memory_space<hbm>>
          %dma_wait3A_63 = tpu.memref_squeeze %dma_wait3A_62 : memref<1x128xi32, #tpu.memory_space<hbm>> -> memref<128xi32, #tpu.memory_space<hbm>>
          tpu.wait_dma2 semaphore(%run_scoped3A : memref<!tpu.dma_semaphore, #tpu.memory_space<semaphore_mem>>) src(%dma_wait3A_63 : memref<128xi32, #tpu.memory_space<hbm>>) dst(%arg12 : memref<128xi32, #tpu.memory_space<vmem>>)
          tpu.yield
        }) : () -> ()
        %dma_start3A = arith.constant 0 : i32
        %dma_start3A_48 = arith.constant 0 : i32
        %dma_start3A_49 = tpu.memref_slice %arg3[%dma_start3A, %dma_start3A_48] : memref<10000x128xf32, #tpu.memory_space<hbm>> -> memref<10000x128xf32, #tpu.memory_space<hbm>>
        tpu.enqueue_indirect_dma source(%dma_start3A_49 : memref<10000x128xf32, #tpu.memory_space<hbm>>) target(%arg13 : memref<128x128xf32, #tpu.memory_space<vmem>>) offsets(%arg11 : memref<128xi32, #tpu.memory_space<vmem>>) semaphore(%arg15 : memref<!tpu.dma_semaphore, #tpu.memory_space<semaphore_mem>>)
        %dma_wait3A = arith.constant 0 : i32
        %dma_wait3A_50 = arith.constant 0 : i32
        %dma_wait3A_51 = tpu.memref_slice %arg3[%dma_wait3A, %dma_wait3A_50] : memref<10000x128xf32, #tpu.memory_space<hbm>> -> memref<10000x128xf32, #tpu.memory_space<hbm>>
        tpu.wait_indirect_dma semaphore(%arg15 : memref<!tpu.dma_semaphore, #tpu.memory_space<semaphore_mem>>) src(%dma_wait3A_51 : memref<10000x128xf32, #tpu.memory_space<hbm>>) dst(%arg13 : memref<128x128xf32, #tpu.memory_space<vmem>>)
        "tpu.region"() ({
          %run_scoped3A = tpu.sem_alloc : memref<!tpu.dma_semaphore, #tpu.memory_space<semaphore_mem>>
          %dma_start3A_52 = arith.constant 0 : i32
          %dma_start3A_53 = arith.constant 0 : i32
          %dma_start3A_54 = tpu.memref_slice %arg14[%dma_start3A_52, %dma_start3A_53] : memref<10240x128xf32, #tpu.memory_space<vmem_shared>> -> memref<10240x128xf32, #tpu.memory_space<vmem_shared>>
          tpu.enqueue_indirect_dma source(%arg13 : memref<128x128xf32, #tpu.memory_space<vmem>>) target(%dma_start3A_54 : memref<10240x128xf32, #tpu.memory_space<vmem_shared>>) offsets(%arg12 : memref<128xi32, #tpu.memory_space<vmem>>) semaphore(%run_scoped3A : memref<!tpu.dma_semaphore, #tpu.memory_space<semaphore_mem>>) {add = true}
          %dma_wait3A_55 = arith.constant 0 : i32
          %dma_wait3A_56 = arith.constant 0 : i32
          %dma_wait3A_57 = tpu.memref_slice %arg14[%dma_wait3A_55, %dma_wait3A_56] : memref<10240x128xf32, #tpu.memory_space<vmem_shared>> -> memref<10240x128xf32, #tpu.memory_space<vmem_shared>>
          tpu.wait_indirect_dma semaphore(%run_scoped3A : memref<!tpu.dma_semaphore, #tpu.memory_space<semaphore_mem>>) src(%arg13 : memref<128x128xf32, #tpu.memory_space<vmem>>) dst(%dma_wait3A_57 : memref<10240x128xf32, #tpu.memory_space<vmem_shared>>)
          tpu.yield
        }) : () -> ()
      }
      %scan3A_39 = arith.constant 80 : i32
    } else {
    }
    %barrier3A_25 = arith.constant 0 : index
    tpu.barrier barrier_id(%barrier3A_25)
    %eq3A_26 = arith.constant 0 : i32
    %eq3A_27 = arith.cmpi eq, %arg0, %eq3A_26 : i32
    %convert_element_type3A_28 = arith.extui %eq3A_27 : i1 to i32
    %cond3A_29 = arith.constant 0 : i32
    %cond3A_30 = arith.cmpi ne, %convert_element_type3A_28, %cond3A_29 : i32
    scf.if %cond3A_30 {
      %mul3A_36 = arith.constant 640 : i32
      %mul3A_37 = arith.muli %arg1, %mul3A_36 : i32
      %add3A_38 = arith.constant 0 : i32
      %add3A_39 = arith.addi %mul3A_37, %add3A_38 : i32
      "tpu.region"() ({
        %run_scoped3A = tpu.sem_alloc : memref<!tpu.dma_semaphore, #tpu.memory_space<semaphore_mem>>
        %dma_start3A = arith.constant 0 : i32
        %dma_start3A_56 = tpu.memref_slice %arg14[%add3A_39, %dma_start3A] : memref<10240x128xf32, #tpu.memory_space<vmem_shared>> -> memref<128x128xf32, #tpu.memory_space<vmem_shared>>
        %dma_start3A_57 = arith.constant 0 : i32
        %dma_start3A_58 = tpu.memref_slice %arg14[%add3A_39, %dma_start3A_57] : memref<10240x128xf32, #tpu.memory_space<vmem_shared>> -> memref<128x128xf32, #tpu.memory_space<vmem_shared>>
        tpu.enqueue_dma source(%dma_start3A_58 : memref<128x128xf32, #tpu.memory_space<vmem_shared>>) target(%arg13 : memref<128x128xf32, #tpu.memory_space<vmem>>) target_semaphore(%run_scoped3A : memref<!tpu.dma_semaphore, #tpu.memory_space<semaphore_mem>>)
        %dma_wait3A = arith.constant 0 : i32
        %dma_wait3A_59 = tpu.memref_slice %arg14[%add3A_39, %dma_wait3A] : memref<10240x128xf32, #tpu.memory_space<vmem_shared>> -> memref<128x128xf32, #tpu.memory_space<vmem_shared>>
        %dma_wait3A_60 = arith.constant 0 : i32
        %dma_wait3A_61 = tpu.memref_slice %arg14[%add3A_39, %dma_wait3A_60] : memref<10240x128xf32, #tpu.memory_space<vmem_shared>> -> memref<128x128xf32, #tpu.memory_space<vmem_shared>>
        tpu.wait_dma2 semaphore(%run_scoped3A : memref<!tpu.dma_semaphore, #tpu.memory_space<semaphore_mem>>) src(%dma_wait3A_61 : memref<128x128xf32, #tpu.memory_space<vmem_shared>>) dst(%arg13 : memref<128x128xf32, #tpu.memory_space<vmem>>)
        tpu.yield
      }) : () -> ()
      "tpu.region"() ({
        %run_scoped3A = tpu.sem_alloc : memref<!tpu.dma_semaphore, #tpu.memory_space<semaphore_mem>>
        %dma_start3A = arith.constant 0 : i32
        %dma_start3A_56 = tpu.memref_slice %arg9[%add3A_39, %dma_start3A] : memref<10240x128xf32, #tpu.memory_space<hbm>> -> memref<128x128xf32, #tpu.memory_space<hbm>>
        %dma_start3A_57 = arith.constant 0 : i32
        %dma_start3A_58 = tpu.memref_slice %arg9[%add3A_39, %dma_start3A_57] : memref<10240x128xf32, #tpu.memory_space<hbm>> -> memref<128x128xf32, #tpu.memory_space<hbm>>
        tpu.enqueue_dma source(%arg13 : memref<128x128xf32, #tpu.memory_space<vmem>>) target(%dma_start3A_58 : memref<128x128xf32, #tpu.memory_space<hbm>>) target_semaphore(%run_scoped3A : memref<!tpu.dma_semaphore, #tpu.memory_space<semaphore_mem>>)
        %dma_wait3A = arith.constant 0 : i32
        %dma_wait3A_59 = tpu.memref_slice %arg9[%add3A_39, %dma_wait3A] : memref<10240x128xf32, #tpu.memory_space<hbm>> -> memref<128x128xf32, #tpu.memory_space<hbm>>
        %dma_wait3A_60 = arith.constant 0 : i32
        %dma_wait3A_61 = tpu.memref_slice %arg9[%add3A_39, %dma_wait3A_60] : memref<10240x128xf32, #tpu.memory_space<hbm>> -> memref<128x128xf32, #tpu.memory_space<hbm>>
        tpu.wait_dma2 semaphore(%run_scoped3A : memref<!tpu.dma_semaphore, #tpu.memory_space<semaphore_mem>>) src(%arg13 : memref<128x128xf32, #tpu.memory_space<vmem>>) dst(%dma_wait3A_61 : memref<128x128xf32, #tpu.memory_space<hbm>>)
        tpu.yield
      }) : () -> ()
      %mul3A_40 = arith.constant 640 : i32
      %mul3A_41 = arith.muli %arg1, %mul3A_40 : i32
      %add3A_42 = arith.constant 128 : i32
      %add3A_43 = arith.addi %mul3A_41, %add3A_42 : i32
      "tpu.region"() ({
        %run_scoped3A = tpu.sem_alloc : memref<!tpu.dma_semaphore, #tpu.memory_space<semaphore_mem>>
        %dma_start3A = arith.constant 0 : i32
        %dma_start3A_56 = tpu.memref_slice %arg14[%add3A_43, %dma_start3A] : memref<10240x128xf32, #tpu.memory_space<vmem_shared>> -> memref<128x128xf32, #tpu.memory_space<vmem_shared>>
        %dma_start3A_57 = arith.constant 0 : i32
        %dma_start3A_58 = tpu.memref_slice %arg14[%add3A_43, %dma_start3A_57] : memref<10240x128xf32, #tpu.memory_space<vmem_shared>> -> memref<128x128xf32, #tpu.memory_space<vmem_shared>>
        tpu.enqueue_dma source(%dma_start3A_58 : memref<128x128xf32, #tpu.memory_space<vmem_shared>>) target(%arg13 : memref<128x128xf32, #tpu.memory_space<vmem>>) target_semaphore(%run_scoped3A : memref<!tpu.dma_semaphore, #tpu.memory_space<semaphore_mem>>)
        %dma_wait3A = arith.constant 0 : i32
        %dma_wait3A_59 = tpu.memref_slice %arg14[%add3A_43, %dma_wait3A] : memref<10240x128xf32, #tpu.memory_space<vmem_shared>> -> memref<128x128xf32, #tpu.memory_space<vmem_shared>>
        %dma_wait3A_60 = arith.constant 0 : i32
        %dma_wait3A_61 = tpu.memref_slice %arg14[%add3A_43, %dma_wait3A_60] : memref<10240x128xf32, #tpu.memory_space<vmem_shared>> -> memref<128x128xf32, #tpu.memory_space<vmem_shared>>
        tpu.wait_dma2 semaphore(%run_scoped3A : memref<!tpu.dma_semaphore, #tpu.memory_space<semaphore_mem>>) src(%dma_wait3A_61 : memref<128x128xf32, #tpu.memory_space<vmem_shared>>) dst(%arg13 : memref<128x128xf32, #tpu.memory_space<vmem>>)
        tpu.yield
      }) : () -> ()
      "tpu.region"() ({
        %run_scoped3A = tpu.sem_alloc : memref<!tpu.dma_semaphore, #tpu.memory_space<semaphore_mem>>
        %dma_start3A = arith.constant 0 : i32
        %dma_start3A_56 = tpu.memref_slice %arg9[%add3A_43, %dma_start3A] : memref<10240x128xf32, #tpu.memory_space<hbm>> -> memref<128x128xf32, #tpu.memory_space<hbm>>
        %dma_start3A_57 = arith.constant 0 : i32
        %dma_start3A_58 = tpu.memref_slice %arg9[%add3A_43, %dma_start3A_57] : memref<10240x128xf32, #tpu.memory_space<hbm>> -> memref<128x128xf32, #tpu.memory_space<hbm>>
        tpu.enqueue_dma source(%arg13 : memref<128x128xf32, #tpu.memory_space<vmem>>) target(%dma_start3A_58 : memref<128x128xf32, #tpu.memory_space<hbm>>) target_semaphore(%run_scoped3A : memref<!tpu.dma_semaphore, #tpu.memory_space<semaphore_mem>>)
        %dma_wait3A = arith.constant 0 : i32
        %dma_wait3A_59 = tpu.memref_slice %arg9[%add3A_43, %dma_wait3A] : memref<10240x128xf32, #tpu.memory_space<hbm>> -> memref<128x128xf32, #tpu.memory_space<hbm>>
        %dma_wait3A_60 = arith.constant 0 : i32
        %dma_wait3A_61 = tpu.memref_slice %arg9[%add3A_43, %dma_wait3A_60] : memref<10240x128xf32, #tpu.memory_space<hbm>> -> memref<128x128xf32, #tpu.memory_space<hbm>>
        tpu.wait_dma2 semaphore(%run_scoped3A : memref<!tpu.dma_semaphore, #tpu.memory_space<semaphore_mem>>) src(%arg13 : memref<128x128xf32, #tpu.memory_space<vmem>>) dst(%dma_wait3A_61 : memref<128x128xf32, #tpu.memory_space<hbm>>)
        tpu.yield
      }) : () -> ()
      %mul3A_44 = arith.constant 640 : i32
      %mul3A_45 = arith.muli %arg1, %mul3A_44 : i32
      %add3A_46 = arith.constant 256 : i32
      %add3A_47 = arith.addi %mul3A_45, %add3A_46 : i32
      "tpu.region"() ({
        %run_scoped3A = tpu.sem_alloc : memref<!tpu.dma_semaphore, #tpu.memory_space<semaphore_mem>>
        %dma_start3A = arith.constant 0 : i32
        %dma_start3A_56 = tpu.memref_slice %arg14[%add3A_47, %dma_start3A] : memref<10240x128xf32, #tpu.memory_space<vmem_shared>> -> memref<128x128xf32, #tpu.memory_space<vmem_shared>>
        %dma_start3A_57 = arith.constant 0 : i32
        %dma_start3A_58 = tpu.memref_slice %arg14[%add3A_47, %dma_start3A_57] : memref<10240x128xf32, #tpu.memory_space<vmem_shared>> -> memref<128x128xf32, #tpu.memory_space<vmem_shared>>
        tpu.enqueue_dma source(%dma_start3A_58 : memref<128x128xf32, #tpu.memory_space<vmem_shared>>) target(%arg13 : memref<128x128xf32, #tpu.memory_space<vmem>>) target_semaphore(%run_scoped3A : memref<!tpu.dma_semaphore, #tpu.memory_space<semaphore_mem>>)
        %dma_wait3A = arith.constant 0 : i32
        %dma_wait3A_59 = tpu.memref_slice %arg14[%add3A_47, %dma_wait3A] : memref<10240x128xf32, #tpu.memory_space<vmem_shared>> -> memref<128x128xf32, #tpu.memory_space<vmem_shared>>
        %dma_wait3A_60 = arith.constant 0 : i32
        %dma_wait3A_61 = tpu.memref_slice %arg14[%add3A_47, %dma_wait3A_60] : memref<10240x128xf32, #tpu.memory_space<vmem_shared>> -> memref<128x128xf32, #tpu.memory_space<vmem_shared>>
        tpu.wait_dma2 semaphore(%run_scoped3A : memref<!tpu.dma_semaphore, #tpu.memory_space<semaphore_mem>>) src(%dma_wait3A_61 : memref<128x128xf32, #tpu.memory_space<vmem_shared>>) dst(%arg13 : memref<128x128xf32, #tpu.memory_space<vmem>>)
        tpu.yield
      }) : () -> ()
      "tpu.region"() ({
        %run_scoped3A = tpu.sem_alloc : memref<!tpu.dma_semaphore, #tpu.memory_space<semaphore_mem>>
        %dma_start3A = arith.constant 0 : i32
        %dma_start3A_56 = tpu.memref_slice %arg9[%add3A_47, %dma_start3A] : memref<10240x128xf32, #tpu.memory_space<hbm>> -> memref<128x128xf32, #tpu.memory_space<hbm>>
        %dma_start3A_57 = arith.constant 0 : i32
        %dma_start3A_58 = tpu.memref_slice %arg9[%add3A_47, %dma_start3A_57] : memref<10240x128xf32, #tpu.memory_space<hbm>> -> memref<128x128xf32, #tpu.memory_space<hbm>>
        tpu.enqueue_dma source(%arg13 : memref<128x128xf32, #tpu.memory_space<vmem>>) target(%dma_start3A_58 : memref<128x128xf32, #tpu.memory_space<hbm>>) target_semaphore(%run_scoped3A : memref<!tpu.dma_semaphore, #tpu.memory_space<semaphore_mem>>)
        %dma_wait3A = arith.constant 0 : i32
        %dma_wait3A_59 = tpu.memref_slice %arg9[%add3A_47, %dma_wait3A] : memref<10240x128xf32, #tpu.memory_space<hbm>> -> memref<128x128xf32, #tpu.memory_space<hbm>>
        %dma_wait3A_60 = arith.constant 0 : i32
        %dma_wait3A_61 = tpu.memref_slice %arg9[%add3A_47, %dma_wait3A_60] : memref<10240x128xf32, #tpu.memory_space<hbm>> -> memref<128x128xf32, #tpu.memory_space<hbm>>
        tpu.wait_dma2 semaphore(%run_scoped3A : memref<!tpu.dma_semaphore, #tpu.memory_space<semaphore_mem>>) src(%arg13 : memref<128x128xf32, #tpu.memory_space<vmem>>) dst(%dma_wait3A_61 : memref<128x128xf32, #tpu.memory_space<hbm>>)
        tpu.yield
      }) : () -> ()
      %mul3A_48 = arith.constant 640 : i32
      %mul3A_49 = arith.muli %arg1, %mul3A_48 : i32
      %add3A_50 = arith.constant 384 : i32
      %add3A_51 = arith.addi %mul3A_49, %add3A_50 : i32
      "tpu.region"() ({
        %run_scoped3A = tpu.sem_alloc : memref<!tpu.dma_semaphore, #tpu.memory_space<semaphore_mem>>
        %dma_start3A = arith.constant 0 : i32
        %dma_start3A_56 = tpu.memref_slice %arg14[%add3A_51, %dma_start3A] : memref<10240x128xf32, #tpu.memory_space<vmem_shared>> -> memref<128x128xf32, #tpu.memory_space<vmem_shared>>
        %dma_start3A_57 = arith.constant 0 : i32
        %dma_start3A_58 = tpu.memref_slice %arg14[%add3A_51, %dma_start3A_57] : memref<10240x128xf32, #tpu.memory_space<vmem_shared>> -> memref<128x128xf32, #tpu.memory_space<vmem_shared>>
        tpu.enqueue_dma source(%dma_start3A_58 : memref<128x128xf32, #tpu.memory_space<vmem_shared>>) target(%arg13 : memref<128x128xf32, #tpu.memory_space<vmem>>) target_semaphore(%run_scoped3A : memref<!tpu.dma_semaphore, #tpu.memory_space<semaphore_mem>>)
        %dma_wait3A = arith.constant 0 : i32
        %dma_wait3A_59 = tpu.memref_slice %arg14[%add3A_51, %dma_wait3A] : memref<10240x128xf32, #tpu.memory_space<vmem_shared>> -> memref<128x128xf32, #tpu.memory_space<vmem_shared>>
        %dma_wait3A_60 = arith.constant 0 : i32
        %dma_wait3A_61 = tpu.memref_slice %arg14[%add3A_51, %dma_wait3A_60] : memref<10240x128xf32, #tpu.memory_space<vmem_shared>> -> memref<128x128xf32, #tpu.memory_space<vmem_shared>>
        tpu.wait_dma2 semaphore(%run_scoped3A : memref<!tpu.dma_semaphore, #tpu.memory_space<semaphore_mem>>) src(%dma_wait3A_61 : memref<128x128xf32, #tpu.memory_space<vmem_shared>>) dst(%arg13 : memref<128x128xf32, #tpu.memory_space<vmem>>)
        tpu.yield
      }) : () -> ()
      "tpu.region"() ({
        %run_scoped3A = tpu.sem_alloc : memref<!tpu.dma_semaphore, #tpu.memory_space<semaphore_mem>>
        %dma_start3A = arith.constant 0 : i32
        %dma_start3A_56 = tpu.memref_slice %arg9[%add3A_51, %dma_start3A] : memref<10240x128xf32, #tpu.memory_space<hbm>> -> memref<128x128xf32, #tpu.memory_space<hbm>>
        %dma_start3A_57 = arith.constant 0 : i32
        %dma_start3A_58 = tpu.memref_slice %arg9[%add3A_51, %dma_start3A_57] : memref<10240x128xf32, #tpu.memory_space<hbm>> -> memref<128x128xf32, #tpu.memory_space<hbm>>
        tpu.enqueue_dma source(%arg13 : memref<128x128xf32, #tpu.memory_space<vmem>>) target(%dma_start3A_58 : memref<128x128xf32, #tpu.memory_space<hbm>>) target_semaphore(%run_scoped3A : memref<!tpu.dma_semaphore, #tpu.memory_space<semaphore_mem>>)
        %dma_wait3A = arith.constant 0 : i32
        %dma_wait3A_59 = tpu.memref_slice %arg9[%add3A_51, %dma_wait3A] : memref<10240x128xf32, #tpu.memory_space<hbm>> -> memref<128x128xf32, #tpu.memory_space<hbm>>
        %dma_wait3A_60 = arith.constant 0 : i32
        %dma_wait3A_61 = tpu.memref_slice %arg9[%add3A_51, %dma_wait3A_60] : memref<10240x128xf32, #tpu.memory_space<hbm>> -> memref<128x128xf32, #tpu.memory_space<hbm>>
        tpu.wait_dma2 semaphore(%run_scoped3A : memref<!tpu.dma_semaphore, #tpu.memory_space<semaphore_mem>>) src(%arg13 : memref<128x128xf32, #tpu.memory_space<vmem>>) dst(%dma_wait3A_61 : memref<128x128xf32, #tpu.memory_space<hbm>>)
        tpu.yield
      }) : () -> ()
      %mul3A_52 = arith.constant 640 : i32
      %mul3A_53 = arith.muli %arg1, %mul3A_52 : i32
      %add3A_54 = arith.constant 512 : i32
      %add3A_55 = arith.addi %mul3A_53, %add3A_54 : i32
      "tpu.region"() ({
        %run_scoped3A = tpu.sem_alloc : memref<!tpu.dma_semaphore, #tpu.memory_space<semaphore_mem>>
        %dma_start3A = arith.constant 0 : i32
        %dma_start3A_56 = tpu.memref_slice %arg14[%add3A_55, %dma_start3A] : memref<10240x128xf32, #tpu.memory_space<vmem_shared>> -> memref<128x128xf32, #tpu.memory_space<vmem_shared>>
        %dma_start3A_57 = arith.constant 0 : i32
        %dma_start3A_58 = tpu.memref_slice %arg14[%add3A_55, %dma_start3A_57] : memref<10240x128xf32, #tpu.memory_space<vmem_shared>> -> memref<128x128xf32, #tpu.memory_space<vmem_shared>>
        tpu.enqueue_dma source(%dma_start3A_58 : memref<128x128xf32, #tpu.memory_space<vmem_shared>>) target(%arg13 : memref<128x128xf32, #tpu.memory_space<vmem>>) target_semaphore(%run_scoped3A : memref<!tpu.dma_semaphore, #tpu.memory_space<semaphore_mem>>)
        %dma_wait3A = arith.constant 0 : i32
        %dma_wait3A_59 = tpu.memref_slice %arg14[%add3A_55, %dma_wait3A] : memref<10240x128xf32, #tpu.memory_space<vmem_shared>> -> memref<128x128xf32, #tpu.memory_space<vmem_shared>>
        %dma_wait3A_60 = arith.constant 0 : i32
        %dma_wait3A_61 = tpu.memref_slice %arg14[%add3A_55, %dma_wait3A_60] : memref<10240x128xf32, #tpu.memory_space<vmem_shared>> -> memref<128x128xf32, #tpu.memory_space<vmem_shared>>
        tpu.wait_dma2 semaphore(%run_scoped3A : memref<!tpu.dma_semaphore, #tpu.memory_space<semaphore_mem>>) src(%dma_wait3A_61 : memref<128x128xf32, #tpu.memory_space<vmem_shared>>) dst(%arg13 : memref<128x128xf32, #tpu.memory_space<vmem>>)
        tpu.yield
      }) : () -> ()
      "tpu.region"() ({
        %run_scoped3A = tpu.sem_alloc : memref<!tpu.dma_semaphore, #tpu.memory_space<semaphore_mem>>
        %dma_start3A = arith.constant 0 : i32
        %dma_start3A_56 = tpu.memref_slice %arg9[%add3A_55, %dma_start3A] : memref<10240x128xf32, #tpu.memory_space<hbm>> -> memref<128x128xf32, #tpu.memory_space<hbm>>
        %dma_start3A_57 = arith.constant 0 : i32
        %dma_start3A_58 = tpu.memref_slice %arg9[%add3A_55, %dma_start3A_57] : memref<10240x128xf32, #tpu.memory_space<hbm>> -> memref<128x128xf32, #tpu.memory_space<hbm>>
        tpu.enqueue_dma source(%arg13 : memref<128x128xf32, #tpu.memory_space<vmem>>) target(%dma_start3A_58 : memref<128x128xf32, #tpu.memory_space<hbm>>) target_semaphore(%run_scoped3A : memref<!tpu.dma_semaphore, #tpu.memory_space<semaphore_mem>>)
        %dma_wait3A = arith.constant 0 : i32
        %dma_wait3A_59 = tpu.memref_slice %arg9[%add3A_55, %dma_wait3A] : memref<10240x128xf32, #tpu.memory_space<hbm>> -> memref<128x128xf32, #tpu.memory_space<hbm>>
        %dma_wait3A_60 = arith.constant 0 : i32
        %dma_wait3A_61 = tpu.memref_slice %arg9[%add3A_55, %dma_wait3A_60] : memref<10240x128xf32, #tpu.memory_space<hbm>> -> memref<128x128xf32, #tpu.memory_space<hbm>>
        tpu.wait_dma2 semaphore(%run_scoped3A : memref<!tpu.dma_semaphore, #tpu.memory_space<semaphore_mem>>) src(%arg13 : memref<128x128xf32, #tpu.memory_space<vmem>>) dst(%dma_wait3A_61 : memref<128x128xf32, #tpu.memory_space<hbm>>)
        tpu.yield
      }) : () -> ()
    } else {
    }
    %eq3A_31 = arith.constant 1 : i32
    %eq3A_32 = arith.cmpi eq, %arg0, %eq3A_31 : i32
    %convert_element_type3A_33 = arith.extui %eq3A_32 : i1 to i32
    %cond3A_34 = arith.constant 0 : i32
    %cond3A_35 = arith.cmpi ne, %convert_element_type3A_33, %cond3A_34 : i32
    scf.if %cond3A_35 {
      %mul3A_36 = arith.constant 640 : i32
      %mul3A_37 = arith.muli %arg1, %mul3A_36 : i32
      %add3A_38 = arith.constant 0 : i32
      %add3A_39 = arith.addi %mul3A_37, %add3A_38 : i32
      "tpu.region"() ({
        %run_scoped3A = tpu.sem_alloc : memref<!tpu.dma_semaphore, #tpu.memory_space<semaphore_mem>>
        %dma_start3A = arith.constant 0 : i32
        %dma_start3A_56 = tpu.memref_slice %arg14[%add3A_39, %dma_start3A] : memref<10240x128xf32, #tpu.memory_space<vmem_shared>> -> memref<128x128xf32, #tpu.memory_space<vmem_shared>>
        %dma_start3A_57 = arith.constant 0 : i32
        %dma_start3A_58 = tpu.memref_slice %arg14[%add3A_39, %dma_start3A_57] : memref<10240x128xf32, #tpu.memory_space<vmem_shared>> -> memref<128x128xf32, #tpu.memory_space<vmem_shared>>
        tpu.enqueue_dma source(%dma_start3A_58 : memref<128x128xf32, #tpu.memory_space<vmem_shared>>) target(%arg13 : memref<128x128xf32, #tpu.memory_space<vmem>>) target_semaphore(%run_scoped3A : memref<!tpu.dma_semaphore, #tpu.memory_space<semaphore_mem>>)
        %dma_wait3A = arith.constant 0 : i32
        %dma_wait3A_59 = tpu.memref_slice %arg14[%add3A_39, %dma_wait3A] : memref<10240x128xf32, #tpu.memory_space<vmem_shared>> -> memref<128x128xf32, #tpu.memory_space<vmem_shared>>
        %dma_wait3A_60 = arith.constant 0 : i32
        %dma_wait3A_61 = tpu.memref_slice %arg14[%add3A_39, %dma_wait3A_60] : memref<10240x128xf32, #tpu.memory_space<vmem_shared>> -> memref<128x128xf32, #tpu.memory_space<vmem_shared>>
        tpu.wait_dma2 semaphore(%run_scoped3A : memref<!tpu.dma_semaphore, #tpu.memory_space<semaphore_mem>>) src(%dma_wait3A_61 : memref<128x128xf32, #tpu.memory_space<vmem_shared>>) dst(%arg13 : memref<128x128xf32, #tpu.memory_space<vmem>>)
        tpu.yield
      }) : () -> ()
      "tpu.region"() ({
        %run_scoped3A = tpu.sem_alloc : memref<!tpu.dma_semaphore, #tpu.memory_space<semaphore_mem>>
        %dma_start3A = arith.constant 0 : i32
        %dma_start3A_56 = tpu.memref_slice %arg10[%add3A_39, %dma_start3A] : memref<10240x128xf32, #tpu.memory_space<hbm>> -> memref<128x128xf32, #tpu.memory_space<hbm>>
        %dma_start3A_57 = arith.constant 0 : i32
        %dma_start3A_58 = tpu.memref_slice %arg10[%add3A_39, %dma_start3A_57] : memref<10240x128xf32, #tpu.memory_space<hbm>> -> memref<128x128xf32, #tpu.memory_space<hbm>>
        tpu.enqueue_dma source(%arg13 : memref<128x128xf32, #tpu.memory_space<vmem>>) target(%dma_start3A_58 : memref<128x128xf32, #tpu.memory_space<hbm>>) target_semaphore(%run_scoped3A : memref<!tpu.dma_semaphore, #tpu.memory_space<semaphore_mem>>)
        %dma_wait3A = arith.constant 0 : i32
        %dma_wait3A_59 = tpu.memref_slice %arg10[%add3A_39, %dma_wait3A] : memref<10240x128xf32, #tpu.memory_space<hbm>> -> memref<128x128xf32, #tpu.memory_space<hbm>>
        %dma_wait3A_60 = arith.constant 0 : i32
        %dma_wait3A_61 = tpu.memref_slice %arg10[%add3A_39, %dma_wait3A_60] : memref<10240x128xf32, #tpu.memory_space<hbm>> -> memref<128x128xf32, #tpu.memory_space<hbm>>
        tpu.wait_dma2 semaphore(%run_scoped3A : memref<!tpu.dma_semaphore, #tpu.memory_space<semaphore_mem>>) src(%arg13 : memref<128x128xf32, #tpu.memory_space<vmem>>) dst(%dma_wait3A_61 : memref<128x128xf32, #tpu.memory_space<hbm>>)
        tpu.yield
      }) : () -> ()
      %mul3A_40 = arith.constant 640 : i32
      %mul3A_41 = arith.muli %arg1, %mul3A_40 : i32
      %add3A_42 = arith.constant 128 : i32
      %add3A_43 = arith.addi %mul3A_41, %add3A_42 : i32
      "tpu.region"() ({
        %run_scoped3A = tpu.sem_alloc : memref<!tpu.dma_semaphore, #tpu.memory_space<semaphore_mem>>
        %dma_start3A = arith.constant 0 : i32
        %dma_start3A_56 = tpu.memref_slice %arg14[%add3A_43, %dma_start3A] : memref<10240x128xf32, #tpu.memory_space<vmem_shared>> -> memref<128x128xf32, #tpu.memory_space<vmem_shared>>
        %dma_start3A_57 = arith.constant 0 : i32
        %dma_start3A_58 = tpu.memref_slice %arg14[%add3A_43, %dma_start3A_57] : memref<10240x128xf32, #tpu.memory_space<vmem_shared>> -> memref<128x128xf32, #tpu.memory_space<vmem_shared>>
        tpu.enqueue_dma source(%dma_start3A_58 : memref<128x128xf32, #tpu.memory_space<vmem_shared>>) target(%arg13 : memref<128x128xf32, #tpu.memory_space<vmem>>) target_semaphore(%run_scoped3A : memref<!tpu.dma_semaphore, #tpu.memory_space<semaphore_mem>>)
        %dma_wait3A = arith.constant 0 : i32
        %dma_wait3A_59 = tpu.memref_slice %arg14[%add3A_43, %dma_wait3A] : memref<10240x128xf32, #tpu.memory_space<vmem_shared>> -> memref<128x128xf32, #tpu.memory_space<vmem_shared>>
        %dma_wait3A_60 = arith.constant 0 : i32
        %dma_wait3A_61 = tpu.memref_slice %arg14[%add3A_43, %dma_wait3A_60] : memref<10240x128xf32, #tpu.memory_space<vmem_shared>> -> memref<128x128xf32, #tpu.memory_space<vmem_shared>>
        tpu.wait_dma2 semaphore(%run_scoped3A : memref<!tpu.dma_semaphore, #tpu.memory_space<semaphore_mem>>) src(%dma_wait3A_61 : memref<128x128xf32, #tpu.memory_space<vmem_shared>>) dst(%arg13 : memref<128x128xf32, #tpu.memory_space<vmem>>)
        tpu.yield
      }) : () -> ()
      "tpu.region"() ({
        %run_scoped3A = tpu.sem_alloc : memref<!tpu.dma_semaphore, #tpu.memory_space<semaphore_mem>>
        %dma_start3A = arith.constant 0 : i32
        %dma_start3A_56 = tpu.memref_slice %arg10[%add3A_43, %dma_start3A] : memref<10240x128xf32, #tpu.memory_space<hbm>> -> memref<128x128xf32, #tpu.memory_space<hbm>>
        %dma_start3A_57 = arith.constant 0 : i32
        %dma_start3A_58 = tpu.memref_slice %arg10[%add3A_43, %dma_start3A_57] : memref<10240x128xf32, #tpu.memory_space<hbm>> -> memref<128x128xf32, #tpu.memory_space<hbm>>
        tpu.enqueue_dma source(%arg13 : memref<128x128xf32, #tpu.memory_space<vmem>>) target(%dma_start3A_58 : memref<128x128xf32, #tpu.memory_space<hbm>>) target_semaphore(%run_scoped3A : memref<!tpu.dma_semaphore, #tpu.memory_space<semaphore_mem>>)
        %dma_wait3A = arith.constant 0 : i32
        %dma_wait3A_59 = tpu.memref_slice %arg10[%add3A_43, %dma_wait3A] : memref<10240x128xf32, #tpu.memory_space<hbm>> -> memref<128x128xf32, #tpu.memory_space<hbm>>
        %dma_wait3A_60 = arith.constant 0 : i32
        %dma_wait3A_61 = tpu.memref_slice %arg10[%add3A_43, %dma_wait3A_60] : memref<10240x128xf32, #tpu.memory_space<hbm>> -> memref<128x128xf32, #tpu.memory_space<hbm>>
        tpu.wait_dma2 semaphore(%run_scoped3A : memref<!tpu.dma_semaphore, #tpu.memory_space<semaphore_mem>>) src(%arg13 : memref<128x128xf32, #tpu.memory_space<vmem>>) dst(%dma_wait3A_61 : memref<128x128xf32, #tpu.memory_space<hbm>>)
        tpu.yield
      }) : () -> ()
      %mul3A_44 = arith.constant 640 : i32
      %mul3A_45 = arith.muli %arg1, %mul3A_44 : i32
      %add3A_46 = arith.constant 256 : i32
      %add3A_47 = arith.addi %mul3A_45, %add3A_46 : i32
      "tpu.region"() ({
        %run_scoped3A = tpu.sem_alloc : memref<!tpu.dma_semaphore, #tpu.memory_space<semaphore_mem>>
        %dma_start3A = arith.constant 0 : i32
        %dma_start3A_56 = tpu.memref_slice %arg14[%add3A_47, %dma_start3A] : memref<10240x128xf32, #tpu.memory_space<vmem_shared>> -> memref<128x128xf32, #tpu.memory_space<vmem_shared>>
        %dma_start3A_57 = arith.constant 0 : i32
        %dma_start3A_58 = tpu.memref_slice %arg14[%add3A_47, %dma_start3A_57] : memref<10240x128xf32, #tpu.memory_space<vmem_shared>> -> memref<128x128xf32, #tpu.memory_space<vmem_shared>>
        tpu.enqueue_dma source(%dma_start3A_58 : memref<128x128xf32, #tpu.memory_space<vmem_shared>>) target(%arg13 : memref<128x128xf32, #tpu.memory_space<vmem>>) target_semaphore(%run_scoped3A : memref<!tpu.dma_semaphore, #tpu.memory_space<semaphore_mem>>)
        %dma_wait3A = arith.constant 0 : i32
        %dma_wait3A_59 = tpu.memref_slice %arg14[%add3A_47, %dma_wait3A] : memref<10240x128xf32, #tpu.memory_space<vmem_shared>> -> memref<128x128xf32, #tpu.memory_space<vmem_shared>>
        %dma_wait3A_60 = arith.constant 0 : i32
        %dma_wait3A_61 = tpu.memref_slice %arg14[%add3A_47, %dma_wait3A_60] : memref<10240x128xf32, #tpu.memory_space<vmem_shared>> -> memref<128x128xf32, #tpu.memory_space<vmem_shared>>
        tpu.wait_dma2 semaphore(%run_scoped3A : memref<!tpu.dma_semaphore, #tpu.memory_space<semaphore_mem>>) src(%dma_wait3A_61 : memref<128x128xf32, #tpu.memory_space<vmem_shared>>) dst(%arg13 : memref<128x128xf32, #tpu.memory_space<vmem>>)
        tpu.yield
      }) : () -> ()
      "tpu.region"() ({
        %run_scoped3A = tpu.sem_alloc : memref<!tpu.dma_semaphore, #tpu.memory_space<semaphore_mem>>
        %dma_start3A = arith.constant 0 : i32
        %dma_start3A_56 = tpu.memref_slice %arg10[%add3A_47, %dma_start3A] : memref<10240x128xf32, #tpu.memory_space<hbm>> -> memref<128x128xf32, #tpu.memory_space<hbm>>
        %dma_start3A_57 = arith.constant 0 : i32
        %dma_start3A_58 = tpu.memref_slice %arg10[%add3A_47, %dma_start3A_57] : memref<10240x128xf32, #tpu.memory_space<hbm>> -> memref<128x128xf32, #tpu.memory_space<hbm>>
        tpu.enqueue_dma source(%arg13 : memref<128x128xf32, #tpu.memory_space<vmem>>) target(%dma_start3A_58 : memref<128x128xf32, #tpu.memory_space<hbm>>) target_semaphore(%run_scoped3A : memref<!tpu.dma_semaphore, #tpu.memory_space<semaphore_mem>>)
        %dma_wait3A = arith.constant 0 : i32
        %dma_wait3A_59 = tpu.memref_slice %arg10[%add3A_47, %dma_wait3A] : memref<10240x128xf32, #tpu.memory_space<hbm>> -> memref<128x128xf32, #tpu.memory_space<hbm>>
        %dma_wait3A_60 = arith.constant 0 : i32
        %dma_wait3A_61 = tpu.memref_slice %arg10[%add3A_47, %dma_wait3A_60] : memref<10240x128xf32, #tpu.memory_space<hbm>> -> memref<128x128xf32, #tpu.memory_space<hbm>>
        tpu.wait_dma2 semaphore(%run_scoped3A : memref<!tpu.dma_semaphore, #tpu.memory_space<semaphore_mem>>) src(%arg13 : memref<128x128xf32, #tpu.memory_space<vmem>>) dst(%dma_wait3A_61 : memref<128x128xf32, #tpu.memory_space<hbm>>)
        tpu.yield
      }) : () -> ()
      %mul3A_48 = arith.constant 640 : i32
      %mul3A_49 = arith.muli %arg1, %mul3A_48 : i32
      %add3A_50 = arith.constant 384 : i32
      %add3A_51 = arith.addi %mul3A_49, %add3A_50 : i32
      "tpu.region"() ({
        %run_scoped3A = tpu.sem_alloc : memref<!tpu.dma_semaphore, #tpu.memory_space<semaphore_mem>>
        %dma_start3A = arith.constant 0 : i32
        %dma_start3A_56 = tpu.memref_slice %arg14[%add3A_51, %dma_start3A] : memref<10240x128xf32, #tpu.memory_space<vmem_shared>> -> memref<128x128xf32, #tpu.memory_space<vmem_shared>>
        %dma_start3A_57 = arith.constant 0 : i32
        %dma_start3A_58 = tpu.memref_slice %arg14[%add3A_51, %dma_start3A_57] : memref<10240x128xf32, #tpu.memory_space<vmem_shared>> -> memref<128x128xf32, #tpu.memory_space<vmem_shared>>
        tpu.enqueue_dma source(%dma_start3A_58 : memref<128x128xf32, #tpu.memory_space<vmem_shared>>) target(%arg13 : memref<128x128xf32, #tpu.memory_space<vmem>>) target_semaphore(%run_scoped3A : memref<!tpu.dma_semaphore, #tpu.memory_space<semaphore_mem>>)
        %dma_wait3A = arith.constant 0 : i32
        %dma_wait3A_59 = tpu.memref_slice %arg14[%add3A_51, %dma_wait3A] : memref<10240x128xf32, #tpu.memory_space<vmem_shared>> -> memref<128x128xf32, #tpu.memory_space<vmem_shared>>
        %dma_wait3A_60 = arith.constant 0 : i32
        %dma_wait3A_61 = tpu.memref_slice %arg14[%add3A_51, %dma_wait3A_60] : memref<10240x128xf32, #tpu.memory_space<vmem_shared>> -> memref<128x128xf32, #tpu.memory_space<vmem_shared>>
        tpu.wait_dma2 semaphore(%run_scoped3A : memref<!tpu.dma_semaphore, #tpu.memory_space<semaphore_mem>>) src(%dma_wait3A_61 : memref<128x128xf32, #tpu.memory_space<vmem_shared>>) dst(%arg13 : memref<128x128xf32, #tpu.memory_space<vmem>>)
        tpu.yield
      }) : () -> ()
      "tpu.region"() ({
        %run_scoped3A = tpu.sem_alloc : memref<!tpu.dma_semaphore, #tpu.memory_space<semaphore_mem>>
        %dma_start3A = arith.constant 0 : i32
        %dma_start3A_56 = tpu.memref_slice %arg10[%add3A_51, %dma_start3A] : memref<10240x128xf32, #tpu.memory_space<hbm>> -> memref<128x128xf32, #tpu.memory_space<hbm>>
        %dma_start3A_57 = arith.constant 0 : i32
        %dma_start3A_58 = tpu.memref_slice %arg10[%add3A_51, %dma_start3A_57] : memref<10240x128xf32, #tpu.memory_space<hbm>> -> memref<128x128xf32, #tpu.memory_space<hbm>>
        tpu.enqueue_dma source(%arg13 : memref<128x128xf32, #tpu.memory_space<vmem>>) target(%dma_start3A_58 : memref<128x128xf32, #tpu.memory_space<hbm>>) target_semaphore(%run_scoped3A : memref<!tpu.dma_semaphore, #tpu.memory_space<semaphore_mem>>)
        %dma_wait3A = arith.constant 0 : i32
        %dma_wait3A_59 = tpu.memref_slice %arg10[%add3A_51, %dma_wait3A] : memref<10240x128xf32, #tpu.memory_space<hbm>> -> memref<128x128xf32, #tpu.memory_space<hbm>>
        %dma_wait3A_60 = arith.constant 0 : i32
        %dma_wait3A_61 = tpu.memref_slice %arg10[%add3A_51, %dma_wait3A_60] : memref<10240x128xf32, #tpu.memory_space<hbm>> -> memref<128x128xf32, #tpu.memory_space<hbm>>
        tpu.wait_dma2 semaphore(%run_scoped3A : memref<!tpu.dma_semaphore, #tpu.memory_space<semaphore_mem>>) src(%arg13 : memref<128x128xf32, #tpu.memory_space<vmem>>) dst(%dma_wait3A_61 : memref<128x128xf32, #tpu.memory_space<hbm>>)
        tpu.yield
      }) : () -> ()
      %mul3A_52 = arith.constant 640 : i32
      %mul3A_53 = arith.muli %arg1, %mul3A_52 : i32
      %add3A_54 = arith.constant 512 : i32
      %add3A_55 = arith.addi %mul3A_53, %add3A_54 : i32
      "tpu.region"() ({
        %run_scoped3A = tpu.sem_alloc : memref<!tpu.dma_semaphore, #tpu.memory_space<semaphore_mem>>
        %dma_start3A = arith.constant 0 : i32
        %dma_start3A_56 = tpu.memref_slice %arg14[%add3A_55, %dma_start3A] : memref<10240x128xf32, #tpu.memory_space<vmem_shared>> -> memref<128x128xf32, #tpu.memory_space<vmem_shared>>
        %dma_start3A_57 = arith.constant 0 : i32
        %dma_start3A_58 = tpu.memref_slice %arg14[%add3A_55, %dma_start3A_57] : memref<10240x128xf32, #tpu.memory_space<vmem_shared>> -> memref<128x128xf32, #tpu.memory_space<vmem_shared>>
        tpu.enqueue_dma source(%dma_start3A_58 : memref<128x128xf32, #tpu.memory_space<vmem_shared>>) target(%arg13 : memref<128x128xf32, #tpu.memory_space<vmem>>) target_semaphore(%run_scoped3A : memref<!tpu.dma_semaphore, #tpu.memory_space<semaphore_mem>>)
        %dma_wait3A = arith.constant 0 : i32
        %dma_wait3A_59 = tpu.memref_slice %arg14[%add3A_55, %dma_wait3A] : memref<10240x128xf32, #tpu.memory_space<vmem_shared>> -> memref<128x128xf32, #tpu.memory_space<vmem_shared>>
        %dma_wait3A_60 = arith.constant 0 : i32
        %dma_wait3A_61 = tpu.memref_slice %arg14[%add3A_55, %dma_wait3A_60] : memref<10240x128xf32, #tpu.memory_space<vmem_shared>> -> memref<128x128xf32, #tpu.memory_space<vmem_shared>>
        tpu.wait_dma2 semaphore(%run_scoped3A : memref<!tpu.dma_semaphore, #tpu.memory_space<semaphore_mem>>) src(%dma_wait3A_61 : memref<128x128xf32, #tpu.memory_space<vmem_shared>>) dst(%arg13 : memref<128x128xf32, #tpu.memory_space<vmem>>)
        tpu.yield
      }) : () -> ()
      "tpu.region"() ({
        %run_scoped3A = tpu.sem_alloc : memref<!tpu.dma_semaphore, #tpu.memory_space<semaphore_mem>>
        %dma_start3A = arith.constant 0 : i32
        %dma_start3A_56 = tpu.memref_slice %arg10[%add3A_55, %dma_start3A] : memref<10240x128xf32, #tpu.memory_space<hbm>> -> memref<128x128xf32, #tpu.memory_space<hbm>>
        %dma_start3A_57 = arith.constant 0 : i32
        %dma_start3A_58 = tpu.memref_slice %arg10[%add3A_55, %dma_start3A_57] : memref<10240x128xf32, #tpu.memory_space<hbm>> -> memref<128x128xf32, #tpu.memory_space<hbm>>
        tpu.enqueue_dma source(%arg13 : memref<128x128xf32, #tpu.memory_space<vmem>>) target(%dma_start3A_58 : memref<128x128xf32, #tpu.memory_space<hbm>>) target_semaphore(%run_scoped3A : memref<!tpu.dma_semaphore, #tpu.memory_space<semaphore_mem>>)
        %dma_wait3A = arith.constant 0 : i32
        %dma_wait3A_59 = tpu.memref_slice %arg10[%add3A_55, %dma_wait3A] : memref<10240x128xf32, #tpu.memory_space<hbm>> -> memref<128x128xf32, #tpu.memory_space<hbm>>
        %dma_wait3A_60 = arith.constant 0 : i32
        %dma_wait3A_61 = tpu.memref_slice %arg10[%add3A_55, %dma_wait3A_60] : memref<10240x128xf32, #tpu.memory_space<hbm>> -> memref<128x128xf32, #tpu.memory_space<hbm>>
        tpu.wait_dma2 semaphore(%run_scoped3A : memref<!tpu.dma_semaphore, #tpu.memory_space<semaphore_mem>>) src(%arg13 : memref<128x128xf32, #tpu.memory_space<vmem>>) dst(%dma_wait3A_61 : memref<128x128xf32, #tpu.memory_space<hbm>>)
        tpu.yield
      }) : () -> ()
    } else {
    }
    return
  }
}

#map = affine_map<(d0, d1) -> (0, 0)>
module attributes {stable_mosaic.version = 14 : i64} {
  func.func @body(%arg0: i32, %arg1: i32, %arg2: memref<10000x128xf32, #tpu.memory_space<hbm>>, %arg3: memref<10000x128xf32, #tpu.memory_space<hbm>>, %arg4: memref<1280x128xi32, #tpu.memory_space<hbm>>, %arg5: memref<1280x128xi32, #tpu.memory_space<hbm>>, %arg6: memref<1280x128xi32, #tpu.memory_space<hbm>>, %arg7: memref<1280x128xi32, #tpu.memory_space<hbm>>, %arg8: memref<128x128xf32, #tpu.memory_space<hbm>>, %arg9: memref<10240x128xf32, #tpu.memory_space<hbm>>, %arg10: memref<10240x128xf32, #tpu.memory_space<hbm>>, %arg11: memref<128xi32, #tpu.memory_space<vmem>>, %arg12: memref<128xi32, #tpu.memory_space<vmem>>, %arg13: memref<128x128xf32, #tpu.memory_space<vmem>>, %arg14: memref<10240x128xf32, #tpu.memory_space<vmem_shared>>, %arg15: memref<!tpu.dma_semaphore, #tpu.memory_space<semaphore_mem>>) attributes {dimension_semantics = [#tpu.dimension_semantics<core_parallel>, #tpu.dimension_semantics<subcore_parallel>], iteration_bounds = array<i64: 2, 16>, scalar_prefetch = 0 : i64, scratch_operands = 5 : i64, tpu.core_type = #tpu.core_type<sc_vector_subcore>, window_params = [{transform_indices = #map}, {transform_indices = #map}, {transform_indices = #map}, {transform_indices = #map}, {transform_indices = #map}, {transform_indices = #map}, {transform_indices = #map}, {transform_indices = #map}, {transform_indices = #map}]} {
    "tpu.region"() ({
      %run_scoped3A = tpu.sem_alloc : memref<!tpu.dma_semaphore, #tpu.memory_space<semaphore_mem>>
      tpu.enqueue_dma source(%arg8 : memref<128x128xf32, #tpu.memory_space<hbm>>) target(%arg13 : memref<128x128xf32, #tpu.memory_space<vmem>>) target_semaphore(%run_scoped3A : memref<!tpu.dma_semaphore, #tpu.memory_space<semaphore_mem>>)
      tpu.wait_dma2 semaphore(%run_scoped3A : memref<!tpu.dma_semaphore, #tpu.memory_space<semaphore_mem>>) src(%arg8 : memref<128x128xf32, #tpu.memory_space<hbm>>) dst(%arg13 : memref<128x128xf32, #tpu.memory_space<vmem>>)
      tpu.yield
    }) : () -> ()
    %mul3A = arith.constant 640 : i32
    %mul3A_0 = arith.muli %arg1, %mul3A : i32
    %add3A = arith.constant 0 : i32
    %add3A_1 = arith.addi %mul3A_0, %add3A : i32
    "tpu.region"() ({
      %run_scoped3A = tpu.sem_alloc : memref<!tpu.dma_semaphore, #tpu.memory_space<semaphore_mem>>
      %dma_start3A = arith.constant 0 : i32
      %dma_start3A_36 = tpu.memref_slice %arg14[%add3A_1, %dma_start3A] : memref<10240x128xf32, #tpu.memory_space<vmem_shared>> -> memref<128x128xf32, #tpu.memory_space<vmem_shared>>
      %dma_start3A_37 = arith.constant 0 : i32
      %dma_start3A_38 = tpu.memref_slice %arg14[%add3A_1, %dma_start3A_37] : memref<10240x128xf32, #tpu.memory_space<vmem_shared>> -> memref<128x128xf32, #tpu.memory_space<vmem_shared>>
      tpu.enqueue_dma source(%arg13 : memref<128x128xf32, #tpu.memory_space<vmem>>) target(%dma_start3A_38 : memref<128x128xf32, #tpu.memory_space<vmem_shared>>) target_semaphore(%run_scoped3A : memref<!tpu.dma_semaphore, #tpu.memory_space<semaphore_mem>>)
      %dma_wait3A = arith.constant 0 : i32
      %dma_wait3A_39 = tpu.memref_slice %arg14[%add3A_1, %dma_wait3A] : memref<10240x128xf32, #tpu.memory_space<vmem_shared>> -> memref<128x128xf32, #tpu.memory_space<vmem_shared>>
      %dma_wait3A_40 = arith.constant 0 : i32
      %dma_wait3A_41 = tpu.memref_slice %arg14[%add3A_1, %dma_wait3A_40] : memref<10240x128xf32, #tpu.memory_space<vmem_shared>> -> memref<128x128xf32, #tpu.memory_space<vmem_shared>>
      tpu.wait_dma2 semaphore(%run_scoped3A : memref<!tpu.dma_semaphore, #tpu.memory_space<semaphore_mem>>) src(%arg13 : memref<128x128xf32, #tpu.memory_space<vmem>>) dst(%dma_wait3A_41 : memref<128x128xf32, #tpu.memory_space<vmem_shared>>)
      tpu.yield
    }) : () -> ()
    %mul3A_2 = arith.constant 640 : i32
    %mul3A_3 = arith.muli %arg1, %mul3A_2 : i32
    %add3A_4 = arith.constant 128 : i32
    %add3A_5 = arith.addi %mul3A_3, %add3A_4 : i32
    "tpu.region"() ({
      %run_scoped3A = tpu.sem_alloc : memref<!tpu.dma_semaphore, #tpu.memory_space<semaphore_mem>>
      %dma_start3A = arith.constant 0 : i32
      %dma_start3A_36 = tpu.memref_slice %arg14[%add3A_5, %dma_start3A] : memref<10240x128xf32, #tpu.memory_space<vmem_shared>> -> memref<128x128xf32, #tpu.memory_space<vmem_shared>>
      %dma_start3A_37 = arith.constant 0 : i32
      %dma_start3A_38 = tpu.memref_slice %arg14[%add3A_5, %dma_start3A_37] : memref<10240x128xf32, #tpu.memory_space<vmem_shared>> -> memref<128x128xf32, #tpu.memory_space<vmem_shared>>
      tpu.enqueue_dma source(%arg13 : memref<128x128xf32, #tpu.memory_space<vmem>>) target(%dma_start3A_38 : memref<128x128xf32, #tpu.memory_space<vmem_shared>>) target_semaphore(%run_scoped3A : memref<!tpu.dma_semaphore, #tpu.memory_space<semaphore_mem>>)
      %dma_wait3A = arith.constant 0 : i32
      %dma_wait3A_39 = tpu.memref_slice %arg14[%add3A_5, %dma_wait3A] : memref<10240x128xf32, #tpu.memory_space<vmem_shared>> -> memref<128x128xf32, #tpu.memory_space<vmem_shared>>
      %dma_wait3A_40 = arith.constant 0 : i32
      %dma_wait3A_41 = tpu.memref_slice %arg14[%add3A_5, %dma_wait3A_40] : memref<10240x128xf32, #tpu.memory_space<vmem_shared>> -> memref<128x128xf32, #tpu.memory_space<vmem_shared>>
      tpu.wait_dma2 semaphore(%run_scoped3A : memref<!tpu.dma_semaphore, #tpu.memory_space<semaphore_mem>>) src(%arg13 : memref<128x128xf32, #tpu.memory_space<vmem>>) dst(%dma_wait3A_41 : memref<128x128xf32, #tpu.memory_space<vmem_shared>>)
      tpu.yield
    }) : () -> ()
    %mul3A_6 = arith.constant 640 : i32
    %mul3A_7 = arith.muli %arg1, %mul3A_6 : i32
    %add3A_8 = arith.constant 256 : i32
    %add3A_9 = arith.addi %mul3A_7, %add3A_8 : i32
    "tpu.region"() ({
      %run_scoped3A = tpu.sem_alloc : memref<!tpu.dma_semaphore, #tpu.memory_space<semaphore_mem>>
      %dma_start3A = arith.constant 0 : i32
      %dma_start3A_36 = tpu.memref_slice %arg14[%add3A_9, %dma_start3A] : memref<10240x128xf32, #tpu.memory_space<vmem_shared>> -> memref<128x128xf32, #tpu.memory_space<vmem_shared>>
      %dma_start3A_37 = arith.constant 0 : i32
      %dma_start3A_38 = tpu.memref_slice %arg14[%add3A_9, %dma_start3A_37] : memref<10240x128xf32, #tpu.memory_space<vmem_shared>> -> memref<128x128xf32, #tpu.memory_space<vmem_shared>>
      tpu.enqueue_dma source(%arg13 : memref<128x128xf32, #tpu.memory_space<vmem>>) target(%dma_start3A_38 : memref<128x128xf32, #tpu.memory_space<vmem_shared>>) target_semaphore(%run_scoped3A : memref<!tpu.dma_semaphore, #tpu.memory_space<semaphore_mem>>)
      %dma_wait3A = arith.constant 0 : i32
      %dma_wait3A_39 = tpu.memref_slice %arg14[%add3A_9, %dma_wait3A] : memref<10240x128xf32, #tpu.memory_space<vmem_shared>> -> memref<128x128xf32, #tpu.memory_space<vmem_shared>>
      %dma_wait3A_40 = arith.constant 0 : i32
      %dma_wait3A_41 = tpu.memref_slice %arg14[%add3A_9, %dma_wait3A_40] : memref<10240x128xf32, #tpu.memory_space<vmem_shared>> -> memref<128x128xf32, #tpu.memory_space<vmem_shared>>
      tpu.wait_dma2 semaphore(%run_scoped3A : memref<!tpu.dma_semaphore, #tpu.memory_space<semaphore_mem>>) src(%arg13 : memref<128x128xf32, #tpu.memory_space<vmem>>) dst(%dma_wait3A_41 : memref<128x128xf32, #tpu.memory_space<vmem_shared>>)
      tpu.yield
    }) : () -> ()
    %mul3A_10 = arith.constant 640 : i32
    %mul3A_11 = arith.muli %arg1, %mul3A_10 : i32
    %add3A_12 = arith.constant 384 : i32
    %add3A_13 = arith.addi %mul3A_11, %add3A_12 : i32
    "tpu.region"() ({
      %run_scoped3A = tpu.sem_alloc : memref<!tpu.dma_semaphore, #tpu.memory_space<semaphore_mem>>
      %dma_start3A = arith.constant 0 : i32
      %dma_start3A_36 = tpu.memref_slice %arg14[%add3A_13, %dma_start3A] : memref<10240x128xf32, #tpu.memory_space<vmem_shared>> -> memref<128x128xf32, #tpu.memory_space<vmem_shared>>
      %dma_start3A_37 = arith.constant 0 : i32
      %dma_start3A_38 = tpu.memref_slice %arg14[%add3A_13, %dma_start3A_37] : memref<10240x128xf32, #tpu.memory_space<vmem_shared>> -> memref<128x128xf32, #tpu.memory_space<vmem_shared>>
      tpu.enqueue_dma source(%arg13 : memref<128x128xf32, #tpu.memory_space<vmem>>) target(%dma_start3A_38 : memref<128x128xf32, #tpu.memory_space<vmem_shared>>) target_semaphore(%run_scoped3A : memref<!tpu.dma_semaphore, #tpu.memory_space<semaphore_mem>>)
      %dma_wait3A = arith.constant 0 : i32
      %dma_wait3A_39 = tpu.memref_slice %arg14[%add3A_13, %dma_wait3A] : memref<10240x128xf32, #tpu.memory_space<vmem_shared>> -> memref<128x128xf32, #tpu.memory_space<vmem_shared>>
      %dma_wait3A_40 = arith.constant 0 : i32
      %dma_wait3A_41 = tpu.memref_slice %arg14[%add3A_13, %dma_wait3A_40] : memref<10240x128xf32, #tpu.memory_space<vmem_shared>> -> memref<128x128xf32, #tpu.memory_space<vmem_shared>>
      tpu.wait_dma2 semaphore(%run_scoped3A : memref<!tpu.dma_semaphore, #tpu.memory_space<semaphore_mem>>) src(%arg13 : memref<128x128xf32, #tpu.memory_space<vmem>>) dst(%dma_wait3A_41 : memref<128x128xf32, #tpu.memory_space<vmem_shared>>)
      tpu.yield
    }) : () -> ()
    %mul3A_14 = arith.constant 640 : i32
    %mul3A_15 = arith.muli %arg1, %mul3A_14 : i32
    %add3A_16 = arith.constant 512 : i32
    %add3A_17 = arith.addi %mul3A_15, %add3A_16 : i32
    "tpu.region"() ({
      %run_scoped3A = tpu.sem_alloc : memref<!tpu.dma_semaphore, #tpu.memory_space<semaphore_mem>>
      %dma_start3A = arith.constant 0 : i32
      %dma_start3A_36 = tpu.memref_slice %arg14[%add3A_17, %dma_start3A] : memref<10240x128xf32, #tpu.memory_space<vmem_shared>> -> memref<128x128xf32, #tpu.memory_space<vmem_shared>>
      %dma_start3A_37 = arith.constant 0 : i32
      %dma_start3A_38 = tpu.memref_slice %arg14[%add3A_17, %dma_start3A_37] : memref<10240x128xf32, #tpu.memory_space<vmem_shared>> -> memref<128x128xf32, #tpu.memory_space<vmem_shared>>
      tpu.enqueue_dma source(%arg13 : memref<128x128xf32, #tpu.memory_space<vmem>>) target(%dma_start3A_38 : memref<128x128xf32, #tpu.memory_space<vmem_shared>>) target_semaphore(%run_scoped3A : memref<!tpu.dma_semaphore, #tpu.memory_space<semaphore_mem>>)
      %dma_wait3A = arith.constant 0 : i32
      %dma_wait3A_39 = tpu.memref_slice %arg14[%add3A_17, %dma_wait3A] : memref<10240x128xf32, #tpu.memory_space<vmem_shared>> -> memref<128x128xf32, #tpu.memory_space<vmem_shared>>
      %dma_wait3A_40 = arith.constant 0 : i32
      %dma_wait3A_41 = tpu.memref_slice %arg14[%add3A_17, %dma_wait3A_40] : memref<10240x128xf32, #tpu.memory_space<vmem_shared>> -> memref<128x128xf32, #tpu.memory_space<vmem_shared>>
      tpu.wait_dma2 semaphore(%run_scoped3A : memref<!tpu.dma_semaphore, #tpu.memory_space<semaphore_mem>>) src(%arg13 : memref<128x128xf32, #tpu.memory_space<vmem>>) dst(%dma_wait3A_41 : memref<128x128xf32, #tpu.memory_space<vmem_shared>>)
      tpu.yield
    }) : () -> ()
    %barrier3A = arith.constant 0 : index
    tpu.barrier barrier_id(%barrier3A)
    %eq3A = arith.constant 0 : i32
    %eq3A_18 = arith.cmpi eq, %arg0, %eq3A : i32
    %convert_element_type3A = arith.extui %eq3A_18 : i1 to i32
    %cond3A = arith.constant 0 : i32
    %cond3A_19 = arith.cmpi ne, %convert_element_type3A, %cond3A : i32
    scf.if %cond3A_19 {
      %scan3A = arith.constant 0 : i32
      %scan3A_36 = arith.constant 80 : i32
      %scan3A_37 = arith.addi %scan3A, %scan3A_36 : i32
      %scan3A_38 = arith.constant 1 : i32
      scf.for %scan3A_40 = %scan3A to %scan3A_37 step %scan3A_38  : i32 {
        %mul3A_41 = arith.constant 1 : i32
        %mul3A_42 = arith.muli %scan3A_40, %mul3A_41 : i32
        %add3A_43 = arith.constant 0 : i32
        %add3A_44 = arith.addi %add3A_43, %mul3A_42 : i32
        %mul3A_45 = arith.constant 80 : i32
        %mul3A_46 = arith.muli %arg1, %mul3A_45 : i32
        %add3A_47 = arith.addi %mul3A_46, %add3A_44 : i32
        "tpu.region"() ({
          %run_scoped3A = tpu.sem_alloc : memref<!tpu.dma_semaphore, #tpu.memory_space<semaphore_mem>>
          %dma_start3A_52 = arith.constant 0 : i32
          %dma_start3A_53 = tpu.memref_slice %arg4[%add3A_47, %dma_start3A_52] : memref<1280x128xi32, #tpu.memory_space<hbm>> -> memref<1x128xi32, #tpu.memory_space<hbm>>
          %dma_start3A_54 = tpu.memref_squeeze %dma_start3A_53 : memref<1x128xi32, #tpu.memory_space<hbm>> -> memref<128xi32, #tpu.memory_space<hbm>>
          %dma_start3A_55 = arith.constant 0 : i32
          %dma_start3A_56 = tpu.memref_slice %arg4[%add3A_47, %dma_start3A_55] : memref<1280x128xi32, #tpu.memory_space<hbm>> -> memref<1x128xi32, #tpu.memory_space<hbm>>
          %dma_start3A_57 = tpu.memref_squeeze %dma_start3A_56 : memref<1x128xi32, #tpu.memory_space<hbm>> -> memref<128xi32, #tpu.memory_space<hbm>>
          tpu.enqueue_dma source(%dma_start3A_57 : memref<128xi32, #tpu.memory_space<hbm>>) target(%arg11 : memref<128xi32, #tpu.memory_space<vmem>>) target_semaphore(%run_scoped3A : memref<!tpu.dma_semaphore, #tpu.memory_space<semaphore_mem>>)
          %dma_wait3A_58 = arith.constant 0 : i32
          %dma_wait3A_59 = tpu.memref_slice %arg4[%add3A_47, %dma_wait3A_58] : memref<1280x128xi32, #tpu.memory_space<hbm>> -> memref<1x128xi32, #tpu.memory_space<hbm>>
          %dma_wait3A_60 = tpu.memref_squeeze %dma_wait3A_59 : memref<1x128xi32, #tpu.memory_space<hbm>> -> memref<128xi32, #tpu.memory_space<hbm>>
          %dma_wait3A_61 = arith.constant 0 : i32
          %dma_wait3A_62 = tpu.memref_slice %arg4[%add3A_47, %dma_wait3A_61] : memref<1280x128xi32, #tpu.memory_space<hbm>> -> memref<1x128xi32, #tpu.memory_space<hbm>>
          %dma_wait3A_63 = tpu.memref_squeeze %dma_wait3A_62 : memref<1x128xi32, #tpu.memory_space<hbm>> -> memref<128xi32, #tpu.memory_space<hbm>>
          tpu.wait_dma2 semaphore(%run_scoped3A : memref<!tpu.dma_semaphore, #tpu.memory_space<semaphore_mem>>) src(%dma_wait3A_63 : memref<128xi32, #tpu.memory_space<hbm>>) dst(%arg11 : memref<128xi32, #tpu.memory_space<vmem>>)
          tpu.yield
        }) : () -> ()
        "tpu.region"() ({
          %run_scoped3A = tpu.sem_alloc : memref<!tpu.dma_semaphore, #tpu.memory_space<semaphore_mem>>
          %dma_start3A_52 = arith.constant 0 : i32
          %dma_start3A_53 = tpu.memref_slice %arg5[%add3A_47, %dma_start3A_52] : memref<1280x128xi32, #tpu.memory_space<hbm>> -> memref<1x128xi32, #tpu.memory_space<hbm>>
          %dma_start3A_54 = tpu.memref_squeeze %dma_start3A_53 : memref<1x128xi32, #tpu.memory_space<hbm>> -> memref<128xi32, #tpu.memory_space<hbm>>
          %dma_start3A_55 = arith.constant 0 : i32
          %dma_start3A_56 = tpu.memref_slice %arg5[%add3A_47, %dma_start3A_55] : memref<1280x128xi32, #tpu.memory_space<hbm>> -> memref<1x128xi32, #tpu.memory_space<hbm>>
          %dma_start3A_57 = tpu.memref_squeeze %dma_start3A_56 : memref<1x128xi32, #tpu.memory_space<hbm>> -> memref<128xi32, #tpu.memory_space<hbm>>
          tpu.enqueue_dma source(%dma_start3A_57 : memref<128xi32, #tpu.memory_space<hbm>>) target(%arg12 : memref<128xi32, #tpu.memory_space<vmem>>) target_semaphore(%run_scoped3A : memref<!tpu.dma_semaphore, #tpu.memory_space<semaphore_mem>>)
          %dma_wait3A_58 = arith.constant 0 : i32
          %dma_wait3A_59 = tpu.memref_slice %arg5[%add3A_47, %dma_wait3A_58] : memref<1280x128xi32, #tpu.memory_space<hbm>> -> memref<1x128xi32, #tpu.memory_space<hbm>>
          %dma_wait3A_60 = tpu.memref_squeeze %dma_wait3A_59 : memref<1x128xi32, #tpu.memory_space<hbm>> -> memref<128xi32, #tpu.memory_space<hbm>>
          %dma_wait3A_61 = arith.constant 0 : i32
          %dma_wait3A_62 = tpu.memref_slice %arg5[%add3A_47, %dma_wait3A_61] : memref<1280x128xi32, #tpu.memory_space<hbm>> -> memref<1x128xi32, #tpu.memory_space<hbm>>
          %dma_wait3A_63 = tpu.memref_squeeze %dma_wait3A_62 : memref<1x128xi32, #tpu.memory_space<hbm>> -> memref<128xi32, #tpu.memory_space<hbm>>
          tpu.wait_dma2 semaphore(%run_scoped3A : memref<!tpu.dma_semaphore, #tpu.memory_space<semaphore_mem>>) src(%dma_wait3A_63 : memref<128xi32, #tpu.memory_space<hbm>>) dst(%arg12 : memref<128xi32, #tpu.memory_space<vmem>>)
          tpu.yield
        }) : () -> ()
        %dma_start3A = arith.constant 0 : i32
        %dma_start3A_48 = arith.constant 0 : i32
        %dma_start3A_49 = tpu.memref_slice %arg2[%dma_start3A, %dma_start3A_48] : memref<10000x128xf32, #tpu.memory_space<hbm>> -> memref<10000x128xf32, #tpu.memory_space<hbm>>
        tpu.enqueue_indirect_dma source(%dma_start3A_49 : memref<10000x128xf32, #tpu.memory_space<hbm>>) target(%arg13 : memref<128x128xf32, #tpu.memory_space<vmem>>) offsets(%arg11 : memref<128xi32, #tpu.memory_space<vmem>>) semaphore(%arg15 : memref<!tpu.dma_semaphore, #tpu.memory_space<semaphore_mem>>)
        %dma_wait3A = arith.constant 0 : i32
        %dma_wait3A_50 = arith.constant 0 : i32
        %dma_wait3A_51 = tpu.memref_slice %arg2[%dma_wait3A, %dma_wait3A_50] : memref<10000x128xf32, #tpu.memory_space<hbm>> -> memref<10000x128xf32, #tpu.memory_space<hbm>>
        tpu.wait_indirect_dma semaphore(%arg15 : memref<!tpu.dma_semaphore, #tpu.memory_space<semaphore_mem>>) src(%dma_wait3A_51 : memref<10000x128xf32, #tpu.memory_space<hbm>>) dst(%arg13 : memref<128x128xf32, #tpu.memory_space<vmem>>)
        "tpu.region"() ({
          %run_scoped3A = tpu.sem_alloc : memref<!tpu.dma_semaphore, #tpu.memory_space<semaphore_mem>>
          %dma_start3A_52 = arith.constant 0 : i32
          %dma_start3A_53 = arith.constant 0 : i32
          %dma_start3A_54 = tpu.memref_slice %arg14[%dma_start3A_52, %dma_start3A_53] : memref<10240x128xf32, #tpu.memory_space<vmem_shared>> -> memref<10240x128xf32, #tpu.memory_space<vmem_shared>>
          tpu.enqueue_indirect_dma source(%arg13 : memref<128x128xf32, #tpu.memory_space<vmem>>) target(%dma_start3A_54 : memref<10240x128xf32, #tpu.memory_space<vmem_shared>>) offsets(%arg12 : memref<128xi32, #tpu.memory_space<vmem>>) semaphore(%run_scoped3A : memref<!tpu.dma_semaphore, #tpu.memory_space<semaphore_mem>>) {add = true}
          %dma_wait3A_55 = arith.constant 0 : i32
          %dma_wait3A_56 = arith.constant 0 : i32
          %dma_wait3A_57 = tpu.memref_slice %arg14[%dma_wait3A_55, %dma_wait3A_56] : memref<10240x128xf32, #tpu.memory_space<vmem_shared>> -> memref<10240x128xf32, #tpu.memory_space<vmem_shared>>
          tpu.wait_indirect_dma semaphore(%run_scoped3A : memref<!tpu.dma_semaphore, #tpu.memory_space<semaphore_mem>>) src(%arg13 : memref<128x128xf32, #tpu.memory_space<vmem>>) dst(%dma_wait3A_57 : memref<10240x128xf32, #tpu.memory_space<vmem_shared>>)
          tpu.yield
        }) : () -> ()
      }
      %scan3A_39 = arith.constant 80 : i32
    } else {
    }
    %eq3A_20 = arith.constant 1 : i32
    %eq3A_21 = arith.cmpi eq, %arg0, %eq3A_20 : i32
    %convert_element_type3A_22 = arith.extui %eq3A_21 : i1 to i32
    %cond3A_23 = arith.constant 0 : i32
    %cond3A_24 = arith.cmpi ne, %convert_element_type3A_22, %cond3A_23 : i32
    scf.if %cond3A_24 {
      %scan3A = arith.constant 0 : i32
      %scan3A_36 = arith.constant 80 : i32
      %scan3A_37 = arith.addi %scan3A, %scan3A_36 : i32
      %scan3A_38 = arith.constant 1 : i32
      scf.for %scan3A_40 = %scan3A to %scan3A_37 step %scan3A_38  : i32 {
        %mul3A_41 = arith.constant 1 : i32
        %mul3A_42 = arith.muli %scan3A_40, %mul3A_41 : i32
        %add3A_43 = arith.constant 0 : i32
        %add3A_44 = arith.addi %add3A_43, %mul3A_42 : i32
        %mul3A_45 = arith.constant 80 : i32
        %mul3A_46 = arith.muli %arg1, %mul3A_45 : i32
        %add3A_47 = arith.addi %mul3A_46, %add3A_44 : i32
        "tpu.region"() ({
          %run_scoped3A = tpu.sem_alloc : memref<!tpu.dma_semaphore, #tpu.memory_space<semaphore_mem>>
          %dma_start3A_52 = arith.constant 0 : i32
          %dma_start3A_53 = tpu.memref_slice %arg6[%add3A_47, %dma_start3A_52] : memref<1280x128xi32, #tpu.memory_space<hbm>> -> memref<1x128xi32, #tpu.memory_space<hbm>>
          %dma_start3A_54 = tpu.memref_squeeze %dma_start3A_53 : memref<1x128xi32, #tpu.memory_space<hbm>> -> memref<128xi32, #tpu.memory_space<hbm>>
          %dma_start3A_55 = arith.constant 0 : i32
          %dma_start3A_56 = tpu.memref_slice %arg6[%add3A_47, %dma_start3A_55] : memref<1280x128xi32, #tpu.memory_space<hbm>> -> memref<1x128xi32, #tpu.memory_space<hbm>>
          %dma_start3A_57 = tpu.memref_squeeze %dma_start3A_56 : memref<1x128xi32, #tpu.memory_space<hbm>> -> memref<128xi32, #tpu.memory_space<hbm>>
          tpu.enqueue_dma source(%dma_start3A_57 : memref<128xi32, #tpu.memory_space<hbm>>) target(%arg11 : memref<128xi32, #tpu.memory_space<vmem>>) target_semaphore(%run_scoped3A : memref<!tpu.dma_semaphore, #tpu.memory_space<semaphore_mem>>)
          %dma_wait3A_58 = arith.constant 0 : i32
          %dma_wait3A_59 = tpu.memref_slice %arg6[%add3A_47, %dma_wait3A_58] : memref<1280x128xi32, #tpu.memory_space<hbm>> -> memref<1x128xi32, #tpu.memory_space<hbm>>
          %dma_wait3A_60 = tpu.memref_squeeze %dma_wait3A_59 : memref<1x128xi32, #tpu.memory_space<hbm>> -> memref<128xi32, #tpu.memory_space<hbm>>
          %dma_wait3A_61 = arith.constant 0 : i32
          %dma_wait3A_62 = tpu.memref_slice %arg6[%add3A_47, %dma_wait3A_61] : memref<1280x128xi32, #tpu.memory_space<hbm>> -> memref<1x128xi32, #tpu.memory_space<hbm>>
          %dma_wait3A_63 = tpu.memref_squeeze %dma_wait3A_62 : memref<1x128xi32, #tpu.memory_space<hbm>> -> memref<128xi32, #tpu.memory_space<hbm>>
          tpu.wait_dma2 semaphore(%run_scoped3A : memref<!tpu.dma_semaphore, #tpu.memory_space<semaphore_mem>>) src(%dma_wait3A_63 : memref<128xi32, #tpu.memory_space<hbm>>) dst(%arg11 : memref<128xi32, #tpu.memory_space<vmem>>)
          tpu.yield
        }) : () -> ()
        "tpu.region"() ({
          %run_scoped3A = tpu.sem_alloc : memref<!tpu.dma_semaphore, #tpu.memory_space<semaphore_mem>>
          %dma_start3A_52 = arith.constant 0 : i32
          %dma_start3A_53 = tpu.memref_slice %arg7[%add3A_47, %dma_start3A_52] : memref<1280x128xi32, #tpu.memory_space<hbm>> -> memref<1x128xi32, #tpu.memory_space<hbm>>
          %dma_start3A_54 = tpu.memref_squeeze %dma_start3A_53 : memref<1x128xi32, #tpu.memory_space<hbm>> -> memref<128xi32, #tpu.memory_space<hbm>>
          %dma_start3A_55 = arith.constant 0 : i32
          %dma_start3A_56 = tpu.memref_slice %arg7[%add3A_47, %dma_start3A_55] : memref<1280x128xi32, #tpu.memory_space<hbm>> -> memref<1x128xi32, #tpu.memory_space<hbm>>
          %dma_start3A_57 = tpu.memref_squeeze %dma_start3A_56 : memref<1x128xi32, #tpu.memory_space<hbm>> -> memref<128xi32, #tpu.memory_space<hbm>>
          tpu.enqueue_dma source(%dma_start3A_57 : memref<128xi32, #tpu.memory_space<hbm>>) target(%arg12 : memref<128xi32, #tpu.memory_space<vmem>>) target_semaphore(%run_scoped3A : memref<!tpu.dma_semaphore, #tpu.memory_space<semaphore_mem>>)
          %dma_wait3A_58 = arith.constant 0 : i32
          %dma_wait3A_59 = tpu.memref_slice %arg7[%add3A_47, %dma_wait3A_58] : memref<1280x128xi32, #tpu.memory_space<hbm>> -> memref<1x128xi32, #tpu.memory_space<hbm>>
          %dma_wait3A_60 = tpu.memref_squeeze %dma_wait3A_59 : memref<1x128xi32, #tpu.memory_space<hbm>> -> memref<128xi32, #tpu.memory_space<hbm>>
          %dma_wait3A_61 = arith.constant 0 : i32
          %dma_wait3A_62 = tpu.memref_slice %arg7[%add3A_47, %dma_wait3A_61] : memref<1280x128xi32, #tpu.memory_space<hbm>> -> memref<1x128xi32, #tpu.memory_space<hbm>>
          %dma_wait3A_63 = tpu.memref_squeeze %dma_wait3A_62 : memref<1x128xi32, #tpu.memory_space<hbm>> -> memref<128xi32, #tpu.memory_space<hbm>>
          tpu.wait_dma2 semaphore(%run_scoped3A : memref<!tpu.dma_semaphore, #tpu.memory_space<semaphore_mem>>) src(%dma_wait3A_63 : memref<128xi32, #tpu.memory_space<hbm>>) dst(%arg12 : memref<128xi32, #tpu.memory_space<vmem>>)
          tpu.yield
        }) : () -> ()
        %dma_start3A = arith.constant 0 : i32
        %dma_start3A_48 = arith.constant 0 : i32
        %dma_start3A_49 = tpu.memref_slice %arg3[%dma_start3A, %dma_start3A_48] : memref<10000x128xf32, #tpu.memory_space<hbm>> -> memref<10000x128xf32, #tpu.memory_space<hbm>>
        tpu.enqueue_indirect_dma source(%dma_start3A_49 : memref<10000x128xf32, #tpu.memory_space<hbm>>) target(%arg13 : memref<128x128xf32, #tpu.memory_space<vmem>>) offsets(%arg11 : memref<128xi32, #tpu.memory_space<vmem>>) semaphore(%arg15 : memref<!tpu.dma_semaphore, #tpu.memory_space<semaphore_mem>>)
        %dma_wait3A = arith.constant 0 : i32
        %dma_wait3A_50 = arith.constant 0 : i32
        %dma_wait3A_51 = tpu.memref_slice %arg3[%dma_wait3A, %dma_wait3A_50] : memref<10000x128xf32, #tpu.memory_space<hbm>> -> memref<10000x128xf32, #tpu.memory_space<hbm>>
        tpu.wait_indirect_dma semaphore(%arg15 : memref<!tpu.dma_semaphore, #tpu.memory_space<semaphore_mem>>) src(%dma_wait3A_51 : memref<10000x128xf32, #tpu.memory_space<hbm>>) dst(%arg13 : memref<128x128xf32, #tpu.memory_space<vmem>>)
        "tpu.region"() ({
          %run_scoped3A = tpu.sem_alloc : memref<!tpu.dma_semaphore, #tpu.memory_space<semaphore_mem>>
          %dma_start3A_52 = arith.constant 0 : i32
          %dma_start3A_53 = arith.constant 0 : i32
          %dma_start3A_54 = tpu.memref_slice %arg14[%dma_start3A_52, %dma_start3A_53] : memref<10240x128xf32, #tpu.memory_space<vmem_shared>> -> memref<10240x128xf32, #tpu.memory_space<vmem_shared>>
          tpu.enqueue_indirect_dma source(%arg13 : memref<128x128xf32, #tpu.memory_space<vmem>>) target(%dma_start3A_54 : memref<10240x128xf32, #tpu.memory_space<vmem_shared>>) offsets(%arg12 : memref<128xi32, #tpu.memory_space<vmem>>) semaphore(%run_scoped3A : memref<!tpu.dma_semaphore, #tpu.memory_space<semaphore_mem>>) {add = true}
          %dma_wait3A_55 = arith.constant 0 : i32
          %dma_wait3A_56 = arith.constant 0 : i32
          %dma_wait3A_57 = tpu.memref_slice %arg14[%dma_wait3A_55, %dma_wait3A_56] : memref<10240x128xf32, #tpu.memory_space<vmem_shared>> -> memref<10240x128xf32, #tpu.memory_space<vmem_shared>>
          tpu.wait_indirect_dma semaphore(%run_scoped3A : memref<!tpu.dma_semaphore, #tpu.memory_space<semaphore_mem>>) src(%arg13 : memref<128x128xf32, #tpu.memory_space<vmem>>) dst(%dma_wait3A_57 : memref<10240x128xf32, #tpu.memory_space<vmem_shared>>)
          tpu.yield
        }) : () -> ()
      }
      %scan3A_39 = arith.constant 80 : i32
    } else {
    }
    %barrier3A_25 = arith.constant 0 : index
    tpu.barrier barrier_id(%barrier3A_25)
    %eq3A_26 = arith.constant 0 : i32
    %eq3A_27 = arith.cmpi eq, %arg0, %eq3A_26 : i32
    %convert_element_type3A_28 = arith.extui %eq3A_27 : i1 to i32
    %cond3A_29 = arith.constant 0 : i32
    %cond3A_30 = arith.cmpi ne, %convert_element_type3A_28, %cond3A_29 : i32
    scf.if %cond3A_30 {
      %mul3A_36 = arith.constant 640 : i32
      %mul3A_37 = arith.muli %arg1, %mul3A_36 : i32
      %add3A_38 = arith.constant 0 : i32
      %add3A_39 = arith.addi %mul3A_37, %add3A_38 : i32
      "tpu.region"() ({
        %run_scoped3A = tpu.sem_alloc : memref<!tpu.dma_semaphore, #tpu.memory_space<semaphore_mem>>
        %dma_start3A = arith.constant 0 : i32
        %dma_start3A_56 = tpu.memref_slice %arg14[%add3A_39, %dma_start3A] : memref<10240x128xf32, #tpu.memory_space<vmem_shared>> -> memref<128x128xf32, #tpu.memory_space<vmem_shared>>
        %dma_start3A_57 = arith.constant 0 : i32
        %dma_start3A_58 = tpu.memref_slice %arg14[%add3A_39, %dma_start3A_57] : memref<10240x128xf32, #tpu.memory_space<vmem_shared>> -> memref<128x128xf32, #tpu.memory_space<vmem_shared>>
        tpu.enqueue_dma source(%dma_start3A_58 : memref<128x128xf32, #tpu.memory_space<vmem_shared>>) target(%arg13 : memref<128x128xf32, #tpu.memory_space<vmem>>) target_semaphore(%run_scoped3A : memref<!tpu.dma_semaphore, #tpu.memory_space<semaphore_mem>>)
        %dma_wait3A = arith.constant 0 : i32
        %dma_wait3A_59 = tpu.memref_slice %arg14[%add3A_39, %dma_wait3A] : memref<10240x128xf32, #tpu.memory_space<vmem_shared>> -> memref<128x128xf32, #tpu.memory_space<vmem_shared>>
        %dma_wait3A_60 = arith.constant 0 : i32
        %dma_wait3A_61 = tpu.memref_slice %arg14[%add3A_39, %dma_wait3A_60] : memref<10240x128xf32, #tpu.memory_space<vmem_shared>> -> memref<128x128xf32, #tpu.memory_space<vmem_shared>>
        tpu.wait_dma2 semaphore(%run_scoped3A : memref<!tpu.dma_semaphore, #tpu.memory_space<semaphore_mem>>) src(%dma_wait3A_61 : memref<128x128xf32, #tpu.memory_space<vmem_shared>>) dst(%arg13 : memref<128x128xf32, #tpu.memory_space<vmem>>)
        tpu.yield
      }) : () -> ()
      "tpu.region"() ({
        %run_scoped3A = tpu.sem_alloc : memref<!tpu.dma_semaphore, #tpu.memory_space<semaphore_mem>>
        %dma_start3A = arith.constant 0 : i32
        %dma_start3A_56 = tpu.memref_slice %arg9[%add3A_39, %dma_start3A] : memref<10240x128xf32, #tpu.memory_space<hbm>> -> memref<128x128xf32, #tpu.memory_space<hbm>>
        %dma_start3A_57 = arith.constant 0 : i32
        %dma_start3A_58 = tpu.memref_slice %arg9[%add3A_39, %dma_start3A_57] : memref<10240x128xf32, #tpu.memory_space<hbm>> -> memref<128x128xf32, #tpu.memory_space<hbm>>
        tpu.enqueue_dma source(%arg13 : memref<128x128xf32, #tpu.memory_space<vmem>>) target(%dma_start3A_58 : memref<128x128xf32, #tpu.memory_space<hbm>>) target_semaphore(%run_scoped3A : memref<!tpu.dma_semaphore, #tpu.memory_space<semaphore_mem>>)
        %dma_wait3A = arith.constant 0 : i32
        %dma_wait3A_59 = tpu.memref_slice %arg9[%add3A_39, %dma_wait3A] : memref<10240x128xf32, #tpu.memory_space<hbm>> -> memref<128x128xf32, #tpu.memory_space<hbm>>
        %dma_wait3A_60 = arith.constant 0 : i32
        %dma_wait3A_61 = tpu.memref_slice %arg9[%add3A_39, %dma_wait3A_60] : memref<10240x128xf32, #tpu.memory_space<hbm>> -> memref<128x128xf32, #tpu.memory_space<hbm>>
        tpu.wait_dma2 semaphore(%run_scoped3A : memref<!tpu.dma_semaphore, #tpu.memory_space<semaphore_mem>>) src(%arg13 : memref<128x128xf32, #tpu.memory_space<vmem>>) dst(%dma_wait3A_61 : memref<128x128xf32, #tpu.memory_space<hbm>>)
        tpu.yield
      }) : () -> ()
      %mul3A_40 = arith.constant 640 : i32
      %mul3A_41 = arith.muli %arg1, %mul3A_40 : i32
      %add3A_42 = arith.constant 128 : i32
      %add3A_43 = arith.addi %mul3A_41, %add3A_42 : i32
      "tpu.region"() ({
        %run_scoped3A = tpu.sem_alloc : memref<!tpu.dma_semaphore, #tpu.memory_space<semaphore_mem>>
        %dma_start3A = arith.constant 0 : i32
        %dma_start3A_56 = tpu.memref_slice %arg14[%add3A_43, %dma_start3A] : memref<10240x128xf32, #tpu.memory_space<vmem_shared>> -> memref<128x128xf32, #tpu.memory_space<vmem_shared>>
        %dma_start3A_57 = arith.constant 0 : i32
        %dma_start3A_58 = tpu.memref_slice %arg14[%add3A_43, %dma_start3A_57] : memref<10240x128xf32, #tpu.memory_space<vmem_shared>> -> memref<128x128xf32, #tpu.memory_space<vmem_shared>>
        tpu.enqueue_dma source(%dma_start3A_58 : memref<128x128xf32, #tpu.memory_space<vmem_shared>>) target(%arg13 : memref<128x128xf32, #tpu.memory_space<vmem>>) target_semaphore(%run_scoped3A : memref<!tpu.dma_semaphore, #tpu.memory_space<semaphore_mem>>)
        %dma_wait3A = arith.constant 0 : i32
        %dma_wait3A_59 = tpu.memref_slice %arg14[%add3A_43, %dma_wait3A] : memref<10240x128xf32, #tpu.memory_space<vmem_shared>> -> memref<128x128xf32, #tpu.memory_space<vmem_shared>>
        %dma_wait3A_60 = arith.constant 0 : i32
        %dma_wait3A_61 = tpu.memref_slice %arg14[%add3A_43, %dma_wait3A_60] : memref<10240x128xf32, #tpu.memory_space<vmem_shared>> -> memref<128x128xf32, #tpu.memory_space<vmem_shared>>
        tpu.wait_dma2 semaphore(%run_scoped3A : memref<!tpu.dma_semaphore, #tpu.memory_space<semaphore_mem>>) src(%dma_wait3A_61 : memref<128x128xf32, #tpu.memory_space<vmem_shared>>) dst(%arg13 : memref<128x128xf32, #tpu.memory_space<vmem>>)
        tpu.yield
      }) : () -> ()
      "tpu.region"() ({
        %run_scoped3A = tpu.sem_alloc : memref<!tpu.dma_semaphore, #tpu.memory_space<semaphore_mem>>
        %dma_start3A = arith.constant 0 : i32
        %dma_start3A_56 = tpu.memref_slice %arg9[%add3A_43, %dma_start3A] : memref<10240x128xf32, #tpu.memory_space<hbm>> -> memref<128x128xf32, #tpu.memory_space<hbm>>
        %dma_start3A_57 = arith.constant 0 : i32
        %dma_start3A_58 = tpu.memref_slice %arg9[%add3A_43, %dma_start3A_57] : memref<10240x128xf32, #tpu.memory_space<hbm>> -> memref<128x128xf32, #tpu.memory_space<hbm>>
        tpu.enqueue_dma source(%arg13 : memref<128x128xf32, #tpu.memory_space<vmem>>) target(%dma_start3A_58 : memref<128x128xf32, #tpu.memory_space<hbm>>) target_semaphore(%run_scoped3A : memref<!tpu.dma_semaphore, #tpu.memory_space<semaphore_mem>>)
        %dma_wait3A = arith.constant 0 : i32
        %dma_wait3A_59 = tpu.memref_slice %arg9[%add3A_43, %dma_wait3A] : memref<10240x128xf32, #tpu.memory_space<hbm>> -> memref<128x128xf32, #tpu.memory_space<hbm>>
        %dma_wait3A_60 = arith.constant 0 : i32
        %dma_wait3A_61 = tpu.memref_slice %arg9[%add3A_43, %dma_wait3A_60] : memref<10240x128xf32, #tpu.memory_space<hbm>> -> memref<128x128xf32, #tpu.memory_space<hbm>>
        tpu.wait_dma2 semaphore(%run_scoped3A : memref<!tpu.dma_semaphore, #tpu.memory_space<semaphore_mem>>) src(%arg13 : memref<128x128xf32, #tpu.memory_space<vmem>>) dst(%dma_wait3A_61 : memref<128x128xf32, #tpu.memory_space<hbm>>)
        tpu.yield
      }) : () -> ()
      %mul3A_44 = arith.constant 640 : i32
      %mul3A_45 = arith.muli %arg1, %mul3A_44 : i32
      %add3A_46 = arith.constant 256 : i32
      %add3A_47 = arith.addi %mul3A_45, %add3A_46 : i32
      "tpu.region"() ({
        %run_scoped3A = tpu.sem_alloc : memref<!tpu.dma_semaphore, #tpu.memory_space<semaphore_mem>>
        %dma_start3A = arith.constant 0 : i32
        %dma_start3A_56 = tpu.memref_slice %arg14[%add3A_47, %dma_start3A] : memref<10240x128xf32, #tpu.memory_space<vmem_shared>> -> memref<128x128xf32, #tpu.memory_space<vmem_shared>>
        %dma_start3A_57 = arith.constant 0 : i32
        %dma_start3A_58 = tpu.memref_slice %arg14[%add3A_47, %dma_start3A_57] : memref<10240x128xf32, #tpu.memory_space<vmem_shared>> -> memref<128x128xf32, #tpu.memory_space<vmem_shared>>
        tpu.enqueue_dma source(%dma_start3A_58 : memref<128x128xf32, #tpu.memory_space<vmem_shared>>) target(%arg13 : memref<128x128xf32, #tpu.memory_space<vmem>>) target_semaphore(%run_scoped3A : memref<!tpu.dma_semaphore, #tpu.memory_space<semaphore_mem>>)
        %dma_wait3A = arith.constant 0 : i32
        %dma_wait3A_59 = tpu.memref_slice %arg14[%add3A_47, %dma_wait3A] : memref<10240x128xf32, #tpu.memory_space<vmem_shared>> -> memref<128x128xf32, #tpu.memory_space<vmem_shared>>
        %dma_wait3A_60 = arith.constant 0 : i32
        %dma_wait3A_61 = tpu.memref_slice %arg14[%add3A_47, %dma_wait3A_60] : memref<10240x128xf32, #tpu.memory_space<vmem_shared>> -> memref<128x128xf32, #tpu.memory_space<vmem_shared>>
        tpu.wait_dma2 semaphore(%run_scoped3A : memref<!tpu.dma_semaphore, #tpu.memory_space<semaphore_mem>>) src(%dma_wait3A_61 : memref<128x128xf32, #tpu.memory_space<vmem_shared>>) dst(%arg13 : memref<128x128xf32, #tpu.memory_space<vmem>>)
        tpu.yield
      }) : () -> ()
      "tpu.region"() ({
        %run_scoped3A = tpu.sem_alloc : memref<!tpu.dma_semaphore, #tpu.memory_space<semaphore_mem>>
        %dma_start3A = arith.constant 0 : i32
        %dma_start3A_56 = tpu.memref_slice %arg9[%add3A_47, %dma_start3A] : memref<10240x128xf32, #tpu.memory_space<hbm>> -> memref<128x128xf32, #tpu.memory_space<hbm>>
        %dma_start3A_57 = arith.constant 0 : i32
        %dma_start3A_58 = tpu.memref_slice %arg9[%add3A_47, %dma_start3A_57] : memref<10240x128xf32, #tpu.memory_space<hbm>> -> memref<128x128xf32, #tpu.memory_space<hbm>>
        tpu.enqueue_dma source(%arg13 : memref<128x128xf32, #tpu.memory_space<vmem>>) target(%dma_start3A_58 : memref<128x128xf32, #tpu.memory_space<hbm>>) target_semaphore(%run_scoped3A : memref<!tpu.dma_semaphore, #tpu.memory_space<semaphore_mem>>)
        %dma_wait3A = arith.constant 0 : i32
        %dma_wait3A_59 = tpu.memref_slice %arg9[%add3A_47, %dma_wait3A] : memref<10240x128xf32, #tpu.memory_space<hbm>> -> memref<128x128xf32, #tpu.memory_space<hbm>>
        %dma_wait3A_60 = arith.constant 0 : i32
        %dma_wait3A_61 = tpu.memref_slice %arg9[%add3A_47, %dma_wait3A_60] : memref<10240x128xf32, #tpu.memory_space<hbm>> -> memref<128x128xf32, #tpu.memory_space<hbm>>
        tpu.wait_dma2 semaphore(%run_scoped3A : memref<!tpu.dma_semaphore, #tpu.memory_space<semaphore_mem>>) src(%arg13 : memref<128x128xf32, #tpu.memory_space<vmem>>) dst(%dma_wait3A_61 : memref<128x128xf32, #tpu.memory_space<hbm>>)
        tpu.yield
      }) : () -> ()
      %mul3A_48 = arith.constant 640 : i32
      %mul3A_49 = arith.muli %arg1, %mul3A_48 : i32
      %add3A_50 = arith.constant 384 : i32
      %add3A_51 = arith.addi %mul3A_49, %add3A_50 : i32
      "tpu.region"() ({
        %run_scoped3A = tpu.sem_alloc : memref<!tpu.dma_semaphore, #tpu.memory_space<semaphore_mem>>
        %dma_start3A = arith.constant 0 : i32
        %dma_start3A_56 = tpu.memref_slice %arg14[%add3A_51, %dma_start3A] : memref<10240x128xf32, #tpu.memory_space<vmem_shared>> -> memref<128x128xf32, #tpu.memory_space<vmem_shared>>
        %dma_start3A_57 = arith.constant 0 : i32
        %dma_start3A_58 = tpu.memref_slice %arg14[%add3A_51, %dma_start3A_57] : memref<10240x128xf32, #tpu.memory_space<vmem_shared>> -> memref<128x128xf32, #tpu.memory_space<vmem_shared>>
        tpu.enqueue_dma source(%dma_start3A_58 : memref<128x128xf32, #tpu.memory_space<vmem_shared>>) target(%arg13 : memref<128x128xf32, #tpu.memory_space<vmem>>) target_semaphore(%run_scoped3A : memref<!tpu.dma_semaphore, #tpu.memory_space<semaphore_mem>>)
        %dma_wait3A = arith.constant 0 : i32
        %dma_wait3A_59 = tpu.memref_slice %arg14[%add3A_51, %dma_wait3A] : memref<10240x128xf32, #tpu.memory_space<vmem_shared>> -> memref<128x128xf32, #tpu.memory_space<vmem_shared>>
        %dma_wait3A_60 = arith.constant 0 : i32
        %dma_wait3A_61 = tpu.memref_slice %arg14[%add3A_51, %dma_wait3A_60] : memref<10240x128xf32, #tpu.memory_space<vmem_shared>> -> memref<128x128xf32, #tpu.memory_space<vmem_shared>>
        tpu.wait_dma2 semaphore(%run_scoped3A : memref<!tpu.dma_semaphore, #tpu.memory_space<semaphore_mem>>) src(%dma_wait3A_61 : memref<128x128xf32, #tpu.memory_space<vmem_shared>>) dst(%arg13 : memref<128x128xf32, #tpu.memory_space<vmem>>)
        tpu.yield
      }) : () -> ()
      "tpu.region"() ({
        %run_scoped3A = tpu.sem_alloc : memref<!tpu.dma_semaphore, #tpu.memory_space<semaphore_mem>>
        %dma_start3A = arith.constant 0 : i32
        %dma_start3A_56 = tpu.memref_slice %arg9[%add3A_51, %dma_start3A] : memref<10240x128xf32, #tpu.memory_space<hbm>> -> memref<128x128xf32, #tpu.memory_space<hbm>>
        %dma_start3A_57 = arith.constant 0 : i32
        %dma_start3A_58 = tpu.memref_slice %arg9[%add3A_51, %dma_start3A_57] : memref<10240x128xf32, #tpu.memory_space<hbm>> -> memref<128x128xf32, #tpu.memory_space<hbm>>
        tpu.enqueue_dma source(%arg13 : memref<128x128xf32, #tpu.memory_space<vmem>>) target(%dma_start3A_58 : memref<128x128xf32, #tpu.memory_space<hbm>>) target_semaphore(%run_scoped3A : memref<!tpu.dma_semaphore, #tpu.memory_space<semaphore_mem>>)
        %dma_wait3A = arith.constant 0 : i32
        %dma_wait3A_59 = tpu.memref_slice %arg9[%add3A_51, %dma_wait3A] : memref<10240x128xf32, #tpu.memory_space<hbm>> -> memref<128x128xf32, #tpu.memory_space<hbm>>
        %dma_wait3A_60 = arith.constant 0 : i32
        %dma_wait3A_61 = tpu.memref_slice %arg9[%add3A_51, %dma_wait3A_60] : memref<10240x128xf32, #tpu.memory_space<hbm>> -> memref<128x128xf32, #tpu.memory_space<hbm>>
        tpu.wait_dma2 semaphore(%run_scoped3A : memref<!tpu.dma_semaphore, #tpu.memory_space<semaphore_mem>>) src(%arg13 : memref<128x128xf32, #tpu.memory_space<vmem>>) dst(%dma_wait3A_61 : memref<128x128xf32, #tpu.memory_space<hbm>>)
        tpu.yield
      }) : () -> ()
      %mul3A_52 = arith.constant 640 : i32
      %mul3A_53 = arith.muli %arg1, %mul3A_52 : i32
      %add3A_54 = arith.constant 512 : i32
      %add3A_55 = arith.addi %mul3A_53, %add3A_54 : i32
      "tpu.region"() ({
        %run_scoped3A = tpu.sem_alloc : memref<!tpu.dma_semaphore, #tpu.memory_space<semaphore_mem>>
        %dma_start3A = arith.constant 0 : i32
        %dma_start3A_56 = tpu.memref_slice %arg14[%add3A_55, %dma_start3A] : memref<10240x128xf32, #tpu.memory_space<vmem_shared>> -> memref<128x128xf32, #tpu.memory_space<vmem_shared>>
        %dma_start3A_57 = arith.constant 0 : i32
        %dma_start3A_58 = tpu.memref_slice %arg14[%add3A_55, %dma_start3A_57] : memref<10240x128xf32, #tpu.memory_space<vmem_shared>> -> memref<128x128xf32, #tpu.memory_space<vmem_shared>>
        tpu.enqueue_dma source(%dma_start3A_58 : memref<128x128xf32, #tpu.memory_space<vmem_shared>>) target(%arg13 : memref<128x128xf32, #tpu.memory_space<vmem>>) target_semaphore(%run_scoped3A : memref<!tpu.dma_semaphore, #tpu.memory_space<semaphore_mem>>)
        %dma_wait3A = arith.constant 0 : i32
        %dma_wait3A_59 = tpu.memref_slice %arg14[%add3A_55, %dma_wait3A] : memref<10240x128xf32, #tpu.memory_space<vmem_shared>> -> memref<128x128xf32, #tpu.memory_space<vmem_shared>>
        %dma_wait3A_60 = arith.constant 0 : i32
        %dma_wait3A_61 = tpu.memref_slice %arg14[%add3A_55, %dma_wait3A_60] : memref<10240x128xf32, #tpu.memory_space<vmem_shared>> -> memref<128x128xf32, #tpu.memory_space<vmem_shared>>
        tpu.wait_dma2 semaphore(%run_scoped3A : memref<!tpu.dma_semaphore, #tpu.memory_space<semaphore_mem>>) src(%dma_wait3A_61 : memref<128x128xf32, #tpu.memory_space<vmem_shared>>) dst(%arg13 : memref<128x128xf32, #tpu.memory_space<vmem>>)
        tpu.yield
      }) : () -> ()
      "tpu.region"() ({
        %run_scoped3A = tpu.sem_alloc : memref<!tpu.dma_semaphore, #tpu.memory_space<semaphore_mem>>
        %dma_start3A = arith.constant 0 : i32
        %dma_start3A_56 = tpu.memref_slice %arg9[%add3A_55, %dma_start3A] : memref<10240x128xf32, #tpu.memory_space<hbm>> -> memref<128x128xf32, #tpu.memory_space<hbm>>
        %dma_start3A_57 = arith.constant 0 : i32
        %dma_start3A_58 = tpu.memref_slice %arg9[%add3A_55, %dma_start3A_57] : memref<10240x128xf32, #tpu.memory_space<hbm>> -> memref<128x128xf32, #tpu.memory_space<hbm>>
        tpu.enqueue_dma source(%arg13 : memref<128x128xf32, #tpu.memory_space<vmem>>) target(%dma_start3A_58 : memref<128x128xf32, #tpu.memory_space<hbm>>) target_semaphore(%run_scoped3A : memref<!tpu.dma_semaphore, #tpu.memory_space<semaphore_mem>>)
        %dma_wait3A = arith.constant 0 : i32
        %dma_wait3A_59 = tpu.memref_slice %arg9[%add3A_55, %dma_wait3A] : memref<10240x128xf32, #tpu.memory_space<hbm>> -> memref<128x128xf32, #tpu.memory_space<hbm>>
        %dma_wait3A_60 = arith.constant 0 : i32
        %dma_wait3A_61 = tpu.memref_slice %arg9[%add3A_55, %dma_wait3A_60] : memref<10240x128xf32, #tpu.memory_space<hbm>> -> memref<128x128xf32, #tpu.memory_space<hbm>>
        tpu.wait_dma2 semaphore(%run_scoped3A : memref<!tpu.dma_semaphore, #tpu.memory_space<semaphore_mem>>) src(%arg13 : memref<128x128xf32, #tpu.memory_space<vmem>>) dst(%dma_wait3A_61 : memref<128x128xf32, #tpu.memory_space<hbm>>)
        tpu.yield
      }) : () -> ()
    } else {
    }
    %eq3A_31 = arith.constant 1 : i32
    %eq3A_32 = arith.cmpi eq, %arg0, %eq3A_31 : i32
    %convert_element_type3A_33 = arith.extui %eq3A_32 : i1 to i32
    %cond3A_34 = arith.constant 0 : i32
    %cond3A_35 = arith.cmpi ne, %convert_element_type3A_33, %cond3A_34 : i32
    scf.if %cond3A_35 {
      %mul3A_36 = arith.constant 640 : i32
      %mul3A_37 = arith.muli %arg1, %mul3A_36 : i32
      %add3A_38 = arith.constant 0 : i32
      %add3A_39 = arith.addi %mul3A_37, %add3A_38 : i32
      "tpu.region"() ({
        %run_scoped3A = tpu.sem_alloc : memref<!tpu.dma_semaphore, #tpu.memory_space<semaphore_mem>>
        %dma_start3A = arith.constant 0 : i32
        %dma_start3A_56 = tpu.memref_slice %arg14[%add3A_39, %dma_start3A] : memref<10240x128xf32, #tpu.memory_space<vmem_shared>> -> memref<128x128xf32, #tpu.memory_space<vmem_shared>>
        %dma_start3A_57 = arith.constant 0 : i32
        %dma_start3A_58 = tpu.memref_slice %arg14[%add3A_39, %dma_start3A_57] : memref<10240x128xf32, #tpu.memory_space<vmem_shared>> -> memref<128x128xf32, #tpu.memory_space<vmem_shared>>
        tpu.enqueue_dma source(%dma_start3A_58 : memref<128x128xf32, #tpu.memory_space<vmem_shared>>) target(%arg13 : memref<128x128xf32, #tpu.memory_space<vmem>>) target_semaphore(%run_scoped3A : memref<!tpu.dma_semaphore, #tpu.memory_space<semaphore_mem>>)
        %dma_wait3A = arith.constant 0 : i32
        %dma_wait3A_59 = tpu.memref_slice %arg14[%add3A_39, %dma_wait3A] : memref<10240x128xf32, #tpu.memory_space<vmem_shared>> -> memref<128x128xf32, #tpu.memory_space<vmem_shared>>
        %dma_wait3A_60 = arith.constant 0 : i32
        %dma_wait3A_61 = tpu.memref_slice %arg14[%add3A_39, %dma_wait3A_60] : memref<10240x128xf32, #tpu.memory_space<vmem_shared>> -> memref<128x128xf32, #tpu.memory_space<vmem_shared>>
        tpu.wait_dma2 semaphore(%run_scoped3A : memref<!tpu.dma_semaphore, #tpu.memory_space<semaphore_mem>>) src(%dma_wait3A_61 : memref<128x128xf32, #tpu.memory_space<vmem_shared>>) dst(%arg13 : memref<128x128xf32, #tpu.memory_space<vmem>>)
        tpu.yield
      }) : () -> ()
      "tpu.region"() ({
        %run_scoped3A = tpu.sem_alloc : memref<!tpu.dma_semaphore, #tpu.memory_space<semaphore_mem>>
        %dma_start3A = arith.constant 0 : i32
        %dma_start3A_56 = tpu.memref_slice %arg10[%add3A_39, %dma_start3A] : memref<10240x128xf32, #tpu.memory_space<hbm>> -> memref<128x128xf32, #tpu.memory_space<hbm>>
        %dma_start3A_57 = arith.constant 0 : i32
        %dma_start3A_58 = tpu.memref_slice %arg10[%add3A_39, %dma_start3A_57] : memref<10240x128xf32, #tpu.memory_space<hbm>> -> memref<128x128xf32, #tpu.memory_space<hbm>>
        tpu.enqueue_dma source(%arg13 : memref<128x128xf32, #tpu.memory_space<vmem>>) target(%dma_start3A_58 : memref<128x128xf32, #tpu.memory_space<hbm>>) target_semaphore(%run_scoped3A : memref<!tpu.dma_semaphore, #tpu.memory_space<semaphore_mem>>)
        %dma_wait3A = arith.constant 0 : i32
        %dma_wait3A_59 = tpu.memref_slice %arg10[%add3A_39, %dma_wait3A] : memref<10240x128xf32, #tpu.memory_space<hbm>> -> memref<128x128xf32, #tpu.memory_space<hbm>>
        %dma_wait3A_60 = arith.constant 0 : i32
        %dma_wait3A_61 = tpu.memref_slice %arg10[%add3A_39, %dma_wait3A_60] : memref<10240x128xf32, #tpu.memory_space<hbm>> -> memref<128x128xf32, #tpu.memory_space<hbm>>
        tpu.wait_dma2 semaphore(%run_scoped3A : memref<!tpu.dma_semaphore, #tpu.memory_space<semaphore_mem>>) src(%arg13 : memref<128x128xf32, #tpu.memory_space<vmem>>) dst(%dma_wait3A_61 : memref<128x128xf32, #tpu.memory_space<hbm>>)
        tpu.yield
      }) : () -> ()
      %mul3A_40 = arith.constant 640 : i32
      %mul3A_41 = arith.muli %arg1, %mul3A_40 : i32
      %add3A_42 = arith.constant 128 : i32
      %add3A_43 = arith.addi %mul3A_41, %add3A_42 : i32
      "tpu.region"() ({
        %run_scoped3A = tpu.sem_alloc : memref<!tpu.dma_semaphore, #tpu.memory_space<semaphore_mem>>
        %dma_start3A = arith.constant 0 : i32
        %dma_start3A_56 = tpu.memref_slice %arg14[%add3A_43, %dma_start3A] : memref<10240x128xf32, #tpu.memory_space<vmem_shared>> -> memref<128x128xf32, #tpu.memory_space<vmem_shared>>
        %dma_start3A_57 = arith.constant 0 : i32
        %dma_start3A_58 = tpu.memref_slice %arg14[%add3A_43, %dma_start3A_57] : memref<10240x128xf32, #tpu.memory_space<vmem_shared>> -> memref<128x128xf32, #tpu.memory_space<vmem_shared>>
        tpu.enqueue_dma source(%dma_start3A_58 : memref<128x128xf32, #tpu.memory_space<vmem_shared>>) target(%arg13 : memref<128x128xf32, #tpu.memory_space<vmem>>) target_semaphore(%run_scoped3A : memref<!tpu.dma_semaphore, #tpu.memory_space<semaphore_mem>>)
        %dma_wait3A = arith.constant 0 : i32
        %dma_wait3A_59 = tpu.memref_slice %arg14[%add3A_43, %dma_wait3A] : memref<10240x128xf32, #tpu.memory_space<vmem_shared>> -> memref<128x128xf32, #tpu.memory_space<vmem_shared>>
        %dma_wait3A_60 = arith.constant 0 : i32
        %dma_wait3A_61 = tpu.memref_slice %arg14[%add3A_43, %dma_wait3A_60] : memref<10240x128xf32, #tpu.memory_space<vmem_shared>> -> memref<128x128xf32, #tpu.memory_space<vmem_shared>>
        tpu.wait_dma2 semaphore(%run_scoped3A : memref<!tpu.dma_semaphore, #tpu.memory_space<semaphore_mem>>) src(%dma_wait3A_61 : memref<128x128xf32, #tpu.memory_space<vmem_shared>>) dst(%arg13 : memref<128x128xf32, #tpu.memory_space<vmem>>)
        tpu.yield
      }) : () -> ()
      "tpu.region"() ({
        %run_scoped3A = tpu.sem_alloc : memref<!tpu.dma_semaphore, #tpu.memory_space<semaphore_mem>>
        %dma_start3A = arith.constant 0 : i32
        %dma_start3A_56 = tpu.memref_slice %arg10[%add3A_43, %dma_start3A] : memref<10240x128xf32, #tpu.memory_space<hbm>> -> memref<128x128xf32, #tpu.memory_space<hbm>>
        %dma_start3A_57 = arith.constant 0 : i32
        %dma_start3A_58 = tpu.memref_slice %arg10[%add3A_43, %dma_start3A_57] : memref<10240x128xf32, #tpu.memory_space<hbm>> -> memref<128x128xf32, #tpu.memory_space<hbm>>
        tpu.enqueue_dma source(%arg13 : memref<128x128xf32, #tpu.memory_space<vmem>>) target(%dma_start3A_58 : memref<128x128xf32, #tpu.memory_space<hbm>>) target_semaphore(%run_scoped3A : memref<!tpu.dma_semaphore, #tpu.memory_space<semaphore_mem>>)
        %dma_wait3A = arith.constant 0 : i32
        %dma_wait3A_59 = tpu.memref_slice %arg10[%add3A_43, %dma_wait3A] : memref<10240x128xf32, #tpu.memory_space<hbm>> -> memref<128x128xf32, #tpu.memory_space<hbm>>
        %dma_wait3A_60 = arith.constant 0 : i32
        %dma_wait3A_61 = tpu.memref_slice %arg10[%add3A_43, %dma_wait3A_60] : memref<10240x128xf32, #tpu.memory_space<hbm>> -> memref<128x128xf32, #tpu.memory_space<hbm>>
        tpu.wait_dma2 semaphore(%run_scoped3A : memref<!tpu.dma_semaphore, #tpu.memory_space<semaphore_mem>>) src(%arg13 : memref<128x128xf32, #tpu.memory_space<vmem>>) dst(%dma_wait3A_61 : memref<128x128xf32, #tpu.memory_space<hbm>>)
        tpu.yield
      }) : () -> ()
      %mul3A_44 = arith.constant 640 : i32
      %mul3A_45 = arith.muli %arg1, %mul3A_44 : i32
      %add3A_46 = arith.constant 256 : i32
      %add3A_47 = arith.addi %mul3A_45, %add3A_46 : i32
      "tpu.region"() ({
        %run_scoped3A = tpu.sem_alloc : memref<!tpu.dma_semaphore, #tpu.memory_space<semaphore_mem>>
        %dma_start3A = arith.constant 0 : i32
        %dma_start3A_56 = tpu.memref_slice %arg14[%add3A_47, %dma_start3A] : memref<10240x128xf32, #tpu.memory_space<vmem_shared>> -> memref<128x128xf32, #tpu.memory_space<vmem_shared>>
        %dma_start3A_57 = arith.constant 0 : i32
        %dma_start3A_58 = tpu.memref_slice %arg14[%add3A_47, %dma_start3A_57] : memref<10240x128xf32, #tpu.memory_space<vmem_shared>> -> memref<128x128xf32, #tpu.memory_space<vmem_shared>>
        tpu.enqueue_dma source(%dma_start3A_58 : memref<128x128xf32, #tpu.memory_space<vmem_shared>>) target(%arg13 : memref<128x128xf32, #tpu.memory_space<vmem>>) target_semaphore(%run_scoped3A : memref<!tpu.dma_semaphore, #tpu.memory_space<semaphore_mem>>)
        %dma_wait3A = arith.constant 0 : i32
        %dma_wait3A_59 = tpu.memref_slice %arg14[%add3A_47, %dma_wait3A] : memref<10240x128xf32, #tpu.memory_space<vmem_shared>> -> memref<128x128xf32, #tpu.memory_space<vmem_shared>>
        %dma_wait3A_60 = arith.constant 0 : i32
        %dma_wait3A_61 = tpu.memref_slice %arg14[%add3A_47, %dma_wait3A_60] : memref<10240x128xf32, #tpu.memory_space<vmem_shared>> -> memref<128x128xf32, #tpu.memory_space<vmem_shared>>
        tpu.wait_dma2 semaphore(%run_scoped3A : memref<!tpu.dma_semaphore, #tpu.memory_space<semaphore_mem>>) src(%dma_wait3A_61 : memref<128x128xf32, #tpu.memory_space<vmem_shared>>) dst(%arg13 : memref<128x128xf32, #tpu.memory_space<vmem>>)
        tpu.yield
      }) : () -> ()
      "tpu.region"() ({
        %run_scoped3A = tpu.sem_alloc : memref<!tpu.dma_semaphore, #tpu.memory_space<semaphore_mem>>
        %dma_start3A = arith.constant 0 : i32
        %dma_start3A_56 = tpu.memref_slice %arg10[%add3A_47, %dma_start3A] : memref<10240x128xf32, #tpu.memory_space<hbm>> -> memref<128x128xf32, #tpu.memory_space<hbm>>
        %dma_start3A_57 = arith.constant 0 : i32
        %dma_start3A_58 = tpu.memref_slice %arg10[%add3A_47, %dma_start3A_57] : memref<10240x128xf32, #tpu.memory_space<hbm>> -> memref<128x128xf32, #tpu.memory_space<hbm>>
        tpu.enqueue_dma source(%arg13 : memref<128x128xf32, #tpu.memory_space<vmem>>) target(%dma_start3A_58 : memref<128x128xf32, #tpu.memory_space<hbm>>) target_semaphore(%run_scoped3A : memref<!tpu.dma_semaphore, #tpu.memory_space<semaphore_mem>>)
        %dma_wait3A = arith.constant 0 : i32
        %dma_wait3A_59 = tpu.memref_slice %arg10[%add3A_47, %dma_wait3A] : memref<10240x128xf32, #tpu.memory_space<hbm>> -> memref<128x128xf32, #tpu.memory_space<hbm>>
        %dma_wait3A_60 = arith.constant 0 : i32
        %dma_wait3A_61 = tpu.memref_slice %arg10[%add3A_47, %dma_wait3A_60] : memref<10240x128xf32, #tpu.memory_space<hbm>> -> memref<128x128xf32, #tpu.memory_space<hbm>>
        tpu.wait_dma2 semaphore(%run_scoped3A : memref<!tpu.dma_semaphore, #tpu.memory_space<semaphore_mem>>) src(%arg13 : memref<128x128xf32, #tpu.memory_space<vmem>>) dst(%dma_wait3A_61 : memref<128x128xf32, #tpu.memory_space<hbm>>)
        tpu.yield
      }) : () -> ()
      %mul3A_48 = arith.constant 640 : i32
      %mul3A_49 = arith.muli %arg1, %mul3A_48 : i32
      %add3A_50 = arith.constant 384 : i32
      %add3A_51 = arith.addi %mul3A_49, %add3A_50 : i32
      "tpu.region"() ({
        %run_scoped3A = tpu.sem_alloc : memref<!tpu.dma_semaphore, #tpu.memory_space<semaphore_mem>>
        %dma_start3A = arith.constant 0 : i32
        %dma_start3A_56 = tpu.memref_slice %arg14[%add3A_51, %dma_start3A] : memref<10240x128xf32, #tpu.memory_space<vmem_shared>> -> memref<128x128xf32, #tpu.memory_space<vmem_shared>>
        %dma_start3A_57 = arith.constant 0 : i32
        %dma_start3A_58 = tpu.memref_slice %arg14[%add3A_51, %dma_start3A_57] : memref<10240x128xf32, #tpu.memory_space<vmem_shared>> -> memref<128x128xf32, #tpu.memory_space<vmem_shared>>
        tpu.enqueue_dma source(%dma_start3A_58 : memref<128x128xf32, #tpu.memory_space<vmem_shared>>) target(%arg13 : memref<128x128xf32, #tpu.memory_space<vmem>>) target_semaphore(%run_scoped3A : memref<!tpu.dma_semaphore, #tpu.memory_space<semaphore_mem>>)
        %dma_wait3A = arith.constant 0 : i32
        %dma_wait3A_59 = tpu.memref_slice %arg14[%add3A_51, %dma_wait3A] : memref<10240x128xf32, #tpu.memory_space<vmem_shared>> -> memref<128x128xf32, #tpu.memory_space<vmem_shared>>
        %dma_wait3A_60 = arith.constant 0 : i32
        %dma_wait3A_61 = tpu.memref_slice %arg14[%add3A_51, %dma_wait3A_60] : memref<10240x128xf32, #tpu.memory_space<vmem_shared>> -> memref<128x128xf32, #tpu.memory_space<vmem_shared>>
        tpu.wait_dma2 semaphore(%run_scoped3A : memref<!tpu.dma_semaphore, #tpu.memory_space<semaphore_mem>>) src(%dma_wait3A_61 : memref<128x128xf32, #tpu.memory_space<vmem_shared>>) dst(%arg13 : memref<128x128xf32, #tpu.memory_space<vmem>>)
        tpu.yield
      }) : () -> ()
      "tpu.region"() ({
        %run_scoped3A = tpu.sem_alloc : memref<!tpu.dma_semaphore, #tpu.memory_space<semaphore_mem>>
        %dma_start3A = arith.constant 0 : i32
        %dma_start3A_56 = tpu.memref_slice %arg10[%add3A_51, %dma_start3A] : memref<10240x128xf32, #tpu.memory_space<hbm>> -> memref<128x128xf32, #tpu.memory_space<hbm>>
        %dma_start3A_57 = arith.constant 0 : i32
        %dma_start3A_58 = tpu.memref_slice %arg10[%add3A_51, %dma_start3A_57] : memref<10240x128xf32, #tpu.memory_space<hbm>> -> memref<128x128xf32, #tpu.memory_space<hbm>>
        tpu.enqueue_dma source(%arg13 : memref<128x128xf32, #tpu.memory_space<vmem>>) target(%dma_start3A_58 : memref<128x128xf32, #tpu.memory_space<hbm>>) target_semaphore(%run_scoped3A : memref<!tpu.dma_semaphore, #tpu.memory_space<semaphore_mem>>)
        %dma_wait3A = arith.constant 0 : i32
        %dma_wait3A_59 = tpu.memref_slice %arg10[%add3A_51, %dma_wait3A] : memref<10240x128xf32, #tpu.memory_space<hbm>> -> memref<128x128xf32, #tpu.memory_space<hbm>>
        %dma_wait3A_60 = arith.constant 0 : i32
        %dma_wait3A_61 = tpu.memref_slice %arg10[%add3A_51, %dma_wait3A_60] : memref<10240x128xf32, #tpu.memory_space<hbm>> -> memref<128x128xf32, #tpu.memory_space<hbm>>
        tpu.wait_dma2 semaphore(%run_scoped3A : memref<!tpu.dma_semaphore, #tpu.memory_space<semaphore_mem>>) src(%arg13 : memref<128x128xf32, #tpu.memory_space<vmem>>) dst(%dma_wait3A_61 : memref<128x128xf32, #tpu.memory_space<hbm>>)
        tpu.yield
      }) : () -> ()
      %mul3A_52 = arith.constant 640 : i32
      %mul3A_53 = arith.muli %arg1, %mul3A_52 : i32
      %add3A_54 = arith.constant 512 : i32
      %add3A_55 = arith.addi %mul3A_53, %add3A_54 : i32
      "tpu.region"() ({
        %run_scoped3A = tpu.sem_alloc : memref<!tpu.dma_semaphore, #tpu.memory_space<semaphore_mem>>
        %dma_start3A = arith.constant 0 : i32
        %dma_start3A_56 = tpu.memref_slice %arg14[%add3A_55, %dma_start3A] : memref<10240x128xf32, #tpu.memory_space<vmem_shared>> -> memref<128x128xf32, #tpu.memory_space<vmem_shared>>
        %dma_start3A_57 = arith.constant 0 : i32
        %dma_start3A_58 = tpu.memref_slice %arg14[%add3A_55, %dma_start3A_57] : memref<10240x128xf32, #tpu.memory_space<vmem_shared>> -> memref<128x128xf32, #tpu.memory_space<vmem_shared>>
        tpu.enqueue_dma source(%dma_start3A_58 : memref<128x128xf32, #tpu.memory_space<vmem_shared>>) target(%arg13 : memref<128x128xf32, #tpu.memory_space<vmem>>) target_semaphore(%run_scoped3A : memref<!tpu.dma_semaphore, #tpu.memory_space<semaphore_mem>>)
        %dma_wait3A = arith.constant 0 : i32
        %dma_wait3A_59 = tpu.memref_slice %arg14[%add3A_55, %dma_wait3A] : memref<10240x128xf32, #tpu.memory_space<vmem_shared>> -> memref<128x128xf32, #tpu.memory_space<vmem_shared>>
        %dma_wait3A_60 = arith.constant 0 : i32
        %dma_wait3A_61 = tpu.memref_slice %arg14[%add3A_55, %dma_wait3A_60] : memref<10240x128xf32, #tpu.memory_space<vmem_shared>> -> memref<128x128xf32, #tpu.memory_space<vmem_shared>>
        tpu.wait_dma2 semaphore(%run_scoped3A : memref<!tpu.dma_semaphore, #tpu.memory_space<semaphore_mem>>) src(%dma_wait3A_61 : memref<128x128xf32, #tpu.memory_space<vmem_shared>>) dst(%arg13 : memref<128x128xf32, #tpu.memory_space<vmem>>)
        tpu.yield
      }) : () -> ()
      "tpu.region"() ({
        %run_scoped3A = tpu.sem_alloc : memref<!tpu.dma_semaphore, #tpu.memory_space<semaphore_mem>>
        %dma_start3A = arith.constant 0 : i32
        %dma_start3A_56 = tpu.memref_slice %arg10[%add3A_55, %dma_start3A] : memref<10240x128xf32, #tpu.memory_space<hbm>> -> memref<128x128xf32, #tpu.memory_space<hbm>>
        %dma_start3A_57 = arith.constant 0 : i32
        %dma_start3A_58 = tpu.memref_slice %arg10[%add3A_55, %dma_start3A_57] : memref<10240x128xf32, #tpu.memory_space<hbm>> -> memref<128x128xf32, #tpu.memory_space<hbm>>
        tpu.enqueue_dma source(%arg13 : memref<128x128xf32, #tpu.memory_space<vmem>>) target(%dma_start3A_58 : memref<128x128xf32, #tpu.memory_space<hbm>>) target_semaphore(%run_scoped3A : memref<!tpu.dma_semaphore, #tpu.memory_space<semaphore_mem>>)
        %dma_wait3A = arith.constant 0 : i32
        %dma_wait3A_59 = tpu.memref_slice %arg10[%add3A_55, %dma_wait3A] : memref<10240x128xf32, #tpu.memory_space<hbm>> -> memref<128x128xf32, #tpu.memory_space<hbm>>
        %dma_wait3A_60 = arith.constant 0 : i32
        %dma_wait3A_61 = tpu.memref_slice %arg10[%add3A_55, %dma_wait3A_60] : memref<10240x128xf32, #tpu.memory_space<hbm>> -> memref<128x128xf32, #tpu.memory_space<hbm>>
        tpu.wait_dma2 semaphore(%run_scoped3A : memref<!tpu.dma_semaphore, #tpu.memory_space<semaphore_mem>>) src(%arg13 : memref<128x128xf32, #tpu.memory_space<vmem>>) dst(%dma_wait3A_61 : memref<128x128xf32, #tpu.memory_space<hbm>>)
        tpu.yield
      }) : () -> ()
    } else {
    }
    return
  }
}

#map = affine_map<(d0, d1) -> (0, 0)>
module attributes {stable_mosaic.version = 14 : i64} {
  func.func @body(%arg0: i32, %arg1: i32, %arg2: memref<10000x128xf32, #tpu.memory_space<hbm>>, %arg3: memref<10000x128xf32, #tpu.memory_space<hbm>>, %arg4: memref<1280x128xi32, #tpu.memory_space<hbm>>, %arg5: memref<1280x128xi32, #tpu.memory_space<hbm>>, %arg6: memref<1280x128xi32, #tpu.memory_space<hbm>>, %arg7: memref<1280x128xi32, #tpu.memory_space<hbm>>, %arg8: memref<128x128xf32, #tpu.memory_space<hbm>>, %arg9: memref<10240x128xf32, #tpu.memory_space<hbm>>, %arg10: memref<10240x128xf32, #tpu.memory_space<hbm>>, %arg11: memref<128xi32, #tpu.memory_space<vmem>>, %arg12: memref<128xi32, #tpu.memory_space<vmem>>, %arg13: memref<128x128xf32, #tpu.memory_space<vmem>>, %arg14: memref<10240x128xf32, #tpu.memory_space<vmem_shared>>, %arg15: memref<!tpu.dma_semaphore, #tpu.memory_space<semaphore_mem>>) attributes {dimension_semantics = [#tpu.dimension_semantics<core_parallel>, #tpu.dimension_semantics<subcore_parallel>], iteration_bounds = array<i64: 2, 16>, scalar_prefetch = 0 : i64, scratch_operands = 5 : i64, tpu.core_type = #tpu.core_type<sc_vector_subcore>, window_params = [{transform_indices = #map}, {transform_indices = #map}, {transform_indices = #map}, {transform_indices = #map}, {transform_indices = #map}, {transform_indices = #map}, {transform_indices = #map}, {transform_indices = #map}, {transform_indices = #map}]} {
    "tpu.region"() ({
      %run_scoped3A = tpu.sem_alloc : memref<!tpu.dma_semaphore, #tpu.memory_space<semaphore_mem>>
      tpu.enqueue_dma source(%arg8 : memref<128x128xf32, #tpu.memory_space<hbm>>) target(%arg13 : memref<128x128xf32, #tpu.memory_space<vmem>>) target_semaphore(%run_scoped3A : memref<!tpu.dma_semaphore, #tpu.memory_space<semaphore_mem>>)
      tpu.wait_dma2 semaphore(%run_scoped3A : memref<!tpu.dma_semaphore, #tpu.memory_space<semaphore_mem>>) src(%arg8 : memref<128x128xf32, #tpu.memory_space<hbm>>) dst(%arg13 : memref<128x128xf32, #tpu.memory_space<vmem>>)
      tpu.yield
    }) : () -> ()
    %mul3A = arith.constant 640 : i32
    %mul3A_0 = arith.muli %arg1, %mul3A : i32
    %add3A = arith.constant 0 : i32
    %add3A_1 = arith.addi %mul3A_0, %add3A : i32
    "tpu.region"() ({
      %run_scoped3A = tpu.sem_alloc : memref<!tpu.dma_semaphore, #tpu.memory_space<semaphore_mem>>
      %dma_start3A = arith.constant 0 : i32
      %dma_start3A_36 = tpu.memref_slice %arg14[%add3A_1, %dma_start3A] : memref<10240x128xf32, #tpu.memory_space<vmem_shared>> -> memref<128x128xf32, #tpu.memory_space<vmem_shared>>
      %dma_start3A_37 = arith.constant 0 : i32
      %dma_start3A_38 = tpu.memref_slice %arg14[%add3A_1, %dma_start3A_37] : memref<10240x128xf32, #tpu.memory_space<vmem_shared>> -> memref<128x128xf32, #tpu.memory_space<vmem_shared>>
      tpu.enqueue_dma source(%arg13 : memref<128x128xf32, #tpu.memory_space<vmem>>) target(%dma_start3A_38 : memref<128x128xf32, #tpu.memory_space<vmem_shared>>) target_semaphore(%run_scoped3A : memref<!tpu.dma_semaphore, #tpu.memory_space<semaphore_mem>>)
      %dma_wait3A = arith.constant 0 : i32
      %dma_wait3A_39 = tpu.memref_slice %arg14[%add3A_1, %dma_wait3A] : memref<10240x128xf32, #tpu.memory_space<vmem_shared>> -> memref<128x128xf32, #tpu.memory_space<vmem_shared>>
      %dma_wait3A_40 = arith.constant 0 : i32
      %dma_wait3A_41 = tpu.memref_slice %arg14[%add3A_1, %dma_wait3A_40] : memref<10240x128xf32, #tpu.memory_space<vmem_shared>> -> memref<128x128xf32, #tpu.memory_space<vmem_shared>>
      tpu.wait_dma2 semaphore(%run_scoped3A : memref<!tpu.dma_semaphore, #tpu.memory_space<semaphore_mem>>) src(%arg13 : memref<128x128xf32, #tpu.memory_space<vmem>>) dst(%dma_wait3A_41 : memref<128x128xf32, #tpu.memory_space<vmem_shared>>)
      tpu.yield
    }) : () -> ()
    %mul3A_2 = arith.constant 640 : i32
    %mul3A_3 = arith.muli %arg1, %mul3A_2 : i32
    %add3A_4 = arith.constant 128 : i32
    %add3A_5 = arith.addi %mul3A_3, %add3A_4 : i32
    "tpu.region"() ({
      %run_scoped3A = tpu.sem_alloc : memref<!tpu.dma_semaphore, #tpu.memory_space<semaphore_mem>>
      %dma_start3A = arith.constant 0 : i32
      %dma_start3A_36 = tpu.memref_slice %arg14[%add3A_5, %dma_start3A] : memref<10240x128xf32, #tpu.memory_space<vmem_shared>> -> memref<128x128xf32, #tpu.memory_space<vmem_shared>>
      %dma_start3A_37 = arith.constant 0 : i32
      %dma_start3A_38 = tpu.memref_slice %arg14[%add3A_5, %dma_start3A_37] : memref<10240x128xf32, #tpu.memory_space<vmem_shared>> -> memref<128x128xf32, #tpu.memory_space<vmem_shared>>
      tpu.enqueue_dma source(%arg13 : memref<128x128xf32, #tpu.memory_space<vmem>>) target(%dma_start3A_38 : memref<128x128xf32, #tpu.memory_space<vmem_shared>>) target_semaphore(%run_scoped3A : memref<!tpu.dma_semaphore, #tpu.memory_space<semaphore_mem>>)
      %dma_wait3A = arith.constant 0 : i32
      %dma_wait3A_39 = tpu.memref_slice %arg14[%add3A_5, %dma_wait3A] : memref<10240x128xf32, #tpu.memory_space<vmem_shared>> -> memref<128x128xf32, #tpu.memory_space<vmem_shared>>
      %dma_wait3A_40 = arith.constant 0 : i32
      %dma_wait3A_41 = tpu.memref_slice %arg14[%add3A_5, %dma_wait3A_40] : memref<10240x128xf32, #tpu.memory_space<vmem_shared>> -> memref<128x128xf32, #tpu.memory_space<vmem_shared>>
      tpu.wait_dma2 semaphore(%run_scoped3A : memref<!tpu.dma_semaphore, #tpu.memory_space<semaphore_mem>>) src(%arg13 : memref<128x128xf32, #tpu.memory_space<vmem>>) dst(%dma_wait3A_41 : memref<128x128xf32, #tpu.memory_space<vmem_shared>>)
      tpu.yield
    }) : () -> ()
    %mul3A_6 = arith.constant 640 : i32
    %mul3A_7 = arith.muli %arg1, %mul3A_6 : i32
    %add3A_8 = arith.constant 256 : i32
    %add3A_9 = arith.addi %mul3A_7, %add3A_8 : i32
    "tpu.region"() ({
      %run_scoped3A = tpu.sem_alloc : memref<!tpu.dma_semaphore, #tpu.memory_space<semaphore_mem>>
      %dma_start3A = arith.constant 0 : i32
      %dma_start3A_36 = tpu.memref_slice %arg14[%add3A_9, %dma_start3A] : memref<10240x128xf32, #tpu.memory_space<vmem_shared>> -> memref<128x128xf32, #tpu.memory_space<vmem_shared>>
      %dma_start3A_37 = arith.constant 0 : i32
      %dma_start3A_38 = tpu.memref_slice %arg14[%add3A_9, %dma_start3A_37] : memref<10240x128xf32, #tpu.memory_space<vmem_shared>> -> memref<128x128xf32, #tpu.memory_space<vmem_shared>>
      tpu.enqueue_dma source(%arg13 : memref<128x128xf32, #tpu.memory_space<vmem>>) target(%dma_start3A_38 : memref<128x128xf32, #tpu.memory_space<vmem_shared>>) target_semaphore(%run_scoped3A : memref<!tpu.dma_semaphore, #tpu.memory_space<semaphore_mem>>)
      %dma_wait3A = arith.constant 0 : i32
      %dma_wait3A_39 = tpu.memref_slice %arg14[%add3A_9, %dma_wait3A] : memref<10240x128xf32, #tpu.memory_space<vmem_shared>> -> memref<128x128xf32, #tpu.memory_space<vmem_shared>>
      %dma_wait3A_40 = arith.constant 0 : i32
      %dma_wait3A_41 = tpu.memref_slice %arg14[%add3A_9, %dma_wait3A_40] : memref<10240x128xf32, #tpu.memory_space<vmem_shared>> -> memref<128x128xf32, #tpu.memory_space<vmem_shared>>
      tpu.wait_dma2 semaphore(%run_scoped3A : memref<!tpu.dma_semaphore, #tpu.memory_space<semaphore_mem>>) src(%arg13 : memref<128x128xf32, #tpu.memory_space<vmem>>) dst(%dma_wait3A_41 : memref<128x128xf32, #tpu.memory_space<vmem_shared>>)
      tpu.yield
    }) : () -> ()
    %mul3A_10 = arith.constant 640 : i32
    %mul3A_11 = arith.muli %arg1, %mul3A_10 : i32
    %add3A_12 = arith.constant 384 : i32
    %add3A_13 = arith.addi %mul3A_11, %add3A_12 : i32
    "tpu.region"() ({
      %run_scoped3A = tpu.sem_alloc : memref<!tpu.dma_semaphore, #tpu.memory_space<semaphore_mem>>
      %dma_start3A = arith.constant 0 : i32
      %dma_start3A_36 = tpu.memref_slice %arg14[%add3A_13, %dma_start3A] : memref<10240x128xf32, #tpu.memory_space<vmem_shared>> -> memref<128x128xf32, #tpu.memory_space<vmem_shared>>
      %dma_start3A_37 = arith.constant 0 : i32
      %dma_start3A_38 = tpu.memref_slice %arg14[%add3A_13, %dma_start3A_37] : memref<10240x128xf32, #tpu.memory_space<vmem_shared>> -> memref<128x128xf32, #tpu.memory_space<vmem_shared>>
      tpu.enqueue_dma source(%arg13 : memref<128x128xf32, #tpu.memory_space<vmem>>) target(%dma_start3A_38 : memref<128x128xf32, #tpu.memory_space<vmem_shared>>) target_semaphore(%run_scoped3A : memref<!tpu.dma_semaphore, #tpu.memory_space<semaphore_mem>>)
      %dma_wait3A = arith.constant 0 : i32
      %dma_wait3A_39 = tpu.memref_slice %arg14[%add3A_13, %dma_wait3A] : memref<10240x128xf32, #tpu.memory_space<vmem_shared>> -> memref<128x128xf32, #tpu.memory_space<vmem_shared>>
      %dma_wait3A_40 = arith.constant 0 : i32
      %dma_wait3A_41 = tpu.memref_slice %arg14[%add3A_13, %dma_wait3A_40] : memref<10240x128xf32, #tpu.memory_space<vmem_shared>> -> memref<128x128xf32, #tpu.memory_space<vmem_shared>>
      tpu.wait_dma2 semaphore(%run_scoped3A : memref<!tpu.dma_semaphore, #tpu.memory_space<semaphore_mem>>) src(%arg13 : memref<128x128xf32, #tpu.memory_space<vmem>>) dst(%dma_wait3A_41 : memref<128x128xf32, #tpu.memory_space<vmem_shared>>)
      tpu.yield
    }) : () -> ()
    %mul3A_14 = arith.constant 640 : i32
    %mul3A_15 = arith.muli %arg1, %mul3A_14 : i32
    %add3A_16 = arith.constant 512 : i32
    %add3A_17 = arith.addi %mul3A_15, %add3A_16 : i32
    "tpu.region"() ({
      %run_scoped3A = tpu.sem_alloc : memref<!tpu.dma_semaphore, #tpu.memory_space<semaphore_mem>>
      %dma_start3A = arith.constant 0 : i32
      %dma_start3A_36 = tpu.memref_slice %arg14[%add3A_17, %dma_start3A] : memref<10240x128xf32, #tpu.memory_space<vmem_shared>> -> memref<128x128xf32, #tpu.memory_space<vmem_shared>>
      %dma_start3A_37 = arith.constant 0 : i32
      %dma_start3A_38 = tpu.memref_slice %arg14[%add3A_17, %dma_start3A_37] : memref<10240x128xf32, #tpu.memory_space<vmem_shared>> -> memref<128x128xf32, #tpu.memory_space<vmem_shared>>
      tpu.enqueue_dma source(%arg13 : memref<128x128xf32, #tpu.memory_space<vmem>>) target(%dma_start3A_38 : memref<128x128xf32, #tpu.memory_space<vmem_shared>>) target_semaphore(%run_scoped3A : memref<!tpu.dma_semaphore, #tpu.memory_space<semaphore_mem>>)
      %dma_wait3A = arith.constant 0 : i32
      %dma_wait3A_39 = tpu.memref_slice %arg14[%add3A_17, %dma_wait3A] : memref<10240x128xf32, #tpu.memory_space<vmem_shared>> -> memref<128x128xf32, #tpu.memory_space<vmem_shared>>
      %dma_wait3A_40 = arith.constant 0 : i32
      %dma_wait3A_41 = tpu.memref_slice %arg14[%add3A_17, %dma_wait3A_40] : memref<10240x128xf32, #tpu.memory_space<vmem_shared>> -> memref<128x128xf32, #tpu.memory_space<vmem_shared>>
      tpu.wait_dma2 semaphore(%run_scoped3A : memref<!tpu.dma_semaphore, #tpu.memory_space<semaphore_mem>>) src(%arg13 : memref<128x128xf32, #tpu.memory_space<vmem>>) dst(%dma_wait3A_41 : memref<128x128xf32, #tpu.memory_space<vmem_shared>>)
      tpu.yield
    }) : () -> ()
    %barrier3A = arith.constant 0 : index
    tpu.barrier barrier_id(%barrier3A)
    %eq3A = arith.constant 0 : i32
    %eq3A_18 = arith.cmpi eq, %arg0, %eq3A : i32
    %convert_element_type3A = arith.extui %eq3A_18 : i1 to i32
    %cond3A = arith.constant 0 : i32
    %cond3A_19 = arith.cmpi ne, %convert_element_type3A, %cond3A : i32
    scf.if %cond3A_19 {
      %scan3A = arith.constant 0 : i32
      %scan3A_36 = arith.constant 80 : i32
      %scan3A_37 = arith.addi %scan3A, %scan3A_36 : i32
      %scan3A_38 = arith.constant 1 : i32
      scf.for %scan3A_40 = %scan3A to %scan3A_37 step %scan3A_38  : i32 {
        %mul3A_41 = arith.constant 1 : i32
        %mul3A_42 = arith.muli %scan3A_40, %mul3A_41 : i32
        %add3A_43 = arith.constant 0 : i32
        %add3A_44 = arith.addi %add3A_43, %mul3A_42 : i32
        %mul3A_45 = arith.constant 80 : i32
        %mul3A_46 = arith.muli %arg1, %mul3A_45 : i32
        %add3A_47 = arith.addi %mul3A_46, %add3A_44 : i32
        "tpu.region"() ({
          %run_scoped3A = tpu.sem_alloc : memref<!tpu.dma_semaphore, #tpu.memory_space<semaphore_mem>>
          %dma_start3A_52 = arith.constant 0 : i32
          %dma_start3A_53 = tpu.memref_slice %arg4[%add3A_47, %dma_start3A_52] : memref<1280x128xi32, #tpu.memory_space<hbm>> -> memref<1x128xi32, #tpu.memory_space<hbm>>
          %dma_start3A_54 = tpu.memref_squeeze %dma_start3A_53 : memref<1x128xi32, #tpu.memory_space<hbm>> -> memref<128xi32, #tpu.memory_space<hbm>>
          %dma_start3A_55 = arith.constant 0 : i32
          %dma_start3A_56 = tpu.memref_slice %arg4[%add3A_47, %dma_start3A_55] : memref<1280x128xi32, #tpu.memory_space<hbm>> -> memref<1x128xi32, #tpu.memory_space<hbm>>
          %dma_start3A_57 = tpu.memref_squeeze %dma_start3A_56 : memref<1x128xi32, #tpu.memory_space<hbm>> -> memref<128xi32, #tpu.memory_space<hbm>>
          tpu.enqueue_dma source(%dma_start3A_57 : memref<128xi32, #tpu.memory_space<hbm>>) target(%arg11 : memref<128xi32, #tpu.memory_space<vmem>>) target_semaphore(%run_scoped3A : memref<!tpu.dma_semaphore, #tpu.memory_space<semaphore_mem>>)
          %dma_wait3A_58 = arith.constant 0 : i32
          %dma_wait3A_59 = tpu.memref_slice %arg4[%add3A_47, %dma_wait3A_58] : memref<1280x128xi32, #tpu.memory_space<hbm>> -> memref<1x128xi32, #tpu.memory_space<hbm>>
          %dma_wait3A_60 = tpu.memref_squeeze %dma_wait3A_59 : memref<1x128xi32, #tpu.memory_space<hbm>> -> memref<128xi32, #tpu.memory_space<hbm>>
          %dma_wait3A_61 = arith.constant 0 : i32
          %dma_wait3A_62 = tpu.memref_slice %arg4[%add3A_47, %dma_wait3A_61] : memref<1280x128xi32, #tpu.memory_space<hbm>> -> memref<1x128xi32, #tpu.memory_space<hbm>>
          %dma_wait3A_63 = tpu.memref_squeeze %dma_wait3A_62 : memref<1x128xi32, #tpu.memory_space<hbm>> -> memref<128xi32, #tpu.memory_space<hbm>>
          tpu.wait_dma2 semaphore(%run_scoped3A : memref<!tpu.dma_semaphore, #tpu.memory_space<semaphore_mem>>) src(%dma_wait3A_63 : memref<128xi32, #tpu.memory_space<hbm>>) dst(%arg11 : memref<128xi32, #tpu.memory_space<vmem>>)
          tpu.yield
        }) : () -> ()
        "tpu.region"() ({
          %run_scoped3A = tpu.sem_alloc : memref<!tpu.dma_semaphore, #tpu.memory_space<semaphore_mem>>
          %dma_start3A_52 = arith.constant 0 : i32
          %dma_start3A_53 = tpu.memref_slice %arg5[%add3A_47, %dma_start3A_52] : memref<1280x128xi32, #tpu.memory_space<hbm>> -> memref<1x128xi32, #tpu.memory_space<hbm>>
          %dma_start3A_54 = tpu.memref_squeeze %dma_start3A_53 : memref<1x128xi32, #tpu.memory_space<hbm>> -> memref<128xi32, #tpu.memory_space<hbm>>
          %dma_start3A_55 = arith.constant 0 : i32
          %dma_start3A_56 = tpu.memref_slice %arg5[%add3A_47, %dma_start3A_55] : memref<1280x128xi32, #tpu.memory_space<hbm>> -> memref<1x128xi32, #tpu.memory_space<hbm>>
          %dma_start3A_57 = tpu.memref_squeeze %dma_start3A_56 : memref<1x128xi32, #tpu.memory_space<hbm>> -> memref<128xi32, #tpu.memory_space<hbm>>
          tpu.enqueue_dma source(%dma_start3A_57 : memref<128xi32, #tpu.memory_space<hbm>>) target(%arg12 : memref<128xi32, #tpu.memory_space<vmem>>) target_semaphore(%run_scoped3A : memref<!tpu.dma_semaphore, #tpu.memory_space<semaphore_mem>>)
          %dma_wait3A_58 = arith.constant 0 : i32
          %dma_wait3A_59 = tpu.memref_slice %arg5[%add3A_47, %dma_wait3A_58] : memref<1280x128xi32, #tpu.memory_space<hbm>> -> memref<1x128xi32, #tpu.memory_space<hbm>>
          %dma_wait3A_60 = tpu.memref_squeeze %dma_wait3A_59 : memref<1x128xi32, #tpu.memory_space<hbm>> -> memref<128xi32, #tpu.memory_space<hbm>>
          %dma_wait3A_61 = arith.constant 0 : i32
          %dma_wait3A_62 = tpu.memref_slice %arg5[%add3A_47, %dma_wait3A_61] : memref<1280x128xi32, #tpu.memory_space<hbm>> -> memref<1x128xi32, #tpu.memory_space<hbm>>
          %dma_wait3A_63 = tpu.memref_squeeze %dma_wait3A_62 : memref<1x128xi32, #tpu.memory_space<hbm>> -> memref<128xi32, #tpu.memory_space<hbm>>
          tpu.wait_dma2 semaphore(%run_scoped3A : memref<!tpu.dma_semaphore, #tpu.memory_space<semaphore_mem>>) src(%dma_wait3A_63 : memref<128xi32, #tpu.memory_space<hbm>>) dst(%arg12 : memref<128xi32, #tpu.memory_space<vmem>>)
          tpu.yield
        }) : () -> ()
        %dma_start3A = arith.constant 0 : i32
        %dma_start3A_48 = arith.constant 0 : i32
        %dma_start3A_49 = tpu.memref_slice %arg2[%dma_start3A, %dma_start3A_48] : memref<10000x128xf32, #tpu.memory_space<hbm>> -> memref<10000x128xf32, #tpu.memory_space<hbm>>
        tpu.enqueue_indirect_dma source(%dma_start3A_49 : memref<10000x128xf32, #tpu.memory_space<hbm>>) target(%arg13 : memref<128x128xf32, #tpu.memory_space<vmem>>) offsets(%arg11 : memref<128xi32, #tpu.memory_space<vmem>>) semaphore(%arg15 : memref<!tpu.dma_semaphore, #tpu.memory_space<semaphore_mem>>)
        %dma_wait3A = arith.constant 0 : i32
        %dma_wait3A_50 = arith.constant 0 : i32
        %dma_wait3A_51 = tpu.memref_slice %arg2[%dma_wait3A, %dma_wait3A_50] : memref<10000x128xf32, #tpu.memory_space<hbm>> -> memref<10000x128xf32, #tpu.memory_space<hbm>>
        tpu.wait_indirect_dma semaphore(%arg15 : memref<!tpu.dma_semaphore, #tpu.memory_space<semaphore_mem>>) src(%dma_wait3A_51 : memref<10000x128xf32, #tpu.memory_space<hbm>>) dst(%arg13 : memref<128x128xf32, #tpu.memory_space<vmem>>)
        "tpu.region"() ({
          %run_scoped3A = tpu.sem_alloc : memref<!tpu.dma_semaphore, #tpu.memory_space<semaphore_mem>>
          %dma_start3A_52 = arith.constant 0 : i32
          %dma_start3A_53 = arith.constant 0 : i32
          %dma_start3A_54 = tpu.memref_slice %arg14[%dma_start3A_52, %dma_start3A_53] : memref<10240x128xf32, #tpu.memory_space<vmem_shared>> -> memref<10240x128xf32, #tpu.memory_space<vmem_shared>>
          tpu.enqueue_indirect_dma source(%arg13 : memref<128x128xf32, #tpu.memory_space<vmem>>) target(%dma_start3A_54 : memref<10240x128xf32, #tpu.memory_space<vmem_shared>>) offsets(%arg12 : memref<128xi32, #tpu.memory_space<vmem>>) semaphore(%run_scoped3A : memref<!tpu.dma_semaphore, #tpu.memory_space<semaphore_mem>>) {add = true}
          %dma_wait3A_55 = arith.constant 0 : i32
          %dma_wait3A_56 = arith.constant 0 : i32
          %dma_wait3A_57 = tpu.memref_slice %arg14[%dma_wait3A_55, %dma_wait3A_56] : memref<10240x128xf32, #tpu.memory_space<vmem_shared>> -> memref<10240x128xf32, #tpu.memory_space<vmem_shared>>
          tpu.wait_indirect_dma semaphore(%run_scoped3A : memref<!tpu.dma_semaphore, #tpu.memory_space<semaphore_mem>>) src(%arg13 : memref<128x128xf32, #tpu.memory_space<vmem>>) dst(%dma_wait3A_57 : memref<10240x128xf32, #tpu.memory_space<vmem_shared>>)
          tpu.yield
        }) : () -> ()
      }
      %scan3A_39 = arith.constant 80 : i32
    } else {
    }
    %eq3A_20 = arith.constant 1 : i32
    %eq3A_21 = arith.cmpi eq, %arg0, %eq3A_20 : i32
    %convert_element_type3A_22 = arith.extui %eq3A_21 : i1 to i32
    %cond3A_23 = arith.constant 0 : i32
    %cond3A_24 = arith.cmpi ne, %convert_element_type3A_22, %cond3A_23 : i32
    scf.if %cond3A_24 {
      %scan3A = arith.constant 0 : i32
      %scan3A_36 = arith.constant 80 : i32
      %scan3A_37 = arith.addi %scan3A, %scan3A_36 : i32
      %scan3A_38 = arith.constant 1 : i32
      scf.for %scan3A_40 = %scan3A to %scan3A_37 step %scan3A_38  : i32 {
        %mul3A_41 = arith.constant 1 : i32
        %mul3A_42 = arith.muli %scan3A_40, %mul3A_41 : i32
        %add3A_43 = arith.constant 0 : i32
        %add3A_44 = arith.addi %add3A_43, %mul3A_42 : i32
        %mul3A_45 = arith.constant 80 : i32
        %mul3A_46 = arith.muli %arg1, %mul3A_45 : i32
        %add3A_47 = arith.addi %mul3A_46, %add3A_44 : i32
        "tpu.region"() ({
          %run_scoped3A = tpu.sem_alloc : memref<!tpu.dma_semaphore, #tpu.memory_space<semaphore_mem>>
          %dma_start3A_52 = arith.constant 0 : i32
          %dma_start3A_53 = tpu.memref_slice %arg6[%add3A_47, %dma_start3A_52] : memref<1280x128xi32, #tpu.memory_space<hbm>> -> memref<1x128xi32, #tpu.memory_space<hbm>>
          %dma_start3A_54 = tpu.memref_squeeze %dma_start3A_53 : memref<1x128xi32, #tpu.memory_space<hbm>> -> memref<128xi32, #tpu.memory_space<hbm>>
          %dma_start3A_55 = arith.constant 0 : i32
          %dma_start3A_56 = tpu.memref_slice %arg6[%add3A_47, %dma_start3A_55] : memref<1280x128xi32, #tpu.memory_space<hbm>> -> memref<1x128xi32, #tpu.memory_space<hbm>>
          %dma_start3A_57 = tpu.memref_squeeze %dma_start3A_56 : memref<1x128xi32, #tpu.memory_space<hbm>> -> memref<128xi32, #tpu.memory_space<hbm>>
          tpu.enqueue_dma source(%dma_start3A_57 : memref<128xi32, #tpu.memory_space<hbm>>) target(%arg11 : memref<128xi32, #tpu.memory_space<vmem>>) target_semaphore(%run_scoped3A : memref<!tpu.dma_semaphore, #tpu.memory_space<semaphore_mem>>)
          %dma_wait3A_58 = arith.constant 0 : i32
          %dma_wait3A_59 = tpu.memref_slice %arg6[%add3A_47, %dma_wait3A_58] : memref<1280x128xi32, #tpu.memory_space<hbm>> -> memref<1x128xi32, #tpu.memory_space<hbm>>
          %dma_wait3A_60 = tpu.memref_squeeze %dma_wait3A_59 : memref<1x128xi32, #tpu.memory_space<hbm>> -> memref<128xi32, #tpu.memory_space<hbm>>
          %dma_wait3A_61 = arith.constant 0 : i32
          %dma_wait3A_62 = tpu.memref_slice %arg6[%add3A_47, %dma_wait3A_61] : memref<1280x128xi32, #tpu.memory_space<hbm>> -> memref<1x128xi32, #tpu.memory_space<hbm>>
          %dma_wait3A_63 = tpu.memref_squeeze %dma_wait3A_62 : memref<1x128xi32, #tpu.memory_space<hbm>> -> memref<128xi32, #tpu.memory_space<hbm>>
          tpu.wait_dma2 semaphore(%run_scoped3A : memref<!tpu.dma_semaphore, #tpu.memory_space<semaphore_mem>>) src(%dma_wait3A_63 : memref<128xi32, #tpu.memory_space<hbm>>) dst(%arg11 : memref<128xi32, #tpu.memory_space<vmem>>)
          tpu.yield
        }) : () -> ()
        "tpu.region"() ({
          %run_scoped3A = tpu.sem_alloc : memref<!tpu.dma_semaphore, #tpu.memory_space<semaphore_mem>>
          %dma_start3A_52 = arith.constant 0 : i32
          %dma_start3A_53 = tpu.memref_slice %arg7[%add3A_47, %dma_start3A_52] : memref<1280x128xi32, #tpu.memory_space<hbm>> -> memref<1x128xi32, #tpu.memory_space<hbm>>
          %dma_start3A_54 = tpu.memref_squeeze %dma_start3A_53 : memref<1x128xi32, #tpu.memory_space<hbm>> -> memref<128xi32, #tpu.memory_space<hbm>>
          %dma_start3A_55 = arith.constant 0 : i32
          %dma_start3A_56 = tpu.memref_slice %arg7[%add3A_47, %dma_start3A_55] : memref<1280x128xi32, #tpu.memory_space<hbm>> -> memref<1x128xi32, #tpu.memory_space<hbm>>
          %dma_start3A_57 = tpu.memref_squeeze %dma_start3A_56 : memref<1x128xi32, #tpu.memory_space<hbm>> -> memref<128xi32, #tpu.memory_space<hbm>>
          tpu.enqueue_dma source(%dma_start3A_57 : memref<128xi32, #tpu.memory_space<hbm>>) target(%arg12 : memref<128xi32, #tpu.memory_space<vmem>>) target_semaphore(%run_scoped3A : memref<!tpu.dma_semaphore, #tpu.memory_space<semaphore_mem>>)
          %dma_wait3A_58 = arith.constant 0 : i32
          %dma_wait3A_59 = tpu.memref_slice %arg7[%add3A_47, %dma_wait3A_58] : memref<1280x128xi32, #tpu.memory_space<hbm>> -> memref<1x128xi32, #tpu.memory_space<hbm>>
          %dma_wait3A_60 = tpu.memref_squeeze %dma_wait3A_59 : memref<1x128xi32, #tpu.memory_space<hbm>> -> memref<128xi32, #tpu.memory_space<hbm>>
          %dma_wait3A_61 = arith.constant 0 : i32
          %dma_wait3A_62 = tpu.memref_slice %arg7[%add3A_47, %dma_wait3A_61] : memref<1280x128xi32, #tpu.memory_space<hbm>> -> memref<1x128xi32, #tpu.memory_space<hbm>>
          %dma_wait3A_63 = tpu.memref_squeeze %dma_wait3A_62 : memref<1x128xi32, #tpu.memory_space<hbm>> -> memref<128xi32, #tpu.memory_space<hbm>>
          tpu.wait_dma2 semaphore(%run_scoped3A : memref<!tpu.dma_semaphore, #tpu.memory_space<semaphore_mem>>) src(%dma_wait3A_63 : memref<128xi32, #tpu.memory_space<hbm>>) dst(%arg12 : memref<128xi32, #tpu.memory_space<vmem>>)
          tpu.yield
        }) : () -> ()
        %dma_start3A = arith.constant 0 : i32
        %dma_start3A_48 = arith.constant 0 : i32
        %dma_start3A_49 = tpu.memref_slice %arg3[%dma_start3A, %dma_start3A_48] : memref<10000x128xf32, #tpu.memory_space<hbm>> -> memref<10000x128xf32, #tpu.memory_space<hbm>>
        tpu.enqueue_indirect_dma source(%dma_start3A_49 : memref<10000x128xf32, #tpu.memory_space<hbm>>) target(%arg13 : memref<128x128xf32, #tpu.memory_space<vmem>>) offsets(%arg11 : memref<128xi32, #tpu.memory_space<vmem>>) semaphore(%arg15 : memref<!tpu.dma_semaphore, #tpu.memory_space<semaphore_mem>>)
        %dma_wait3A = arith.constant 0 : i32
        %dma_wait3A_50 = arith.constant 0 : i32
        %dma_wait3A_51 = tpu.memref_slice %arg3[%dma_wait3A, %dma_wait3A_50] : memref<10000x128xf32, #tpu.memory_space<hbm>> -> memref<10000x128xf32, #tpu.memory_space<hbm>>
        tpu.wait_indirect_dma semaphore(%arg15 : memref<!tpu.dma_semaphore, #tpu.memory_space<semaphore_mem>>) src(%dma_wait3A_51 : memref<10000x128xf32, #tpu.memory_space<hbm>>) dst(%arg13 : memref<128x128xf32, #tpu.memory_space<vmem>>)
        "tpu.region"() ({
          %run_scoped3A = tpu.sem_alloc : memref<!tpu.dma_semaphore, #tpu.memory_space<semaphore_mem>>
          %dma_start3A_52 = arith.constant 0 : i32
          %dma_start3A_53 = arith.constant 0 : i32
          %dma_start3A_54 = tpu.memref_slice %arg14[%dma_start3A_52, %dma_start3A_53] : memref<10240x128xf32, #tpu.memory_space<vmem_shared>> -> memref<10240x128xf32, #tpu.memory_space<vmem_shared>>
          tpu.enqueue_indirect_dma source(%arg13 : memref<128x128xf32, #tpu.memory_space<vmem>>) target(%dma_start3A_54 : memref<10240x128xf32, #tpu.memory_space<vmem_shared>>) offsets(%arg12 : memref<128xi32, #tpu.memory_space<vmem>>) semaphore(%run_scoped3A : memref<!tpu.dma_semaphore, #tpu.memory_space<semaphore_mem>>) {add = true}
          %dma_wait3A_55 = arith.constant 0 : i32
          %dma_wait3A_56 = arith.constant 0 : i32
          %dma_wait3A_57 = tpu.memref_slice %arg14[%dma_wait3A_55, %dma_wait3A_56] : memref<10240x128xf32, #tpu.memory_space<vmem_shared>> -> memref<10240x128xf32, #tpu.memory_space<vmem_shared>>
          tpu.wait_indirect_dma semaphore(%run_scoped3A : memref<!tpu.dma_semaphore, #tpu.memory_space<semaphore_mem>>) src(%arg13 : memref<128x128xf32, #tpu.memory_space<vmem>>) dst(%dma_wait3A_57 : memref<10240x128xf32, #tpu.memory_space<vmem_shared>>)
          tpu.yield
        }) : () -> ()
      }
      %scan3A_39 = arith.constant 80 : i32
    } else {
    }
    %barrier3A_25 = arith.constant 0 : index
    tpu.barrier barrier_id(%barrier3A_25)
    %eq3A_26 = arith.constant 0 : i32
    %eq3A_27 = arith.cmpi eq, %arg0, %eq3A_26 : i32
    %convert_element_type3A_28 = arith.extui %eq3A_27 : i1 to i32
    %cond3A_29 = arith.constant 0 : i32
    %cond3A_30 = arith.cmpi ne, %convert_element_type3A_28, %cond3A_29 : i32
    scf.if %cond3A_30 {
      %mul3A_36 = arith.constant 640 : i32
      %mul3A_37 = arith.muli %arg1, %mul3A_36 : i32
      %add3A_38 = arith.constant 0 : i32
      %add3A_39 = arith.addi %mul3A_37, %add3A_38 : i32
      "tpu.region"() ({
        %run_scoped3A = tpu.sem_alloc : memref<!tpu.dma_semaphore, #tpu.memory_space<semaphore_mem>>
        %dma_start3A = arith.constant 0 : i32
        %dma_start3A_56 = tpu.memref_slice %arg14[%add3A_39, %dma_start3A] : memref<10240x128xf32, #tpu.memory_space<vmem_shared>> -> memref<128x128xf32, #tpu.memory_space<vmem_shared>>
        %dma_start3A_57 = arith.constant 0 : i32
        %dma_start3A_58 = tpu.memref_slice %arg14[%add3A_39, %dma_start3A_57] : memref<10240x128xf32, #tpu.memory_space<vmem_shared>> -> memref<128x128xf32, #tpu.memory_space<vmem_shared>>
        tpu.enqueue_dma source(%dma_start3A_58 : memref<128x128xf32, #tpu.memory_space<vmem_shared>>) target(%arg13 : memref<128x128xf32, #tpu.memory_space<vmem>>) target_semaphore(%run_scoped3A : memref<!tpu.dma_semaphore, #tpu.memory_space<semaphore_mem>>)
        %dma_wait3A = arith.constant 0 : i32
        %dma_wait3A_59 = tpu.memref_slice %arg14[%add3A_39, %dma_wait3A] : memref<10240x128xf32, #tpu.memory_space<vmem_shared>> -> memref<128x128xf32, #tpu.memory_space<vmem_shared>>
        %dma_wait3A_60 = arith.constant 0 : i32
        %dma_wait3A_61 = tpu.memref_slice %arg14[%add3A_39, %dma_wait3A_60] : memref<10240x128xf32, #tpu.memory_space<vmem_shared>> -> memref<128x128xf32, #tpu.memory_space<vmem_shared>>
        tpu.wait_dma2 semaphore(%run_scoped3A : memref<!tpu.dma_semaphore, #tpu.memory_space<semaphore_mem>>) src(%dma_wait3A_61 : memref<128x128xf32, #tpu.memory_space<vmem_shared>>) dst(%arg13 : memref<128x128xf32, #tpu.memory_space<vmem>>)
        tpu.yield
      }) : () -> ()
      "tpu.region"() ({
        %run_scoped3A = tpu.sem_alloc : memref<!tpu.dma_semaphore, #tpu.memory_space<semaphore_mem>>
        %dma_start3A = arith.constant 0 : i32
        %dma_start3A_56 = tpu.memref_slice %arg9[%add3A_39, %dma_start3A] : memref<10240x128xf32, #tpu.memory_space<hbm>> -> memref<128x128xf32, #tpu.memory_space<hbm>>
        %dma_start3A_57 = arith.constant 0 : i32
        %dma_start3A_58 = tpu.memref_slice %arg9[%add3A_39, %dma_start3A_57] : memref<10240x128xf32, #tpu.memory_space<hbm>> -> memref<128x128xf32, #tpu.memory_space<hbm>>
        tpu.enqueue_dma source(%arg13 : memref<128x128xf32, #tpu.memory_space<vmem>>) target(%dma_start3A_58 : memref<128x128xf32, #tpu.memory_space<hbm>>) target_semaphore(%run_scoped3A : memref<!tpu.dma_semaphore, #tpu.memory_space<semaphore_mem>>)
        %dma_wait3A = arith.constant 0 : i32
        %dma_wait3A_59 = tpu.memref_slice %arg9[%add3A_39, %dma_wait3A] : memref<10240x128xf32, #tpu.memory_space<hbm>> -> memref<128x128xf32, #tpu.memory_space<hbm>>
        %dma_wait3A_60 = arith.constant 0 : i32
        %dma_wait3A_61 = tpu.memref_slice %arg9[%add3A_39, %dma_wait3A_60] : memref<10240x128xf32, #tpu.memory_space<hbm>> -> memref<128x128xf32, #tpu.memory_space<hbm>>
        tpu.wait_dma2 semaphore(%run_scoped3A : memref<!tpu.dma_semaphore, #tpu.memory_space<semaphore_mem>>) src(%arg13 : memref<128x128xf32, #tpu.memory_space<vmem>>) dst(%dma_wait3A_61 : memref<128x128xf32, #tpu.memory_space<hbm>>)
        tpu.yield
      }) : () -> ()
      %mul3A_40 = arith.constant 640 : i32
      %mul3A_41 = arith.muli %arg1, %mul3A_40 : i32
      %add3A_42 = arith.constant 128 : i32
      %add3A_43 = arith.addi %mul3A_41, %add3A_42 : i32
      "tpu.region"() ({
        %run_scoped3A = tpu.sem_alloc : memref<!tpu.dma_semaphore, #tpu.memory_space<semaphore_mem>>
        %dma_start3A = arith.constant 0 : i32
        %dma_start3A_56 = tpu.memref_slice %arg14[%add3A_43, %dma_start3A] : memref<10240x128xf32, #tpu.memory_space<vmem_shared>> -> memref<128x128xf32, #tpu.memory_space<vmem_shared>>
        %dma_start3A_57 = arith.constant 0 : i32
        %dma_start3A_58 = tpu.memref_slice %arg14[%add3A_43, %dma_start3A_57] : memref<10240x128xf32, #tpu.memory_space<vmem_shared>> -> memref<128x128xf32, #tpu.memory_space<vmem_shared>>
        tpu.enqueue_dma source(%dma_start3A_58 : memref<128x128xf32, #tpu.memory_space<vmem_shared>>) target(%arg13 : memref<128x128xf32, #tpu.memory_space<vmem>>) target_semaphore(%run_scoped3A : memref<!tpu.dma_semaphore, #tpu.memory_space<semaphore_mem>>)
        %dma_wait3A = arith.constant 0 : i32
        %dma_wait3A_59 = tpu.memref_slice %arg14[%add3A_43, %dma_wait3A] : memref<10240x128xf32, #tpu.memory_space<vmem_shared>> -> memref<128x128xf32, #tpu.memory_space<vmem_shared>>
        %dma_wait3A_60 = arith.constant 0 : i32
        %dma_wait3A_61 = tpu.memref_slice %arg14[%add3A_43, %dma_wait3A_60] : memref<10240x128xf32, #tpu.memory_space<vmem_shared>> -> memref<128x128xf32, #tpu.memory_space<vmem_shared>>
        tpu.wait_dma2 semaphore(%run_scoped3A : memref<!tpu.dma_semaphore, #tpu.memory_space<semaphore_mem>>) src(%dma_wait3A_61 : memref<128x128xf32, #tpu.memory_space<vmem_shared>>) dst(%arg13 : memref<128x128xf32, #tpu.memory_space<vmem>>)
        tpu.yield
      }) : () -> ()
      "tpu.region"() ({
        %run_scoped3A = tpu.sem_alloc : memref<!tpu.dma_semaphore, #tpu.memory_space<semaphore_mem>>
        %dma_start3A = arith.constant 0 : i32
        %dma_start3A_56 = tpu.memref_slice %arg9[%add3A_43, %dma_start3A] : memref<10240x128xf32, #tpu.memory_space<hbm>> -> memref<128x128xf32, #tpu.memory_space<hbm>>
        %dma_start3A_57 = arith.constant 0 : i32
        %dma_start3A_58 = tpu.memref_slice %arg9[%add3A_43, %dma_start3A_57] : memref<10240x128xf32, #tpu.memory_space<hbm>> -> memref<128x128xf32, #tpu.memory_space<hbm>>
        tpu.enqueue_dma source(%arg13 : memref<128x128xf32, #tpu.memory_space<vmem>>) target(%dma_start3A_58 : memref<128x128xf32, #tpu.memory_space<hbm>>) target_semaphore(%run_scoped3A : memref<!tpu.dma_semaphore, #tpu.memory_space<semaphore_mem>>)
        %dma_wait3A = arith.constant 0 : i32
        %dma_wait3A_59 = tpu.memref_slice %arg9[%add3A_43, %dma_wait3A] : memref<10240x128xf32, #tpu.memory_space<hbm>> -> memref<128x128xf32, #tpu.memory_space<hbm>>
        %dma_wait3A_60 = arith.constant 0 : i32
        %dma_wait3A_61 = tpu.memref_slice %arg9[%add3A_43, %dma_wait3A_60] : memref<10240x128xf32, #tpu.memory_space<hbm>> -> memref<128x128xf32, #tpu.memory_space<hbm>>
        tpu.wait_dma2 semaphore(%run_scoped3A : memref<!tpu.dma_semaphore, #tpu.memory_space<semaphore_mem>>) src(%arg13 : memref<128x128xf32, #tpu.memory_space<vmem>>) dst(%dma_wait3A_61 : memref<128x128xf32, #tpu.memory_space<hbm>>)
        tpu.yield
      }) : () -> ()
      %mul3A_44 = arith.constant 640 : i32
      %mul3A_45 = arith.muli %arg1, %mul3A_44 : i32
      %add3A_46 = arith.constant 256 : i32
      %add3A_47 = arith.addi %mul3A_45, %add3A_46 : i32
      "tpu.region"() ({
        %run_scoped3A = tpu.sem_alloc : memref<!tpu.dma_semaphore, #tpu.memory_space<semaphore_mem>>
        %dma_start3A = arith.constant 0 : i32
        %dma_start3A_56 = tpu.memref_slice %arg14[%add3A_47, %dma_start3A] : memref<10240x128xf32, #tpu.memory_space<vmem_shared>> -> memref<128x128xf32, #tpu.memory_space<vmem_shared>>
        %dma_start3A_57 = arith.constant 0 : i32
        %dma_start3A_58 = tpu.memref_slice %arg14[%add3A_47, %dma_start3A_57] : memref<10240x128xf32, #tpu.memory_space<vmem_shared>> -> memref<128x128xf32, #tpu.memory_space<vmem_shared>>
        tpu.enqueue_dma source(%dma_start3A_58 : memref<128x128xf32, #tpu.memory_space<vmem_shared>>) target(%arg13 : memref<128x128xf32, #tpu.memory_space<vmem>>) target_semaphore(%run_scoped3A : memref<!tpu.dma_semaphore, #tpu.memory_space<semaphore_mem>>)
        %dma_wait3A = arith.constant 0 : i32
        %dma_wait3A_59 = tpu.memref_slice %arg14[%add3A_47, %dma_wait3A] : memref<10240x128xf32, #tpu.memory_space<vmem_shared>> -> memref<128x128xf32, #tpu.memory_space<vmem_shared>>
        %dma_wait3A_60 = arith.constant 0 : i32
        %dma_wait3A_61 = tpu.memref_slice %arg14[%add3A_47, %dma_wait3A_60] : memref<10240x128xf32, #tpu.memory_space<vmem_shared>> -> memref<128x128xf32, #tpu.memory_space<vmem_shared>>
        tpu.wait_dma2 semaphore(%run_scoped3A : memref<!tpu.dma_semaphore, #tpu.memory_space<semaphore_mem>>) src(%dma_wait3A_61 : memref<128x128xf32, #tpu.memory_space<vmem_shared>>) dst(%arg13 : memref<128x128xf32, #tpu.memory_space<vmem>>)
        tpu.yield
      }) : () -> ()
      "tpu.region"() ({
        %run_scoped3A = tpu.sem_alloc : memref<!tpu.dma_semaphore, #tpu.memory_space<semaphore_mem>>
        %dma_start3A = arith.constant 0 : i32
        %dma_start3A_56 = tpu.memref_slice %arg9[%add3A_47, %dma_start3A] : memref<10240x128xf32, #tpu.memory_space<hbm>> -> memref<128x128xf32, #tpu.memory_space<hbm>>
        %dma_start3A_57 = arith.constant 0 : i32
        %dma_start3A_58 = tpu.memref_slice %arg9[%add3A_47, %dma_start3A_57] : memref<10240x128xf32, #tpu.memory_space<hbm>> -> memref<128x128xf32, #tpu.memory_space<hbm>>
        tpu.enqueue_dma source(%arg13 : memref<128x128xf32, #tpu.memory_space<vmem>>) target(%dma_start3A_58 : memref<128x128xf32, #tpu.memory_space<hbm>>) target_semaphore(%run_scoped3A : memref<!tpu.dma_semaphore, #tpu.memory_space<semaphore_mem>>)
        %dma_wait3A = arith.constant 0 : i32
        %dma_wait3A_59 = tpu.memref_slice %arg9[%add3A_47, %dma_wait3A] : memref<10240x128xf32, #tpu.memory_space<hbm>> -> memref<128x128xf32, #tpu.memory_space<hbm>>
        %dma_wait3A_60 = arith.constant 0 : i32
        %dma_wait3A_61 = tpu.memref_slice %arg9[%add3A_47, %dma_wait3A_60] : memref<10240x128xf32, #tpu.memory_space<hbm>> -> memref<128x128xf32, #tpu.memory_space<hbm>>
        tpu.wait_dma2 semaphore(%run_scoped3A : memref<!tpu.dma_semaphore, #tpu.memory_space<semaphore_mem>>) src(%arg13 : memref<128x128xf32, #tpu.memory_space<vmem>>) dst(%dma_wait3A_61 : memref<128x128xf32, #tpu.memory_space<hbm>>)
        tpu.yield
      }) : () -> ()
      %mul3A_48 = arith.constant 640 : i32
      %mul3A_49 = arith.muli %arg1, %mul3A_48 : i32
      %add3A_50 = arith.constant 384 : i32
      %add3A_51 = arith.addi %mul3A_49, %add3A_50 : i32
      "tpu.region"() ({
        %run_scoped3A = tpu.sem_alloc : memref<!tpu.dma_semaphore, #tpu.memory_space<semaphore_mem>>
        %dma_start3A = arith.constant 0 : i32
        %dma_start3A_56 = tpu.memref_slice %arg14[%add3A_51, %dma_start3A] : memref<10240x128xf32, #tpu.memory_space<vmem_shared>> -> memref<128x128xf32, #tpu.memory_space<vmem_shared>>
        %dma_start3A_57 = arith.constant 0 : i32
        %dma_start3A_58 = tpu.memref_slice %arg14[%add3A_51, %dma_start3A_57] : memref<10240x128xf32, #tpu.memory_space<vmem_shared>> -> memref<128x128xf32, #tpu.memory_space<vmem_shared>>
        tpu.enqueue_dma source(%dma_start3A_58 : memref<128x128xf32, #tpu.memory_space<vmem_shared>>) target(%arg13 : memref<128x128xf32, #tpu.memory_space<vmem>>) target_semaphore(%run_scoped3A : memref<!tpu.dma_semaphore, #tpu.memory_space<semaphore_mem>>)
        %dma_wait3A = arith.constant 0 : i32
        %dma_wait3A_59 = tpu.memref_slice %arg14[%add3A_51, %dma_wait3A] : memref<10240x128xf32, #tpu.memory_space<vmem_shared>> -> memref<128x128xf32, #tpu.memory_space<vmem_shared>>
        %dma_wait3A_60 = arith.constant 0 : i32
        %dma_wait3A_61 = tpu.memref_slice %arg14[%add3A_51, %dma_wait3A_60] : memref<10240x128xf32, #tpu.memory_space<vmem_shared>> -> memref<128x128xf32, #tpu.memory_space<vmem_shared>>
        tpu.wait_dma2 semaphore(%run_scoped3A : memref<!tpu.dma_semaphore, #tpu.memory_space<semaphore_mem>>) src(%dma_wait3A_61 : memref<128x128xf32, #tpu.memory_space<vmem_shared>>) dst(%arg13 : memref<128x128xf32, #tpu.memory_space<vmem>>)
        tpu.yield
      }) : () -> ()
      "tpu.region"() ({
        %run_scoped3A = tpu.sem_alloc : memref<!tpu.dma_semaphore, #tpu.memory_space<semaphore_mem>>
        %dma_start3A = arith.constant 0 : i32
        %dma_start3A_56 = tpu.memref_slice %arg9[%add3A_51, %dma_start3A] : memref<10240x128xf32, #tpu.memory_space<hbm>> -> memref<128x128xf32, #tpu.memory_space<hbm>>
        %dma_start3A_57 = arith.constant 0 : i32
        %dma_start3A_58 = tpu.memref_slice %arg9[%add3A_51, %dma_start3A_57] : memref<10240x128xf32, #tpu.memory_space<hbm>> -> memref<128x128xf32, #tpu.memory_space<hbm>>
        tpu.enqueue_dma source(%arg13 : memref<128x128xf32, #tpu.memory_space<vmem>>) target(%dma_start3A_58 : memref<128x128xf32, #tpu.memory_space<hbm>>) target_semaphore(%run_scoped3A : memref<!tpu.dma_semaphore, #tpu.memory_space<semaphore_mem>>)
        %dma_wait3A = arith.constant 0 : i32
        %dma_wait3A_59 = tpu.memref_slice %arg9[%add3A_51, %dma_wait3A] : memref<10240x128xf32, #tpu.memory_space<hbm>> -> memref<128x128xf32, #tpu.memory_space<hbm>>
        %dma_wait3A_60 = arith.constant 0 : i32
        %dma_wait3A_61 = tpu.memref_slice %arg9[%add3A_51, %dma_wait3A_60] : memref<10240x128xf32, #tpu.memory_space<hbm>> -> memref<128x128xf32, #tpu.memory_space<hbm>>
        tpu.wait_dma2 semaphore(%run_scoped3A : memref<!tpu.dma_semaphore, #tpu.memory_space<semaphore_mem>>) src(%arg13 : memref<128x128xf32, #tpu.memory_space<vmem>>) dst(%dma_wait3A_61 : memref<128x128xf32, #tpu.memory_space<hbm>>)
        tpu.yield
      }) : () -> ()
      %mul3A_52 = arith.constant 640 : i32
      %mul3A_53 = arith.muli %arg1, %mul3A_52 : i32
      %add3A_54 = arith.constant 512 : i32
      %add3A_55 = arith.addi %mul3A_53, %add3A_54 : i32
      "tpu.region"() ({
        %run_scoped3A = tpu.sem_alloc : memref<!tpu.dma_semaphore, #tpu.memory_space<semaphore_mem>>
        %dma_start3A = arith.constant 0 : i32
        %dma_start3A_56 = tpu.memref_slice %arg14[%add3A_55, %dma_start3A] : memref<10240x128xf32, #tpu.memory_space<vmem_shared>> -> memref<128x128xf32, #tpu.memory_space<vmem_shared>>
        %dma_start3A_57 = arith.constant 0 : i32
        %dma_start3A_58 = tpu.memref_slice %arg14[%add3A_55, %dma_start3A_57] : memref<10240x128xf32, #tpu.memory_space<vmem_shared>> -> memref<128x128xf32, #tpu.memory_space<vmem_shared>>
        tpu.enqueue_dma source(%dma_start3A_58 : memref<128x128xf32, #tpu.memory_space<vmem_shared>>) target(%arg13 : memref<128x128xf32, #tpu.memory_space<vmem>>) target_semaphore(%run_scoped3A : memref<!tpu.dma_semaphore, #tpu.memory_space<semaphore_mem>>)
        %dma_wait3A = arith.constant 0 : i32
        %dma_wait3A_59 = tpu.memref_slice %arg14[%add3A_55, %dma_wait3A] : memref<10240x128xf32, #tpu.memory_space<vmem_shared>> -> memref<128x128xf32, #tpu.memory_space<vmem_shared>>
        %dma_wait3A_60 = arith.constant 0 : i32
        %dma_wait3A_61 = tpu.memref_slice %arg14[%add3A_55, %dma_wait3A_60] : memref<10240x128xf32, #tpu.memory_space<vmem_shared>> -> memref<128x128xf32, #tpu.memory_space<vmem_shared>>
        tpu.wait_dma2 semaphore(%run_scoped3A : memref<!tpu.dma_semaphore, #tpu.memory_space<semaphore_mem>>) src(%dma_wait3A_61 : memref<128x128xf32, #tpu.memory_space<vmem_shared>>) dst(%arg13 : memref<128x128xf32, #tpu.memory_space<vmem>>)
        tpu.yield
      }) : () -> ()
      "tpu.region"() ({
        %run_scoped3A = tpu.sem_alloc : memref<!tpu.dma_semaphore, #tpu.memory_space<semaphore_mem>>
        %dma_start3A = arith.constant 0 : i32
        %dma_start3A_56 = tpu.memref_slice %arg9[%add3A_55, %dma_start3A] : memref<10240x128xf32, #tpu.memory_space<hbm>> -> memref<128x128xf32, #tpu.memory_space<hbm>>
        %dma_start3A_57 = arith.constant 0 : i32
        %dma_start3A_58 = tpu.memref_slice %arg9[%add3A_55, %dma_start3A_57] : memref<10240x128xf32, #tpu.memory_space<hbm>> -> memref<128x128xf32, #tpu.memory_space<hbm>>
        tpu.enqueue_dma source(%arg13 : memref<128x128xf32, #tpu.memory_space<vmem>>) target(%dma_start3A_58 : memref<128x128xf32, #tpu.memory_space<hbm>>) target_semaphore(%run_scoped3A : memref<!tpu.dma_semaphore, #tpu.memory_space<semaphore_mem>>)
        %dma_wait3A = arith.constant 0 : i32
        %dma_wait3A_59 = tpu.memref_slice %arg9[%add3A_55, %dma_wait3A] : memref<10240x128xf32, #tpu.memory_space<hbm>> -> memref<128x128xf32, #tpu.memory_space<hbm>>
        %dma_wait3A_60 = arith.constant 0 : i32
        %dma_wait3A_61 = tpu.memref_slice %arg9[%add3A_55, %dma_wait3A_60] : memref<10240x128xf32, #tpu.memory_space<hbm>> -> memref<128x128xf32, #tpu.memory_space<hbm>>
        tpu.wait_dma2 semaphore(%run_scoped3A : memref<!tpu.dma_semaphore, #tpu.memory_space<semaphore_mem>>) src(%arg13 : memref<128x128xf32, #tpu.memory_space<vmem>>) dst(%dma_wait3A_61 : memref<128x128xf32, #tpu.memory_space<hbm>>)
        tpu.yield
      }) : () -> ()
    } else {
    }
    %eq3A_31 = arith.constant 1 : i32
    %eq3A_32 = arith.cmpi eq, %arg0, %eq3A_31 : i32
    %convert_element_type3A_33 = arith.extui %eq3A_32 : i1 to i32
    %cond3A_34 = arith.constant 0 : i32
    %cond3A_35 = arith.cmpi ne, %convert_element_type3A_33, %cond3A_34 : i32
    scf.if %cond3A_35 {
      %mul3A_36 = arith.constant 640 : i32
      %mul3A_37 = arith.muli %arg1, %mul3A_36 : i32
      %add3A_38 = arith.constant 0 : i32
      %add3A_39 = arith.addi %mul3A_37, %add3A_38 : i32
      "tpu.region"() ({
        %run_scoped3A = tpu.sem_alloc : memref<!tpu.dma_semaphore, #tpu.memory_space<semaphore_mem>>
        %dma_start3A = arith.constant 0 : i32
        %dma_start3A_56 = tpu.memref_slice %arg14[%add3A_39, %dma_start3A] : memref<10240x128xf32, #tpu.memory_space<vmem_shared>> -> memref<128x128xf32, #tpu.memory_space<vmem_shared>>
        %dma_start3A_57 = arith.constant 0 : i32
        %dma_start3A_58 = tpu.memref_slice %arg14[%add3A_39, %dma_start3A_57] : memref<10240x128xf32, #tpu.memory_space<vmem_shared>> -> memref<128x128xf32, #tpu.memory_space<vmem_shared>>
        tpu.enqueue_dma source(%dma_start3A_58 : memref<128x128xf32, #tpu.memory_space<vmem_shared>>) target(%arg13 : memref<128x128xf32, #tpu.memory_space<vmem>>) target_semaphore(%run_scoped3A : memref<!tpu.dma_semaphore, #tpu.memory_space<semaphore_mem>>)
        %dma_wait3A = arith.constant 0 : i32
        %dma_wait3A_59 = tpu.memref_slice %arg14[%add3A_39, %dma_wait3A] : memref<10240x128xf32, #tpu.memory_space<vmem_shared>> -> memref<128x128xf32, #tpu.memory_space<vmem_shared>>
        %dma_wait3A_60 = arith.constant 0 : i32
        %dma_wait3A_61 = tpu.memref_slice %arg14[%add3A_39, %dma_wait3A_60] : memref<10240x128xf32, #tpu.memory_space<vmem_shared>> -> memref<128x128xf32, #tpu.memory_space<vmem_shared>>
        tpu.wait_dma2 semaphore(%run_scoped3A : memref<!tpu.dma_semaphore, #tpu.memory_space<semaphore_mem>>) src(%dma_wait3A_61 : memref<128x128xf32, #tpu.memory_space<vmem_shared>>) dst(%arg13 : memref<128x128xf32, #tpu.memory_space<vmem>>)
        tpu.yield
      }) : () -> ()
      "tpu.region"() ({
        %run_scoped3A = tpu.sem_alloc : memref<!tpu.dma_semaphore, #tpu.memory_space<semaphore_mem>>
        %dma_start3A = arith.constant 0 : i32
        %dma_start3A_56 = tpu.memref_slice %arg10[%add3A_39, %dma_start3A] : memref<10240x128xf32, #tpu.memory_space<hbm>> -> memref<128x128xf32, #tpu.memory_space<hbm>>
        %dma_start3A_57 = arith.constant 0 : i32
        %dma_start3A_58 = tpu.memref_slice %arg10[%add3A_39, %dma_start3A_57] : memref<10240x128xf32, #tpu.memory_space<hbm>> -> memref<128x128xf32, #tpu.memory_space<hbm>>
        tpu.enqueue_dma source(%arg13 : memref<128x128xf32, #tpu.memory_space<vmem>>) target(%dma_start3A_58 : memref<128x128xf32, #tpu.memory_space<hbm>>) target_semaphore(%run_scoped3A : memref<!tpu.dma_semaphore, #tpu.memory_space<semaphore_mem>>)
        %dma_wait3A = arith.constant 0 : i32
        %dma_wait3A_59 = tpu.memref_slice %arg10[%add3A_39, %dma_wait3A] : memref<10240x128xf32, #tpu.memory_space<hbm>> -> memref<128x128xf32, #tpu.memory_space<hbm>>
        %dma_wait3A_60 = arith.constant 0 : i32
        %dma_wait3A_61 = tpu.memref_slice %arg10[%add3A_39, %dma_wait3A_60] : memref<10240x128xf32, #tpu.memory_space<hbm>> -> memref<128x128xf32, #tpu.memory_space<hbm>>
        tpu.wait_dma2 semaphore(%run_scoped3A : memref<!tpu.dma_semaphore, #tpu.memory_space<semaphore_mem>>) src(%arg13 : memref<128x128xf32, #tpu.memory_space<vmem>>) dst(%dma_wait3A_61 : memref<128x128xf32, #tpu.memory_space<hbm>>)
        tpu.yield
      }) : () -> ()
      %mul3A_40 = arith.constant 640 : i32
      %mul3A_41 = arith.muli %arg1, %mul3A_40 : i32
      %add3A_42 = arith.constant 128 : i32
      %add3A_43 = arith.addi %mul3A_41, %add3A_42 : i32
      "tpu.region"() ({
        %run_scoped3A = tpu.sem_alloc : memref<!tpu.dma_semaphore, #tpu.memory_space<semaphore_mem>>
        %dma_start3A = arith.constant 0 : i32
        %dma_start3A_56 = tpu.memref_slice %arg14[%add3A_43, %dma_start3A] : memref<10240x128xf32, #tpu.memory_space<vmem_shared>> -> memref<128x128xf32, #tpu.memory_space<vmem_shared>>
        %dma_start3A_57 = arith.constant 0 : i32
        %dma_start3A_58 = tpu.memref_slice %arg14[%add3A_43, %dma_start3A_57] : memref<10240x128xf32, #tpu.memory_space<vmem_shared>> -> memref<128x128xf32, #tpu.memory_space<vmem_shared>>
        tpu.enqueue_dma source(%dma_start3A_58 : memref<128x128xf32, #tpu.memory_space<vmem_shared>>) target(%arg13 : memref<128x128xf32, #tpu.memory_space<vmem>>) target_semaphore(%run_scoped3A : memref<!tpu.dma_semaphore, #tpu.memory_space<semaphore_mem>>)
        %dma_wait3A = arith.constant 0 : i32
        %dma_wait3A_59 = tpu.memref_slice %arg14[%add3A_43, %dma_wait3A] : memref<10240x128xf32, #tpu.memory_space<vmem_shared>> -> memref<128x128xf32, #tpu.memory_space<vmem_shared>>
        %dma_wait3A_60 = arith.constant 0 : i32
        %dma_wait3A_61 = tpu.memref_slice %arg14[%add3A_43, %dma_wait3A_60] : memref<10240x128xf32, #tpu.memory_space<vmem_shared>> -> memref<128x128xf32, #tpu.memory_space<vmem_shared>>
        tpu.wait_dma2 semaphore(%run_scoped3A : memref<!tpu.dma_semaphore, #tpu.memory_space<semaphore_mem>>) src(%dma_wait3A_61 : memref<128x128xf32, #tpu.memory_space<vmem_shared>>) dst(%arg13 : memref<128x128xf32, #tpu.memory_space<vmem>>)
        tpu.yield
      }) : () -> ()
      "tpu.region"() ({
        %run_scoped3A = tpu.sem_alloc : memref<!tpu.dma_semaphore, #tpu.memory_space<semaphore_mem>>
        %dma_start3A = arith.constant 0 : i32
        %dma_start3A_56 = tpu.memref_slice %arg10[%add3A_43, %dma_start3A] : memref<10240x128xf32, #tpu.memory_space<hbm>> -> memref<128x128xf32, #tpu.memory_space<hbm>>
        %dma_start3A_57 = arith.constant 0 : i32
        %dma_start3A_58 = tpu.memref_slice %arg10[%add3A_43, %dma_start3A_57] : memref<10240x128xf32, #tpu.memory_space<hbm>> -> memref<128x128xf32, #tpu.memory_space<hbm>>
        tpu.enqueue_dma source(%arg13 : memref<128x128xf32, #tpu.memory_space<vmem>>) target(%dma_start3A_58 : memref<128x128xf32, #tpu.memory_space<hbm>>) target_semaphore(%run_scoped3A : memref<!tpu.dma_semaphore, #tpu.memory_space<semaphore_mem>>)
        %dma_wait3A = arith.constant 0 : i32
        %dma_wait3A_59 = tpu.memref_slice %arg10[%add3A_43, %dma_wait3A] : memref<10240x128xf32, #tpu.memory_space<hbm>> -> memref<128x128xf32, #tpu.memory_space<hbm>>
        %dma_wait3A_60 = arith.constant 0 : i32
        %dma_wait3A_61 = tpu.memref_slice %arg10[%add3A_43, %dma_wait3A_60] : memref<10240x128xf32, #tpu.memory_space<hbm>> -> memref<128x128xf32, #tpu.memory_space<hbm>>
        tpu.wait_dma2 semaphore(%run_scoped3A : memref<!tpu.dma_semaphore, #tpu.memory_space<semaphore_mem>>) src(%arg13 : memref<128x128xf32, #tpu.memory_space<vmem>>) dst(%dma_wait3A_61 : memref<128x128xf32, #tpu.memory_space<hbm>>)
        tpu.yield
      }) : () -> ()
      %mul3A_44 = arith.constant 640 : i32
      %mul3A_45 = arith.muli %arg1, %mul3A_44 : i32
      %add3A_46 = arith.constant 256 : i32
      %add3A_47 = arith.addi %mul3A_45, %add3A_46 : i32
      "tpu.region"() ({
        %run_scoped3A = tpu.sem_alloc : memref<!tpu.dma_semaphore, #tpu.memory_space<semaphore_mem>>
        %dma_start3A = arith.constant 0 : i32
        %dma_start3A_56 = tpu.memref_slice %arg14[%add3A_47, %dma_start3A] : memref<10240x128xf32, #tpu.memory_space<vmem_shared>> -> memref<128x128xf32, #tpu.memory_space<vmem_shared>>
        %dma_start3A_57 = arith.constant 0 : i32
        %dma_start3A_58 = tpu.memref_slice %arg14[%add3A_47, %dma_start3A_57] : memref<10240x128xf32, #tpu.memory_space<vmem_shared>> -> memref<128x128xf32, #tpu.memory_space<vmem_shared>>
        tpu.enqueue_dma source(%dma_start3A_58 : memref<128x128xf32, #tpu.memory_space<vmem_shared>>) target(%arg13 : memref<128x128xf32, #tpu.memory_space<vmem>>) target_semaphore(%run_scoped3A : memref<!tpu.dma_semaphore, #tpu.memory_space<semaphore_mem>>)
        %dma_wait3A = arith.constant 0 : i32
        %dma_wait3A_59 = tpu.memref_slice %arg14[%add3A_47, %dma_wait3A] : memref<10240x128xf32, #tpu.memory_space<vmem_shared>> -> memref<128x128xf32, #tpu.memory_space<vmem_shared>>
        %dma_wait3A_60 = arith.constant 0 : i32
        %dma_wait3A_61 = tpu.memref_slice %arg14[%add3A_47, %dma_wait3A_60] : memref<10240x128xf32, #tpu.memory_space<vmem_shared>> -> memref<128x128xf32, #tpu.memory_space<vmem_shared>>
        tpu.wait_dma2 semaphore(%run_scoped3A : memref<!tpu.dma_semaphore, #tpu.memory_space<semaphore_mem>>) src(%dma_wait3A_61 : memref<128x128xf32, #tpu.memory_space<vmem_shared>>) dst(%arg13 : memref<128x128xf32, #tpu.memory_space<vmem>>)
        tpu.yield
      }) : () -> ()
      "tpu.region"() ({
        %run_scoped3A = tpu.sem_alloc : memref<!tpu.dma_semaphore, #tpu.memory_space<semaphore_mem>>
        %dma_start3A = arith.constant 0 : i32
        %dma_start3A_56 = tpu.memref_slice %arg10[%add3A_47, %dma_start3A] : memref<10240x128xf32, #tpu.memory_space<hbm>> -> memref<128x128xf32, #tpu.memory_space<hbm>>
        %dma_start3A_57 = arith.constant 0 : i32
        %dma_start3A_58 = tpu.memref_slice %arg10[%add3A_47, %dma_start3A_57] : memref<10240x128xf32, #tpu.memory_space<hbm>> -> memref<128x128xf32, #tpu.memory_space<hbm>>
        tpu.enqueue_dma source(%arg13 : memref<128x128xf32, #tpu.memory_space<vmem>>) target(%dma_start3A_58 : memref<128x128xf32, #tpu.memory_space<hbm>>) target_semaphore(%run_scoped3A : memref<!tpu.dma_semaphore, #tpu.memory_space<semaphore_mem>>)
        %dma_wait3A = arith.constant 0 : i32
        %dma_wait3A_59 = tpu.memref_slice %arg10[%add3A_47, %dma_wait3A] : memref<10240x128xf32, #tpu.memory_space<hbm>> -> memref<128x128xf32, #tpu.memory_space<hbm>>
        %dma_wait3A_60 = arith.constant 0 : i32
        %dma_wait3A_61 = tpu.memref_slice %arg10[%add3A_47, %dma_wait3A_60] : memref<10240x128xf32, #tpu.memory_space<hbm>> -> memref<128x128xf32, #tpu.memory_space<hbm>>
        tpu.wait_dma2 semaphore(%run_scoped3A : memref<!tpu.dma_semaphore, #tpu.memory_space<semaphore_mem>>) src(%arg13 : memref<128x128xf32, #tpu.memory_space<vmem>>) dst(%dma_wait3A_61 : memref<128x128xf32, #tpu.memory_space<hbm>>)
        tpu.yield
      }) : () -> ()
      %mul3A_48 = arith.constant 640 : i32
      %mul3A_49 = arith.muli %arg1, %mul3A_48 : i32
      %add3A_50 = arith.constant 384 : i32
      %add3A_51 = arith.addi %mul3A_49, %add3A_50 : i32
      "tpu.region"() ({
        %run_scoped3A = tpu.sem_alloc : memref<!tpu.dma_semaphore, #tpu.memory_space<semaphore_mem>>
        %dma_start3A = arith.constant 0 : i32
        %dma_start3A_56 = tpu.memref_slice %arg14[%add3A_51, %dma_start3A] : memref<10240x128xf32, #tpu.memory_space<vmem_shared>> -> memref<128x128xf32, #tpu.memory_space<vmem_shared>>
        %dma_start3A_57 = arith.constant 0 : i32
        %dma_start3A_58 = tpu.memref_slice %arg14[%add3A_51, %dma_start3A_57] : memref<10240x128xf32, #tpu.memory_space<vmem_shared>> -> memref<128x128xf32, #tpu.memory_space<vmem_shared>>
        tpu.enqueue_dma source(%dma_start3A_58 : memref<128x128xf32, #tpu.memory_space<vmem_shared>>) target(%arg13 : memref<128x128xf32, #tpu.memory_space<vmem>>) target_semaphore(%run_scoped3A : memref<!tpu.dma_semaphore, #tpu.memory_space<semaphore_mem>>)
        %dma_wait3A = arith.constant 0 : i32
        %dma_wait3A_59 = tpu.memref_slice %arg14[%add3A_51, %dma_wait3A] : memref<10240x128xf32, #tpu.memory_space<vmem_shared>> -> memref<128x128xf32, #tpu.memory_space<vmem_shared>>
        %dma_wait3A_60 = arith.constant 0 : i32
        %dma_wait3A_61 = tpu.memref_slice %arg14[%add3A_51, %dma_wait3A_60] : memref<10240x128xf32, #tpu.memory_space<vmem_shared>> -> memref<128x128xf32, #tpu.memory_space<vmem_shared>>
        tpu.wait_dma2 semaphore(%run_scoped3A : memref<!tpu.dma_semaphore, #tpu.memory_space<semaphore_mem>>) src(%dma_wait3A_61 : memref<128x128xf32, #tpu.memory_space<vmem_shared>>) dst(%arg13 : memref<128x128xf32, #tpu.memory_space<vmem>>)
        tpu.yield
      }) : () -> ()
      "tpu.region"() ({
        %run_scoped3A = tpu.sem_alloc : memref<!tpu.dma_semaphore, #tpu.memory_space<semaphore_mem>>
        %dma_start3A = arith.constant 0 : i32
        %dma_start3A_56 = tpu.memref_slice %arg10[%add3A_51, %dma_start3A] : memref<10240x128xf32, #tpu.memory_space<hbm>> -> memref<128x128xf32, #tpu.memory_space<hbm>>
        %dma_start3A_57 = arith.constant 0 : i32
        %dma_start3A_58 = tpu.memref_slice %arg10[%add3A_51, %dma_start3A_57] : memref<10240x128xf32, #tpu.memory_space<hbm>> -> memref<128x128xf32, #tpu.memory_space<hbm>>
        tpu.enqueue_dma source(%arg13 : memref<128x128xf32, #tpu.memory_space<vmem>>) target(%dma_start3A_58 : memref<128x128xf32, #tpu.memory_space<hbm>>) target_semaphore(%run_scoped3A : memref<!tpu.dma_semaphore, #tpu.memory_space<semaphore_mem>>)
        %dma_wait3A = arith.constant 0 : i32
        %dma_wait3A_59 = tpu.memref_slice %arg10[%add3A_51, %dma_wait3A] : memref<10240x128xf32, #tpu.memory_space<hbm>> -> memref<128x128xf32, #tpu.memory_space<hbm>>
        %dma_wait3A_60 = arith.constant 0 : i32
        %dma_wait3A_61 = tpu.memref_slice %arg10[%add3A_51, %dma_wait3A_60] : memref<10240x128xf32, #tpu.memory_space<hbm>> -> memref<128x128xf32, #tpu.memory_space<hbm>>
        tpu.wait_dma2 semaphore(%run_scoped3A : memref<!tpu.dma_semaphore, #tpu.memory_space<semaphore_mem>>) src(%arg13 : memref<128x128xf32, #tpu.memory_space<vmem>>) dst(%dma_wait3A_61 : memref<128x128xf32, #tpu.memory_space<hbm>>)
        tpu.yield
      }) : () -> ()
      %mul3A_52 = arith.constant 640 : i32
      %mul3A_53 = arith.muli %arg1, %mul3A_52 : i32
      %add3A_54 = arith.constant 512 : i32
      %add3A_55 = arith.addi %mul3A_53, %add3A_54 : i32
      "tpu.region"() ({
        %run_scoped3A = tpu.sem_alloc : memref<!tpu.dma_semaphore, #tpu.memory_space<semaphore_mem>>
        %dma_start3A = arith.constant 0 : i32
        %dma_start3A_56 = tpu.memref_slice %arg14[%add3A_55, %dma_start3A] : memref<10240x128xf32, #tpu.memory_space<vmem_shared>> -> memref<128x128xf32, #tpu.memory_space<vmem_shared>>
        %dma_start3A_57 = arith.constant 0 : i32
        %dma_start3A_58 = tpu.memref_slice %arg14[%add3A_55, %dma_start3A_57] : memref<10240x128xf32, #tpu.memory_space<vmem_shared>> -> memref<128x128xf32, #tpu.memory_space<vmem_shared>>
        tpu.enqueue_dma source(%dma_start3A_58 : memref<128x128xf32, #tpu.memory_space<vmem_shared>>) target(%arg13 : memref<128x128xf32, #tpu.memory_space<vmem>>) target_semaphore(%run_scoped3A : memref<!tpu.dma_semaphore, #tpu.memory_space<semaphore_mem>>)
        %dma_wait3A = arith.constant 0 : i32
        %dma_wait3A_59 = tpu.memref_slice %arg14[%add3A_55, %dma_wait3A] : memref<10240x128xf32, #tpu.memory_space<vmem_shared>> -> memref<128x128xf32, #tpu.memory_space<vmem_shared>>
        %dma_wait3A_60 = arith.constant 0 : i32
        %dma_wait3A_61 = tpu.memref_slice %arg14[%add3A_55, %dma_wait3A_60] : memref<10240x128xf32, #tpu.memory_space<vmem_shared>> -> memref<128x128xf32, #tpu.memory_space<vmem_shared>>
        tpu.wait_dma2 semaphore(%run_scoped3A : memref<!tpu.dma_semaphore, #tpu.memory_space<semaphore_mem>>) src(%dma_wait3A_61 : memref<128x128xf32, #tpu.memory_space<vmem_shared>>) dst(%arg13 : memref<128x128xf32, #tpu.memory_space<vmem>>)
        tpu.yield
      }) : () -> ()
      "tpu.region"() ({
        %run_scoped3A = tpu.sem_alloc : memref<!tpu.dma_semaphore, #tpu.memory_space<semaphore_mem>>
        %dma_start3A = arith.constant 0 : i32
        %dma_start3A_56 = tpu.memref_slice %arg10[%add3A_55, %dma_start3A] : memref<10240x128xf32, #tpu.memory_space<hbm>> -> memref<128x128xf32, #tpu.memory_space<hbm>>
        %dma_start3A_57 = arith.constant 0 : i32
        %dma_start3A_58 = tpu.memref_slice %arg10[%add3A_55, %dma_start3A_57] : memref<10240x128xf32, #tpu.memory_space<hbm>> -> memref<128x128xf32, #tpu.memory_space<hbm>>
        tpu.enqueue_dma source(%arg13 : memref<128x128xf32, #tpu.memory_space<vmem>>) target(%dma_start3A_58 : memref<128x128xf32, #tpu.memory_space<hbm>>) target_semaphore(%run_scoped3A : memref<!tpu.dma_semaphore, #tpu.memory_space<semaphore_mem>>)
        %dma_wait3A = arith.constant 0 : i32
        %dma_wait3A_59 = tpu.memref_slice %arg10[%add3A_55, %dma_wait3A] : memref<10240x128xf32, #tpu.memory_space<hbm>> -> memref<128x128xf32, #tpu.memory_space<hbm>>
        %dma_wait3A_60 = arith.constant 0 : i32
        %dma_wait3A_61 = tpu.memref_slice %arg10[%add3A_55, %dma_wait3A_60] : memref<10240x128xf32, #tpu.memory_space<hbm>> -> memref<128x128xf32, #tpu.memory_space<hbm>>
        tpu.wait_dma2 semaphore(%run_scoped3A : memref<!tpu.dma_semaphore, #tpu.memory_space<semaphore_mem>>) src(%arg13 : memref<128x128xf32, #tpu.memory_space<vmem>>) dst(%dma_wait3A_61 : memref<128x128xf32, #tpu.memory_space<hbm>>)
        tpu.yield
      }) : () -> ()
    } else {
    }
    return
  }
}

module attributes {stable_mosaic.version = 14 : i64} {
  func.func @_tc_mid_body(%arg0: i32, %arg1: memref<1000x128xf32, #tpu.memory_space<vmem>>, %arg2: memref<1000x128xf32, #tpu.memory_space<vmem>>, %arg3: memref<1000x16xf32, #tpu.memory_space<vmem>>, %arg4: memref<1000x16xf32, #tpu.memory_space<vmem>>, %arg5: memref<128x128xf32, #tpu.memory_space<vmem>>, %arg6: memref<1x128xf32, #tpu.memory_space<vmem>>, %arg7: memref<128x128xf32, #tpu.memory_space<vmem>>, %arg8: memref<1x128xf32, #tpu.memory_space<vmem>>, %arg9: memref<128x64xf32, #tpu.memory_space<vmem>>, %arg10: memref<1x64xf32, #tpu.memory_space<vmem>>, %arg11: memref<128x64xf32, #tpu.memory_space<vmem>>, %arg12: memref<1x64xf32, #tpu.memory_space<vmem>>, %arg13: memref<1000x128xf32, #tpu.memory_space<vmem>>) attributes {dimension_semantics = [#tpu.dimension_semantics<arbitrary>], iteration_bounds = array<i64: 10>, scalar_prefetch = 0 : i64, scratch_operands = 0 : i64, tpu.core_type = #tpu.core_type<tc>, window_params = [{transform_indices = @transform_0, window_bounds = array<i64: 1000, 128>}, {transform_indices = @transform_1, window_bounds = array<i64: 1000, 128>}, {transform_indices = @transform_2, window_bounds = array<i64: 1000, 16>}, {transform_indices = @transform_3, window_bounds = array<i64: 1000, 16>}, {pipeline_mode = #tpu.pipeline_mode<synchronous>, transform_indices = @transform_4, window_bounds = array<i64: 128, 128>}, {pipeline_mode = #tpu.pipeline_mode<synchronous>, transform_indices = @transform_5, window_bounds = array<i64: 1, 128>}, {pipeline_mode = #tpu.pipeline_mode<synchronous>, transform_indices = @transform_6, window_bounds = array<i64: 128, 128>}, {pipeline_mode = #tpu.pipeline_mode<synchronous>, transform_indices = @transform_7, window_bounds = array<i64: 1, 128>}, {pipeline_mode = #tpu.pipeline_mode<synchronous>, transform_indices = @transform_8, window_bounds = array<i64: 128, 64>}, {pipeline_mode = #tpu.pipeline_mode<synchronous>, transform_indices = @transform_9, window_bounds = array<i64: 1, 64>}, {pipeline_mode = #tpu.pipeline_mode<synchronous>, transform_indices = @transform_10, window_bounds = array<i64: 128, 64>}, {pipeline_mode = #tpu.pipeline_mode<synchronous>, transform_indices = @transform_11, window_bounds = array<i64: 1, 64>}, {transform_indices = @transform_12, window_bounds = array<i64: 1000, 128>}]} {
    %get3A = arith.constant 0 : index
    %get3A_0 = arith.constant 0 : index
    %get3A_1 = vector.load %arg3[%get3A, %get3A_0] : memref<1000x16xf32, #tpu.memory_space<vmem>>, vector<1000x16xf32>
    %slice3A = vector.extract_strided_slice %get3A_1 {offsets = [0, 0], sizes = [1000, 1], strides = [1, 1]} : vector<1000x16xf32> to vector<1000x1xf32>
    %get3A_2 = arith.constant 0 : index
    %get3A_3 = arith.constant 0 : index
    %get3A_4 = vector.load %arg4[%get3A_2, %get3A_3] : memref<1000x16xf32, #tpu.memory_space<vmem>>, vector<1000x16xf32>
    %slice3A_5 = vector.extract_strided_slice %get3A_4 {offsets = [0, 0], sizes = [1000, 1], strides = [1, 1]} : vector<1000x16xf32> to vector<1000x1xf32>
    %get3A_6 = arith.constant 0 : index
    %get3A_7 = arith.constant 0 : index
    %get3A_8 = vector.load %arg1[%get3A_6, %get3A_7] : memref<1000x128xf32, #tpu.memory_space<vmem>>, vector<1000x128xf32>
    %max3A = arith.constant 1.000000e+00 : f32
    %max3A_9 = vector.broadcast %max3A : f32 to vector<1000x1xf32>
    %max3A_10 = arith.maximumf %slice3A, %max3A_9 : vector<1000x1xf32>
    %div3A = vector.broadcast %max3A_10 : vector<1000x1xf32> to vector<1000x128xf32>
    %div3A_11 = arith.divf %get3A_8, %div3A : vector<1000x128xf32>
    %get3A_12 = arith.constant 0 : index
    %get3A_13 = arith.constant 0 : index
    %get3A_14 = vector.load %arg2[%get3A_12, %get3A_13] : memref<1000x128xf32, #tpu.memory_space<vmem>>, vector<1000x128xf32>
    %max3A_15 = arith.constant 1.000000e+00 : f32
    %max3A_16 = vector.broadcast %max3A_15 : f32 to vector<1000x1xf32>
    %max3A_17 = arith.maximumf %slice3A_5, %max3A_16 : vector<1000x1xf32>
    %div3A_18 = vector.broadcast %max3A_17 : vector<1000x1xf32> to vector<1000x128xf32>
    %div3A_19 = arith.divf %get3A_14, %div3A_18 : vector<1000x128xf32>
    %gt3A = arith.constant 0.000000e+00 : f32
    %gt3A_20 = vector.broadcast %gt3A : f32 to vector<1000x1xf32>
    %gt3A_21 = arith.cmpf ogt, %slice3A, %gt3A_20 : vector<1000x1xf32>
    %convert_element_type3A = arith.extui %gt3A_21 : vector<1000x1xi1> to vector<1000x1xi32>
    %convert_element_type3A_22 = arith.sitofp %convert_element_type3A : vector<1000x1xi32> to vector<1000x1xf32>
    %gt3A_23 = arith.constant 0.000000e+00 : f32
    %gt3A_24 = vector.broadcast %gt3A_23 : f32 to vector<1000x1xf32>
    %gt3A_25 = arith.cmpf ogt, %slice3A_5, %gt3A_24 : vector<1000x1xf32>
    %convert_element_type3A_26 = arith.extui %gt3A_25 : vector<1000x1xi1> to vector<1000x1xi32>
    %convert_element_type3A_27 = arith.sitofp %convert_element_type3A_26 : vector<1000x1xi32> to vector<1000x1xf32>
    %get3A_28 = arith.constant 0 : index
    %get3A_29 = arith.constant 0 : index
    %get3A_30 = vector.load %arg5[%get3A_28, %get3A_29] : memref<128x128xf32, #tpu.memory_space<vmem>>, vector<128x128xf32>
    %dot_general3A = arith.constant dense<0.000000e+00> : vector<1000x128xf32>
    %dot_general3A_31 = tpu.matmul %div3A_11, %get3A_30, %dot_general3A {dimension_numbers = #tpu.dot_dimension_numbers<[1], [0], [0], [1], [0, 0, 1, 1], [], []>, transpose_lhs_hint = false} : vector<1000x128xf32>, vector<128x128xf32>, vector<1000x128xf32> -> vector<1000x128xf32>
    %get3A_32 = arith.constant 0 : index
    %get3A_33 = arith.constant 0 : index
    %get3A_34 = vector.load %arg6[%get3A_32, %get3A_33] : memref<1x128xf32, #tpu.memory_space<vmem>>, vector<1x128xf32>
    %mul3A = vector.broadcast %convert_element_type3A_22 : vector<1000x1xf32> to vector<1000x128xf32>
    %mul3A_35 = vector.broadcast %get3A_34 : vector<1x128xf32> to vector<1000x128xf32>
    %mul3A_36 = arith.mulf %mul3A, %mul3A_35 : vector<1000x128xf32>
    %add3A = arith.addf %dot_general3A_31, %mul3A_36 : vector<1000x128xf32>
    %get3A_37 = arith.constant 0 : index
    %get3A_38 = arith.constant 0 : index
    %get3A_39 = vector.load %arg7[%get3A_37, %get3A_38] : memref<128x128xf32, #tpu.memory_space<vmem>>, vector<128x128xf32>
    %dot_general3A_40 = arith.constant dense<0.000000e+00> : vector<1000x128xf32>
    %dot_general3A_41 = tpu.matmul %div3A_19, %get3A_39, %dot_general3A_40 {dimension_numbers = #tpu.dot_dimension_numbers<[1], [0], [0], [1], [0, 0, 1, 1], [], []>, transpose_lhs_hint = false} : vector<1000x128xf32>, vector<128x128xf32>, vector<1000x128xf32> -> vector<1000x128xf32>
    %add3A_42 = arith.addf %add3A, %dot_general3A_41 : vector<1000x128xf32>
    %get3A_43 = arith.constant 0 : index
    %get3A_44 = arith.constant 0 : index
    %get3A_45 = vector.load %arg8[%get3A_43, %get3A_44] : memref<1x128xf32, #tpu.memory_space<vmem>>, vector<1x128xf32>
    %mul3A_46 = vector.broadcast %convert_element_type3A_27 : vector<1000x1xf32> to vector<1000x128xf32>
    %mul3A_47 = vector.broadcast %get3A_45 : vector<1x128xf32> to vector<1000x128xf32>
    %mul3A_48 = arith.mulf %mul3A_46, %mul3A_47 : vector<1000x128xf32>
    %add3A_49 = arith.addf %add3A_42, %mul3A_48 : vector<1000x128xf32>
    %max3A_50 = arith.constant 0.000000e+00 : f32
    %max3A_51 = vector.broadcast %max3A_50 : f32 to vector<1000x128xf32>
    %max3A_52 = arith.maximumf %add3A_49, %max3A_51 : vector<1000x128xf32>
    %get3A_53 = arith.constant 0 : index
    %get3A_54 = arith.constant 0 : index
    %get3A_55 = vector.load %arg9[%get3A_53, %get3A_54] : memref<128x64xf32, #tpu.memory_space<vmem>>, vector<128x64xf32>
    %dot_general3A_56 = arith.constant dense<0.000000e+00> : vector<1000x64xf32>
    %dot_general3A_57 = tpu.matmul %max3A_52, %get3A_55, %dot_general3A_56 {dimension_numbers = #tpu.dot_dimension_numbers<[1], [0], [0], [1], [0, 0, 1, 1], [], []>, transpose_lhs_hint = false} : vector<1000x128xf32>, vector<128x64xf32>, vector<1000x64xf32> -> vector<1000x64xf32>
    %get3A_58 = arith.constant 0 : index
    %get3A_59 = arith.constant 0 : index
    %get3A_60 = vector.load %arg10[%get3A_58, %get3A_59] : memref<1x64xf32, #tpu.memory_space<vmem>>, vector<1x64xf32>
    %add3A_61 = vector.broadcast %get3A_60 : vector<1x64xf32> to vector<1000x64xf32>
    %add3A_62 = arith.addf %dot_general3A_57, %add3A_61 : vector<1000x64xf32>
    %swap3A = arith.constant 0 : index
    %swap3A_63 = arith.constant 0 : index
    %swap3A_64 = vector.load %arg13[%swap3A, %swap3A_63] : memref<1000x128xf32, #tpu.memory_space<vmem>>, vector<1000x64xf32>
    tpu.vector_store %arg13[%swap3A, %swap3A_63], %add3A_62 {strides = array<i32>} : memref<1000x128xf32, #tpu.memory_space<vmem>>, vector<1000x64xf32>,
    %get3A_65 = arith.constant 0 : index
    %get3A_66 = arith.constant 0 : index
    %get3A_67 = vector.load %arg11[%get3A_65, %get3A_66] : memref<128x64xf32, #tpu.memory_space<vmem>>, vector<128x64xf32>
    %dot_general3A_68 = arith.constant dense<0.000000e+00> : vector<1000x64xf32>
    %dot_general3A_69 = tpu.matmul %max3A_52, %get3A_67, %dot_general3A_68 {dimension_numbers = #tpu.dot_dimension_numbers<[1], [0], [0], [1], [0, 0, 1, 1], [], []>, transpose_lhs_hint = false} : vector<1000x128xf32>, vector<128x64xf32>, vector<1000x64xf32> -> vector<1000x64xf32>
    %get3A_70 = arith.constant 0 : index
    %get3A_71 = arith.constant 0 : index
    %get3A_72 = vector.load %arg12[%get3A_70, %get3A_71] : memref<1x64xf32, #tpu.memory_space<vmem>>, vector<1x64xf32>
    %add3A_73 = vector.broadcast %get3A_72 : vector<1x64xf32> to vector<1000x64xf32>
    %add3A_74 = arith.addf %dot_general3A_69, %add3A_73 : vector<1000x64xf32>
    %swap3A_75 = arith.constant 0 : index
    %swap3A_76 = arith.constant 64 : index
    %swap3A_77 = vector.load %arg13[%swap3A_75, %swap3A_76] : memref<1000x128xf32, #tpu.memory_space<vmem>>, vector<1000x64xf32>
    tpu.vector_store %arg13[%swap3A_75, %swap3A_76], %add3A_74 {strides = array<i32>} : memref<1000x128xf32, #tpu.memory_space<vmem>>, vector<1000x64xf32>,
    return
  }
  func.func @transform_0(%arg0: i32) -> (i32, i32) {
    %c0_i32 = arith.constant 0 : i32
    %c0_i32_0 = arith.constant 0 : i32
    return %arg0, %c0_i32 : i32, i32
  }
  func.func @transform_1(%arg0: i32) -> (i32, i32) {
    %c0_i32 = arith.constant 0 : i32
    %c0_i32_0 = arith.constant 0 : i32
    return %arg0, %c0_i32 : i32, i32
  }
  func.func @transform_2(%arg0: i32) -> (i32, i32) {
    %c0_i32 = arith.constant 0 : i32
    %c0_i32_0 = arith.constant 0 : i32
    return %arg0, %c0_i32 : i32, i32
  }
  func.func @transform_3(%arg0: i32) -> (i32, i32) {
    %c0_i32 = arith.constant 0 : i32
    %c0_i32_0 = arith.constant 0 : i32
    return %arg0, %c0_i32 : i32, i32
  }
  func.func @transform_4(%arg0: i32) -> (i32, i32) {
    %c0_i32 = arith.constant 0 : i32
    %c0_i32_0 = arith.constant 0 : i32
    %c0_i32_1 = arith.constant 0 : i32
    return %c0_i32, %c0_i32_0 : i32, i32
  }
  func.func @transform_5(%arg0: i32) -> (i32, i32) {
    %c0_i32 = arith.constant 0 : i32
    %c0_i32_0 = arith.constant 0 : i32
    %c0_i32_1 = arith.constant 0 : i32
    return %c0_i32, %c0_i32_0 : i32, i32
  }
  func.func @transform_6(%arg0: i32) -> (i32, i32) {
    %c0_i32 = arith.constant 0 : i32
    %c0_i32_0 = arith.constant 0 : i32
    %c0_i32_1 = arith.constant 0 : i32
    return %c0_i32, %c0_i32_0 : i32, i32
  }
  func.func @transform_7(%arg0: i32) -> (i32, i32) {
    %c0_i32 = arith.constant 0 : i32
    %c0_i32_0 = arith.constant 0 : i32
    %c0_i32_1 = arith.constant 0 : i32
    return %c0_i32, %c0_i32_0 : i32, i32
  }
  func.func @transform_8(%arg0: i32) -> (i32, i32) {
    %c0_i32 = arith.constant 0 : i32
    %c0_i32_0 = arith.constant 0 : i32
    %c0_i32_1 = arith.constant 0 : i32
    return %c0_i32, %c0_i32_0 : i32, i32
  }
  func.func @transform_9(%arg0: i32) -> (i32, i32) {
    %c0_i32 = arith.constant 0 : i32
    %c0_i32_0 = arith.constant 0 : i32
    %c0_i32_1 = arith.constant 0 : i32
    return %c0_i32, %c0_i32_0 : i32, i32
  }
  func.func @transform_10(%arg0: i32) -> (i32, i32) {
    %c0_i32 = arith.constant 0 : i32
    %c0_i32_0 = arith.constant 0 : i32
    %c0_i32_1 = arith.constant 0 : i32
    return %c0_i32, %c0_i32_0 : i32, i32
  }
  func.func @transform_11(%arg0: i32) -> (i32, i32) {
    %c0_i32 = arith.constant 0 : i32
    %c0_i32_0 = arith.constant 0 : i32
    %c0_i32_1 = arith.constant 0 : i32
    return %c0_i32, %c0_i32_0 : i32, i32
  }
  func.func @transform_12(%arg0: i32) -> (i32, i32) {
    %c0_i32 = arith.constant 0 : i32
    %c0_i32_0 = arith.constant 0 : i32
    return %arg0, %c0_i32 : i32, i32
  }
}

module attributes {stable_mosaic.version = 14 : i64} {
  func.func @_tc_final_body(%arg0: i32, %arg1: memref<1000x64xf32, #tpu.memory_space<vmem>>, %arg2: memref<1000x64xf32, #tpu.memory_space<vmem>>, %arg3: memref<1000x16xf32, #tpu.memory_space<vmem>>, %arg4: memref<1000x16xf32, #tpu.memory_space<vmem>>, %arg5: memref<1000x64xf32, #tpu.memory_space<vmem>>) attributes {dimension_semantics = [#tpu.dimension_semantics<arbitrary>], iteration_bounds = array<i64: 10>, scalar_prefetch = 0 : i64, scratch_operands = 0 : i64, tpu.core_type = #tpu.core_type<tc>, window_params = [{transform_indices = @transform_0, window_bounds = array<i64: 1000, 64>}, {transform_indices = @transform_1, window_bounds = array<i64: 1000, 64>}, {transform_indices = @transform_2, window_bounds = array<i64: 1000, 16>}, {transform_indices = @transform_3, window_bounds = array<i64: 1000, 16>}, {transform_indices = @transform_4, window_bounds = array<i64: 1000, 64>}]} {
    %get3A = arith.constant 0 : index
    %get3A_0 = arith.constant 0 : index
    %get3A_1 = vector.load %arg3[%get3A, %get3A_0] : memref<1000x16xf32, #tpu.memory_space<vmem>>, vector<1000x16xf32>
    %slice3A = vector.extract_strided_slice %get3A_1 {offsets = [0, 0], sizes = [1000, 1], strides = [1, 1]} : vector<1000x16xf32> to vector<1000x1xf32>
    %get3A_2 = arith.constant 0 : index
    %get3A_3 = arith.constant 0 : index
    %get3A_4 = vector.load %arg4[%get3A_2, %get3A_3] : memref<1000x16xf32, #tpu.memory_space<vmem>>, vector<1000x16xf32>
    %slice3A_5 = vector.extract_strided_slice %get3A_4 {offsets = [0, 0], sizes = [1000, 1], strides = [1, 1]} : vector<1000x16xf32> to vector<1000x1xf32>
    %get3A_6 = arith.constant 0 : index
    %get3A_7 = arith.constant 0 : index
    %get3A_8 = vector.load %arg1[%get3A_6, %get3A_7] : memref<1000x64xf32, #tpu.memory_space<vmem>>, vector<1000x64xf32>
    %max3A = arith.constant 1.000000e+00 : f32
    %max3A_9 = vector.broadcast %max3A : f32 to vector<1000x1xf32>
    %max3A_10 = arith.maximumf %slice3A, %max3A_9 : vector<1000x1xf32>
    %div3A = vector.broadcast %max3A_10 : vector<1000x1xf32> to vector<1000x64xf32>
    %div3A_11 = arith.divf %get3A_8, %div3A : vector<1000x64xf32>
    %get3A_12 = arith.constant 0 : index
    %get3A_13 = arith.constant 0 : index
    %get3A_14 = vector.load %arg2[%get3A_12, %get3A_13] : memref<1000x64xf32, #tpu.memory_space<vmem>>, vector<1000x64xf32>
    %max3A_15 = arith.constant 1.000000e+00 : f32
    %max3A_16 = vector.broadcast %max3A_15 : f32 to vector<1000x1xf32>
    %max3A_17 = arith.maximumf %slice3A_5, %max3A_16 : vector<1000x1xf32>
    %div3A_18 = vector.broadcast %max3A_17 : vector<1000x1xf32> to vector<1000x64xf32>
    %div3A_19 = arith.divf %get3A_14, %div3A_18 : vector<1000x64xf32>
    %add3A = arith.addf %div3A_11, %div3A_19 : vector<1000x64xf32>
    %swap3A = arith.constant 0 : index
    %swap3A_20 = arith.constant 0 : index
    %swap3A_21 = vector.load %arg5[%swap3A, %swap3A_20] : memref<1000x64xf32, #tpu.memory_space<vmem>>, vector<1000x64xf32>
    tpu.vector_store %arg5[%swap3A, %swap3A_20], %add3A {strides = array<i32>} : memref<1000x64xf32, #tpu.memory_space<vmem>>, vector<1000x64xf32>,
    return
  }
  func.func @transform_0(%arg0: i32) -> (i32, i32) {
    %c0_i32 = arith.constant 0 : i32
    %c0_i32_0 = arith.constant 0 : i32
    return %arg0, %c0_i32 : i32, i32
  }
  func.func @transform_1(%arg0: i32) -> (i32, i32) {
    %c0_i32 = arith.constant 0 : i32
    %c0_i32_0 = arith.constant 0 : i32
    return %arg0, %c0_i32 : i32, i32
  }
  func.func @transform_2(%arg0: i32) -> (i32, i32) {
    %c0_i32 = arith.constant 0 : i32
    %c0_i32_0 = arith.constant 0 : i32
    return %arg0, %c0_i32 : i32, i32
  }
  func.func @transform_3(%arg0: i32) -> (i32, i32) {
    %c0_i32 = arith.constant 0 : i32
    %c0_i32_0 = arith.constant 0 : i32
    return %arg0, %c0_i32 : i32, i32
  }
  func.func @transform_4(%arg0: i32) -> (i32, i32) {
    %c0_i32 = arith.constant 0 : i32
    %c0_i32_0 = arith.constant 0 : i32
    return %arg0, %c0_i32 : i32, i32
  }
}

</mosaic_0001>

<sc_bundles>
// kernel: kernel.10.cloned.1.call-start
scs
__scs_entry_jumppad:
0x0: {  	(pc) =	sbr.rel $0x88, $3  }
0x1: {  	(tag) =	ssettag $0x0;
	lr =	simm.s32 $0x1  }
0x2: {  	[smem:$0x3F96] =	sst lr;
	_ =	strace $0xD0000000  }
0x3: {  	_ = 	snop  }
0x4: {  	_ = 	snop  }
0x5: {  	_ = 	snop  }
0x6: {  	_ = 	snop  }
0x7: {  	_ = 	snop  }
__scs_overlays_trampoline_lowered:
0x8: {  	[smem:$0x3FA5] =	sst s0  }
0x9: {  	[smem:$0x3FA6] =	sst s1  }
0xa: {  	[smem:$0x3FA7] =	sst s2  }
0xb: {  	[smem:$0x3FA8] =	sst s3  }
0xc: {  	[smem:$0x3FA9] =	sst s4  }
0xd: {  	[smem:$0x3FAA] =	sst s5  }
0xe: {  	[smem:$0x3FAB] =	sst s6  }
0xf: {  	[smem:$0x3FAC] =	sst s7  }
0x10: {  	[smem:$0x3FAD] =	sst s8  }
0x11: {  	[smem:$0x3FAE] =	sst s9;
	s0 =	simm.s32 @!p0 $0x0  }
0x12: {  	s1 =	sld [smem:$0x3F94];
	s0 =	simm.s32 @p0 $0x1  }
0x13: {  	[smem:$0x3FAF] =	sst s0;
	s0 =	simm.s32 @!p1 $0x0  }
0x14: {  	s2 =	sld [smem:$0x3F93];
	s0 =	simm.s32 @p1 $0x1  }
0x15: {  	[smem:$0x3FB0] =	sst s0;
	s0 =	simm.s32 @!p2 $0x0  }
0x16: {  	s3 =	sld [smem:$0x3FDB];
	s0 =	simm.s32 @p2 $0x1  }
0x17: {  	s4 =	simm.s32 $0x1BF5;
	[smem:$0x3FB2] =	sst s0  }
0x18: {  	s0 =	sld [smem:$0x3F95];
	_ =	swait.ge [sflag:s4], $0x0  }
0x19: {  	s7 =	sld [smem:$0x3F96]  }
0x1a: {  	s8 =	sadd.s32 $0xFFFFE003, lr  }
0x1b: {  	s9 =	sadd.s32 $0xFFFFFEF7, lr;
	s5 =	simm.s32 $0xFFFFFFFF;
	p2 =	slt.u32 s8, $0xFFFFF086  }
0x1c: {  	p1 =	slt.u32 s9, $0xF7A;
	s5 =	simm.s32 @!p2 $0x0  }
0x1d: {  	s5 =	simm.s32 @p1 $0x1;
	p0 =	seq.s32 s7, s2  }
0x1e: {  	s7 =	smul.u32 @!p0 $0xF7A, s2;
	p2 =	seq.s32 @!p0 s5, $0x0  }
0x1f: {  	s9 =	smul.u32 $0xF7A, s1;
	s8 =	simm.s32 @!p0 $0x1BF5;
	p2 =	por !p2, p0  }
0x20: {  	[sflag:s8] =	ssyncset.s32 @!p0 $0xFFFFF086;
	s6 =	sadd.s32 @!p0 s3, s7;
	s7 =	simm.s32 @!p0 $0x108  }
0x21: {  	s3 =	sadd.s32 s3, s9;
	s6 =	sadd.s32 @!p0 $0x88, s6;
	s7 =	simm.s32 @p2 $0x1082  }
0x22: {  	[simem:s7], [sflag:s8] =	dma.local @!p0 [hbm:s6], $0xF7A  }
0x23: {  	s9 =	sor.u32 $0xD0000000, s2;
	s6 =	simm.s32 $0x108;
	_ =	swait.ge @!p0 [sflag:s8], $0x0  }
0x24: {  	s3 =	sadd.s32 $0x88, s3;
	s6 =	simm.s32 @!p1 $0x1082;
	[sflag:s4] =	ssyncset.s32 $0xFFFFF086  }
0x25: {  	[simem:s6], [sflag:s4] =	dma.local [hbm:s3], $0xF7A  }
0x26: {  	[smem:$0x3F96] =	sst s1;
	(tag) =	ssettag s2;
	_ =	strace s9  }
0x27: {  	s1 =	sld [smem:$0x3FA6]  }
0x28: {  	s2 =	sld [smem:$0x3FA7]  }
0x29: {  	s4 =	sld [smem:$0x3FA9]  }
0x2a: {  	p0 =	seq.s32 s5, $0x0;
	s5 =	sld [smem:$0x3FAA]  }
0x2b: {  	s6 =	sld [smem:$0x3FAB]  }
0x2c: {  	s7 =	sld [smem:$0x3FAC]  }
0x2d: {  	s3 =	simm.s32 $0x108;
	s8 =	sld [smem:$0x3FAD]  }
0x2e: {  	s3 =	simm.s32 @!p0 $0x1082;
	s9 =	sld [smem:$0x3FAE]  }
0x2f: {  	lr =	sadd.s32 s0, s3;
	s0 =	sld [smem:$0x3FA5]  }
0x30: {  	s3 =	sld [smem:$0x3FA8]  }
0x31: {  	[smem:$0x3FB1] =	sst s10  }
0x32: {  	s10 =	sld [smem:$0x3FAF];
	_ =	sdelay $0x3  }
0x33: {  	p0 =	seq.s32 s10, $0x1;
	s10 =	sld [smem:$0x3FB1];
	_ =	sdelay $0x3  }
0x34: {  	[smem:$0x3FB1] =	sst s10  }
0x35: {  	s10 =	sld [smem:$0x3FB0];
	_ =	sdelay $0x3  }
0x36: {  	p1 =	seq.s32 s10, $0x1;
	s10 =	sld [smem:$0x3FB1];
	_ =	sdelay $0x3  }
0x37: {  	[smem:$0x3FB1] =	sst s10  }
0x38: {  	s10 =	sld [smem:$0x3FB2]  }
0x39: {  	_ = 	snop;
	(pc) =	sbr.ind lr, $3  }
0x3a: {  	_ = 	snop  }
0x3b: {  	_ = 	snop  }
0x3c: {  	p2 =	seq.s32 s10, $0x1;
	s10 =	sld [smem:$0x3FB1]  }
0x3d: {  	_ =	shalt  }
0x3e: {  	_ =	shalt  }
0x3f: {  	_ =	shalt  }
0x40: {  	_ =	shalt  }
0x41: {  	_ =	shalt  }
0x42: {  	_ =	shalt  }
0x43: {  	_ =	shalt  }
0x44: {  	_ =	shalt  }
0x45: {  	_ =	shalt  }
0x46: {  	_ =	shalt  }
0x47: {  	_ =	shalt  }
0x48: {  	_ =	shalt  }
0x49: {  	_ =	shalt  }
0x4a: {  	_ =	shalt  }
0x4b: {  	_ =	shalt  }
0x4c: {  	_ =	shalt  }
0x4d: {  	_ =	shalt  }
0x4e: {  	_ =	shalt  }
0x4f: {  	_ =	shalt  }
0x50: {  	_ =	shalt  }
0x51: {  	_ =	shalt  }
0x52: {  	_ =	shalt  }
0x53: {  	_ =	shalt  }
0x54: {  	_ =	shalt  }
0x55: {  	_ =	shalt  }
0x56: {  	_ =	shalt  }
0x57: {  	_ =	shalt  }
0x58: {  	_ =	shalt  }
0x59: {  	_ =	shalt  }
0x5a: {  	_ =	shalt  }
0x5b: {  	_ =	shalt  }
0x5c: {  	_ =	shalt  }
0x5d: {  	_ =	shalt  }
0x5e: {  	_ =	shalt  }
0x5f: {  	_ =	shalt  }
0x60: {  	_ =	shalt  }
0x61: {  	_ =	shalt  }
0x62: {  	_ =	shalt  }
0x63: {  	_ =	shalt  }
0x64: {  	_ =	shalt  }
0x65: {  	_ =	shalt  }
0x66: {  	_ =	shalt  }
0x67: {  	_ =	shalt  }
0x68: {  	_ =	shalt  }
0x69: {  	_ =	shalt  }
0x6a: {  	_ =	shalt  }
0x6b: {  	_ =	shalt  }
0x6c: {  	_ =	shalt  }
0x6d: {  	_ =	shalt  }
0x6e: {  	_ =	shalt  }
0x6f: {  	_ =	shalt  }
0x70: {  	_ =	shalt  }
0x71: {  	_ =	shalt  }
0x72: {  	_ =	shalt  }
0x73: {  	_ =	shalt  }
0x74: {  	_ =	shalt  }
0x75: {  	_ =	shalt  }
0x76: {  	_ =	shalt  }
0x77: {  	_ =	shalt  }
0x78: {  	_ =	shalt  }
0x79: {  	_ =	shalt  }
0x7a: {  	_ =	shalt  }
0x7b: {  	_ =	shalt  }
0x7c: {  	_ =	shalt  }
0x7d: {  	_ =	shalt  }
0x7e: {  	_ =	shalt  }
0x7f: {  	_ =	shalt  }
0x80: {  	_ =	shalt  }
0x81: {  	_ =	shalt  }
0x82: {  	_ =	shalt  }
0x83: {  	_ =	shalt  }
0x84: {  	_ =	shalt  }
0x85: {  	_ =	shalt  }
0x86: {  	_ =	shalt  }
0x87: {  	_ =	shalt  }
.Lfunc_end0:
.L_simem_size_0:
called_computation.1_lowered:
.L_overlay_start_0:
0x88: {  	s2 =	sld [smem:$0x3FD9]  }
0x89: {  	s3 =	sld [smem:$0x3FFE];
	_ =	sdelay $0x1  }
0x8a: {  	s1 =	srdreg.scid  }
0x8b: {  	s0 =	sand.u32 $0x1, s1  }
0x8c: {  	s17 =	sshll.u32 s0, $0xA;
	s2 =	sadd.s32 s3, s2  }
0x8d: {  	s2 =	sadd.s32 s2, s17  }
0x8e: {  	[smem:$0x3FBD] =	sst s2  }
0x8f: {  	_ = 	snop  }
0x90: {  	s2 =	sld [smem:$0x3FD0];
	(tm) =	ssettm $0x1  }
0x91: {  	s18 =	sld [smem:$0x3FFB];
	_ =	sdelay $0x3  }
0x92: {  	_ =	strace s18  }
0x93: {  	s3 =	sld [smem:$0x3FFC];
	_ =	sdelay $0x3  }
0x94: {  	_ =	strace s3  }
0x95: {  	s3 =	sld [smem:$0x3FFD];
	_ =	sdelay $0x3  }
0x96: {  	_ =	strace s3  }
0x97: {  	_ =	strace $0x8FFFFFFF  }
0x98: {  	s19 =	sld [smem:$0x3FDB];
	_ =	sdelay $0x1  }
0x99: {  	s4 =	simm.s32 $_scs_section_size  }
0x9a: {  	s5 =	simm.s32 $_size__tile_overlayer_lowered;
	s6 =	simm.s32 $_tile_overlayer_lowered  }
0x9b: {  	s22 =	simm.s32 $0x1BFF;
	s21 =	sshll.u32 s6, $0x1;
	s3 =	sadd.s32 s4, s19  }
0x9c: {  	s7 =	simm.s32 $0x0;
	s20 =	sshll.u32 s5, $0x1;
	s5 =	sadd.s32 s21, s3  }
0x9d: {  	[timem:s7], [sflag:s22] =	dma.local [hbm:s5], s20  }
0x9e: {  	_ =	swait.ge [sflag:s22], s20  }
0x9f: {  	s4 =	ssub.s32 $0x0, s20;
	[sflag:s22] =	ssyncset.done $0x0  }
0xa0: {  	[sflag:s22] =	ssyncadd.s32 s4;
	_ =	sdelay $0x1  }
0xa1: {  	s23 =	simm.s32 $0x1B8B  }
0xa2: {  	_ =	swait.ge [sflag:s23], $0x1  }
0xa3: {  	[sflag:s23] =	ssyncset.done $0x0  }
0xa4: {  	s25 =	simm.s32 $0x1B8E;
	s24 =	sld [smem:$0x3FFE];
	[sflag:s23] =	ssyncadd.s32 $0xFFFFFFFF  }
0xa5: {  	s26 =	simm.s32 $execute0_lowered;
	[smem:$0x3FD2] =	sst s25  }
0xa6: {  	s5 =	sshll.u32 s26, $0x1;
	_ =	strace $0x80000046;
	[dreg:$0x1] =	wrdreg $0xFFFFFFFF  }
0xa7: {  	s28 =	simm.s32 $_size_execute0_lowered;
	s3 =	sadd.s32 s3, s5;
	[dreg:$0x0] =	wrdreg $0x0  }
0xa8: {  	s5 =	sshll.u32 s28, $0x1;
	[dreg:$0x2] =	wrdreg s3  }
0xa9: {  	[dreg:$0x3] =	wrdreg s5  }
0xaa: {  	[dreg:$0x4] =	wrdreg $0xC0  }
0xab: {  	_ =	task [dreg:s7], $0x5FFFF  }
0xac: {  	[dreg:$0x1] =	wrdreg $0xFFFFFFFF  }
0xad: {  	[dreg:$0x0] =	wrdreg $0x60  }
0xae: {  	[dreg:$0x2] =	wrdreg s24  }
0xaf: {  	[dreg:$0x3] =	wrdreg s2  }
0xb0: {  	[dreg:$0x4] =	wrdreg $0x41000  }
0xb1: {  	[dreg:$0x5] =	wrdreg $0xA  }
0xb2: {  	_ =	task.clear_ibuf [dreg:s7], $0x6FFFF;
	_ =	strace $0x90000046  }
0xb3: {  	s29 =	simm.s32 $0xA;
	_ =	strace $0x80000048  }
0xb4: {  	_ =	swait.ge [sflag:s29], $0x1  }
0xb5: {  	[sflag:s29] =	ssyncadd.s32 $0xFFFFFFFF  }
0xb6: {  	_ =	strace $0x90000048  }
0xb7: {  	_ =	sfence  }
0xb8: {  	s30 =	sld [smem:$0x0];
	_ =	sdelay $0x2  }
0xb9: {  	s31 =	sshll.u32 s1, $0xD;
	s1 =	sshrl.u32 s1, $0x2  }
0xba: {  	s3 =	sand.u32 $0x4000, s31;
	s1 =	sadd.s32 s1, s30  }
0xbb: {  	s0 =	sor.u32 s3, s0;
	s1 =	sshll.u32 s1, $0x11  }
0xbc: {  	s0 =	sor.u32 s1, s0  }
0xbd: {  	s0 =	sadd.s32 $0x8F2B, s0  }
0xbe: {  	[sflag:s0] =	ssyncadd.remote.s32 $0x1  }
0xbf: {  	_ =	sfence.sel $0xFFFF  }
0xc0: {  	[dreg:$0x0] =	wrdreg $0xFFFFFFFF;
	(pc) =	sbr.abs _section_cstart, $3  }
0xc1: {  	[dreg:$0x1] =	wrdreg $0xFFFFFFFF  }
0xc2: {  	_ =	task.clear_ibuf [dreg:s7], $0x2FFFF;
	_ =	strace $0x9FFFFFFF  }
0xc3: {  	(tm) =	ssettm $0x7FFFFFFF  }
tec
execute0_lowered:
.L_overlay_start_1:
0x0: {  	(tag) =	ssettag $0x1  }
0x1: {  	s11 =	rddreg [dreg:$0x0]  }
0x2: {  	s1 =	rddreg [dreg:$0x1]  }
0x3: {  	s2 =	rddreg [dreg:$0x2];
	s3 =	simm.s32 $0x0;
	s10 =	srdreg.scid  }
0x4: {  	s0 =	stileid.u32;
	s28 =	simm.s32 $0x1;
	s29 =	simm.s32 $0x0  }
0x5: {  	[smem:$0x7FF] =	sst s3;
	s4 =	sadd.s32 $0x11800, s11;
	s6 =	sadd.s32 $0x7000, s11  }
0x6: {  	s7 =	sadd.s32 $0x2000, s11;
	s8 =	sadd.s32 $0xC000, s11;
	s14 =	smul.u32 $0x280, s0  }
0x7: {  	s9 =	sadd.s32 $0x11000, s11;
	s24 =	sand.u32 $0x1, s10;
	s13 =	smul.u32 $0x50000, s0  }
0x8: {  	s5 =	sadd.s32 $0x38A00, s11;
	s11 =	sadd.s32 $0x60A00, s11;
	s17 =	smul.u32 $0x2800, s0  }
0x9: {  	s23 =	smul.u32 $0x500, s0;
	_ =	strace $0x80000047;
	[dreg:$0x4] =	wrdreg s5  }
0xa: {  	s12 =	ssub.s32 $0x2, s24;
	p0 =	sne.s32 s24, $0x0;
	s24 =	simm.s32 $0x100  }
0xb: {  	s15 =	sshrl.u32 s12, $0x1;
	s18 =	sadd.s32 $0x80, s14;
	s25 =	sshrl.u32 s13, $0x2  }
0xc: {  	s19 =	sadd.s32 $0x100, s14;
	s20 =	sadd.s32 $0x180, s14;
	s21 =	sadd.s32 $0x200, s14  }
0xd: {  	s22 =	ssub.s32 s12, s15;
	s26 =	sshll.u32 s18, $0x7;
	s12 =	sadd.s32 s25, s2  }
.Ltmp0:
0xe: {  	s30 =	sshll.u32 s19, $0x7;
	s31 =	sshll.u32 s20, $0x7;
	(pc) =	sbr.rel .LBB2_1-.Ltmp0, $4  }
0xf: {  	s16 =	sshll.u32 s21, $0x7;
	s18 =	sshll.u32 s18, $0x4;
	s19 =	sshll.u32 s19, $0x4  }
0x10: {  	s20 =	sshll.u32 s20, $0x4;
	s21 =	sshll.u32 s21, $0x4;
	s25 =	simm.s32 $0x2  }
0x11: {  	s13 =	sadd.s32 s26, s2;
	s14 =	sadd.s32 s30, s2;
	s15 =	sadd.s32 s31, s2  }
0x12: {  	s16 =	sadd.s32 s16, s2;
	s22 =	smax.u32 s22, $0x1;
	s26 =	simm.s32 $0x80  }
.LBB2_7:
0x13: {  	s0 =	sadd.s32 s8, s30;
	[sflag:s25] =	ssyncadd.s32 $0xFFFFC000  }
0x14: {  	[tilespmem:s3], [sflag:$0x2] =	stream.linear.gather [hbm4b:s0+s3], $0x80, $0x38;
	[tilespmem:$0x18100] =	vst v63  }
0x15: {  	_ =	swait.ge [sflag:s25], $0x80  }
0x16: {  	[sflag:s25] =	ssyncset.done $0x0  }
0x17: {  	s31 =	sadd.s32 s1, s30;
	[sflag:s25] =	ssyncadd.s32 $0xFFFFFF80  }
0x18: {  	[tilespmem:s26], [sflag:$0x2] =	stream.linear.gather [hbm4b:s31+s3], $0x80, $0x38;
	[tilespmem:$0x18100] =	vst v63  }
0x19: {  	_ =	swait.ge [sflag:s25], $0x80  }
0x1a: {  	[sflag:s25] =	ssyncset.done $0x0  }
0x1b: {  	[sflag:s25] =	ssyncadd.s32 $0xFFFFFF80  }
0x1c: {  	[tilespmem:s24], [sflag:$0x1] =	stream.indirect.gather [hbm4b:s4+s26], $0x80, s3, s26, $0xb8;
	[tilespmem:$0x18100] =	vst v63  }
0x1d: {  	_ =	swait.ge [sflag:s28], $0x4000  }
0x1e: {  	[sflag:s28] =	ssyncset.done $0x0  }
0x1f: {  	[sflag:s28] =	ssyncadd.s32 $0xFFFFC000  }
0x20: {  	[spmem:s2] =	stream.indirect.scatter.add.f32 [tilespmem:s24], [sflag:$0x2], $0x80, s26, s26, $0xb8;
	[tilespmem:$0x18100] =	vst v63  }
0x21: {  	_ =	swait.ge [sflag:s25], $0x4000  }
0x22: {  	[sflag:s25] =	ssyncset.done $0x0  }
0x23: {  	s30 =	smov.u32 s11;
	[sflag:s25] =	ssyncadd.s32 $0xFFFFC000  }
.LBB2_8:
0x24: {  	[bflag:$0x0] =	sbarrier.arrive $0xFFFF  }
0x25: {  	[tilespmem:s24], [sflag:$0x2] =	stream.linear.gather [spmem:s12], $0x4000, $0x38;
	[tilespmem:$0x18100] =	vst v63  }
0x26: {  	_ =	swait.ge [sflag:s25], $0x4000  }
0x27: {  	[sflag:s25] =	ssyncset.done $0x0  }
0x28: {  	s0 =	sadd.s32 s30, s17;
	[sflag:s25] =	ssyncadd.s32 $0xFFFFC000  }
0x29: {  	[hbm4b:s0+s3] =	stream.linear.scatter [tilespmem:s24], [sflag:$0x2], $0x4000, $0x38;
	[tilespmem:$0x18100] =	vst v63  }
0x2a: {  	_ =	swait.ge [sflag:s25], $0x4000  }
0x2b: {  	[sflag:s25] =	ssyncset.done $0x0  }
0x2c: {  	[sflag:s25] =	ssyncadd.s32 $0xFFFFC000  }
0x2d: {  	[tilespmem:s24], [sflag:$0x2] =	stream.linear.gather [spmem:s13], $0x4000, $0x38;
	[tilespmem:$0x18100] =	vst v63  }
0x2e: {  	_ =	swait.ge [sflag:s25], $0x4000  }
0x2f: {  	[sflag:s25] =	ssyncset.done $0x0  }
0x30: {  	s31 =	sadd.s32 s30, s18;
	[sflag:s25] =	ssyncadd.s32 $0xFFFFC000  }
0x31: {  	[hbm4b:s31+s3] =	stream.linear.scatter [tilespmem:s24], [sflag:$0x2], $0x4000, $0x38;
	[tilespmem:$0x18100] =	vst v63  }
0x32: {  	_ =	swait.ge [sflag:s25], $0x4000  }
0x33: {  	[sflag:s25] =	ssyncset.done $0x0  }
0x34: {  	[sflag:s25] =	ssyncadd.s32 $0xFFFFC000  }
0x35: {  	[tilespmem:s24], [sflag:$0x2] =	stream.linear.gather [spmem:s14], $0x4000, $0x38;
	[tilespmem:$0x18100] =	vst v63  }
0x36: {  	_ =	swait.ge [sflag:s25], $0x4000  }
0x37: {  	[sflag:s25] =	ssyncset.done $0x0  }
0x38: {  	s5 =	sadd.s32 s30, s19;
	[sflag:s25] =	ssyncadd.s32 $0xFFFFC000  }
0x39: {  	[hbm4b:s5+s3] =	stream.linear.scatter [tilespmem:s24], [sflag:$0x2], $0x4000, $0x38;
	[tilespmem:$0x18100] =	vst v63  }
0x3a: {  	_ =	swait.ge [sflag:s25], $0x4000  }
0x3b: {  	[sflag:s25] =	ssyncset.done $0x0  }
0x3c: {  	[sflag:s25] =	ssyncadd.s32 $0xFFFFC000  }
0x3d: {  	[tilespmem:s24], [sflag:$0x2] =	stream.linear.gather [spmem:s15], $0x4000, $0x38;
	[tilespmem:$0x18100] =	vst v63  }
0x3e: {  	_ =	swait.ge [sflag:s25], $0x4000  }
0x3f: {  	[sflag:s25] =	ssyncset.done $0x0  }
0x40: {  	s10 =	sadd.s32 s30, s20;
	[sflag:s25] =	ssyncadd.s32 $0xFFFFC000  }
0x41: {  	[hbm4b:s10+s3] =	stream.linear.scatter [tilespmem:s24], [sflag:$0x2], $0x4000, $0x38;
	[tilespmem:$0x18100] =	vst v63  }
0x42: {  	_ =	swait.ge [sflag:s25], $0x4000  }
0x43: {  	[sflag:s25] =	ssyncset.done $0x0  }
0x44: {  	[sflag:s25] =	ssyncadd.s32 $0xFFFFC000  }
0x45: {  	[tilespmem:s24], [sflag:$0x2] =	stream.linear.gather [spmem:s16], $0x4000, $0x38;
	[tilespmem:$0x18100] =	vst v63  }
0x46: {  	s29 =	sadd.s32 $0x1, s29;
	_ =	swait.ge [sflag:s25], $0x4000  }
0x47: {  	p1 =	sne.s32 s29, s22;
	[sflag:s25] =	ssyncset.done $0x0  }
.Ltmp1:
0x48: {  	s31 =	sadd.s32 s30, s21;
	[sflag:s25] =	ssyncadd.s32 $0xFFFFC000;
	(pc) =	sbr.rel @!p1 .LBB2_9-.Ltmp1, $4  }
0x49: {  	[hbm4b:s31+s3] =	stream.linear.scatter [tilespmem:s24], [sflag:$0x2], $0x4000, $0x38;
	[tilespmem:$0x18100] =	vst v63  }
0x4a: {  	_ =	swait.ge [sflag:s25], $0x4000  }
0x4b: {  	[sflag:s25] =	ssyncset.done $0x0  }
0x4c: {  	[sflag:s25] =	ssyncadd.s32 $0xFFFFC000  }
.LBB2_1:
0x4d: {  	[tilespmem:s24], [sflag:$0x2] =	stream.linear.gather [hbm4b:s9+s3], $0x4000, $0x38;
	[tilespmem:$0x18100] =	vst v63  }
0x4e: {  	_ =	swait.ge [sflag:s25], $0x4000  }
0x4f: {  	[sflag:s25] =	ssyncset.done $0x0  }
0x50: {  	[sflag:s25] =	ssyncadd.s32 $0xFFFFC000  }
0x51: {  	[spmem:s12] =	stream.linear.scatter [tilespmem:s24], [sflag:$0x2], $0x4000, $0x38;
	[tilespmem:$0x18100] =	vst v63  }
0x52: {  	_ =	swait.ge [sflag:s25], $0x4000  }
0x53: {  	[sflag:s25] =	ssyncset.done $0x0  }
0x54: {  	[sflag:s25] =	ssyncadd.s32 $0xFFFFC000  }
0x55: {  	[spmem:s13] =	stream.linear.scatter [tilespmem:s24], [sflag:$0x2], $0x4000, $0x38;
	[tilespmem:$0x18100] =	vst v63  }
0x56: {  	_ =	swait.ge [sflag:s25], $0x4000  }
0x57: {  	[sflag:s25] =	ssyncset.done $0x0  }
0x58: {  	[sflag:s25] =	ssyncadd.s32 $0xFFFFC000  }
0x59: {  	[spmem:s14] =	stream.linear.scatter [tilespmem:s24], [sflag:$0x2], $0x4000, $0x38;
	[tilespmem:$0x18100] =	vst v63  }
0x5a: {  	_ =	swait.ge [sflag:s25], $0x4000  }
0x5b: {  	[sflag:s25] =	ssyncset.done $0x0  }
0x5c: {  	[sflag:s25] =	ssyncadd.s32 $0xFFFFC000  }
0x5d: {  	[spmem:s15] =	stream.linear.scatter [tilespmem:s24], [sflag:$0x2], $0x4000, $0x38;
	[tilespmem:$0x18100] =	vst v63  }
0x5e: {  	_ =	swait.ge [sflag:s25], $0x4000  }
0x5f: {  	[sflag:s25] =	ssyncset.done $0x0  }
0x60: {  	[sflag:s25] =	ssyncadd.s32 $0xFFFFC000  }
0x61: {  	[spmem:s16] =	stream.linear.scatter [tilespmem:s24], [sflag:$0x2], $0x4000, $0x38;
	[tilespmem:$0x18100] =	vst v63  }
.Ltmp2:
0x62: {  	_ =	swait.ge [sflag:s25], $0x4000;
	(pc) =	sbr.rel @p0 .LBB2_5-.Ltmp2, $3  }
0x63: {  	[sflag:s25] =	ssyncset.done $0x0  }
0x64: {  	[sflag:s25] =	ssyncadd.s32 $0xFFFFC000  }
0x65: {  	[bflag:$0x0] =	sbarrier.arrive $0xFFFF;
	_ =	sdelay $0x1  }
0x66: {  	s30 =	sadd.s32 $0x0, s23  }
0x67: {  	s31 =	sand.u32 $0x70, s3;
	s30 =	sand.u32 $0xFF80, s30  }
0x68: {  	s30 =	sor.u32 s31, s30  }
0x69: {  	s31 =	sadd.s32 s6, s30  }
0x6a: {  	[tilespmem:s3], [sflag:$0x2] =	stream.linear.gather [hbm4b:s31+s3], $0x80, $0x38;
	[tilespmem:$0x18100] =	vst v63  }
0x6b: {  	_ =	swait.ge [sflag:s25], $0x80  }
0x6c: {  	[sflag:s25] =	ssyncset.done $0x0  }
0x6d: {  	s30 =	sadd.s32 s7, s30;
	[sflag:s25] =	ssyncadd.s32 $0xFFFFFF80  }
0x6e: {  	[tilespmem:s26], [sflag:$0x2] =	stream.linear.gather [hbm4b:s30+s3], $0x80, $0x38;
	[tilespmem:$0x18100] =	vst v63  }
0x6f: {  	_ =	swait.ge [sflag:s25], $0x80  }
0x70: {  	[sflag:s25] =	ssyncset.done $0x0  }
0x71: {  	[sflag:s25] =	ssyncadd.s32 $0xFFFFFF80  }
0x72: {  	[tilespmem:s24], [sflag:$0x1] =	stream.indirect.gather [hbm4b:s4+s26], $0x80, s3, s26, $0xb8;
	[tilespmem:$0x18100] =	vst v63  }
0x73: {  	_ =	swait.ge [sflag:s28], $0x4000  }
0x74: {  	[sflag:s28] =	ssyncset.done $0x0  }
0x75: {  	s31 =	sadd.s32 $0x10, s23;
	s30 =	simm.s32 $0x10;
	[sflag:s28] =	ssyncadd.s32 $0xFFFFC000  }
0x76: {  	[spmem:s2] =	stream.indirect.scatter.add.f32 [tilespmem:s24], [sflag:$0x2], $0x80, s26, s26, $0xb8;
	[tilespmem:$0x18100] =	vst v63  }
0x77: {  	s0 =	sand.u32 $0xFF80, s31;
	s30 =	sand.u32 $0x70, s30;
	_ =	swait.ge [sflag:s25], $0x4000  }
0x78: {  	s31 =	simm.s32 $0x20;
	s30 =	sor.u32 s30, s0;
	[sflag:s25] =	ssyncset.done $0x0  }
.LBB2_3:
0x79: {  	s0 =	sadd.s32 s6, s30  }
0x7a: {  	[sflag:s25] =	ssyncadd.s32 $0xFFFFC000;
	s5 =	smov.u32 s31;
	s10 =	sadd.s32 $0x10, s31  }
0x7b: {  	[tilespmem:s3], [sflag:$0x2] =	stream.linear.gather [hbm4b:s0+s3], $0x80, $0x38;
	[tilespmem:$0x18100] =	vst v63  }
0x7c: {  	p1 =	seq.s32 s31, $0x4F0;
	_ =	swait.ge [sflag:s25], $0x80  }
0x7d: {  	[sflag:s25] =	ssyncset.done $0x0  }
0x7e: {  	s0 =	sadd.s32 s7, s30;
	[sflag:s25] =	ssyncadd.s32 $0xFFFFFF80  }
0x7f: {  	[tilespmem:s26], [sflag:$0x2] =	stream.linear.gather [hbm4b:s0+s3], $0x80, $0x38;
	[tilespmem:$0x18100] =	vst v63  }
0x80: {  	_ =	swait.ge [sflag:s25], $0x80  }
0x81: {  	[sflag:s25] =	ssyncset.done $0x0  }
0x82: {  	[sflag:s25] =	ssyncadd.s32 $0xFFFFFF80  }
0x83: {  	[tilespmem:s24], [sflag:$0x1] =	stream.indirect.gather [hbm4b:s4+s26], $0x80, s3, s26, $0xb8;
	[tilespmem:$0x18100] =	vst v63  }
0x84: {  	_ =	swait.ge [sflag:s28], $0x4000  }
.Ltmp3:
0x85: {  	[sflag:s28] =	ssyncset.done $0x0;
	(pc) =	sbr.rel @!p1 .LBB2_3-.Ltmp3, $4  }
0x86: {  	s0 =	sadd.s32 s5, s23;
	[sflag:s28] =	ssyncadd.s32 $0xFFFFC000  }
0x87: {  	[spmem:s2] =	stream.indirect.scatter.add.f32 [tilespmem:s24], [sflag:$0x2], $0x80, s26, s26, $0xb8;
	[tilespmem:$0x18100] =	vst v63  }
0x88: {  	s5 =	sand.u32 $0x70, s5;
	s0 =	sand.u32 $0xFF80, s0;
	_ =	swait.ge [sflag:s25], $0x4000  }
0x89: {  	s31 =	smov.u32 s10;
	s30 =	sor.u32 s5, s0;
	[sflag:s25] =	ssyncset.done $0x0  }
0x8a: {  	s0 =	sadd.s32 s6, s30;
	[sflag:s25] =	ssyncadd.s32 $0xFFFFC000  }
0x8b: {  	[tilespmem:s3], [sflag:$0x2] =	stream.linear.gather [hbm4b:s0+s3], $0x80, $0x38;
	[tilespmem:$0x18100] =	vst v63  }
0x8c: {  	_ =	swait.ge [sflag:s25], $0x80  }
0x8d: {  	[sflag:s25] =	ssyncset.done $0x0  }
0x8e: {  	s31 =	sadd.s32 s7, s30;
	[sflag:s25] =	ssyncadd.s32 $0xFFFFFF80  }
0x8f: {  	[tilespmem:s26], [sflag:$0x2] =	stream.linear.gather [hbm4b:s31+s3], $0x80, $0x38;
	[tilespmem:$0x18100] =	vst v63  }
0x90: {  	_ =	swait.ge [sflag:s25], $0x80  }
0x91: {  	[sflag:s25] =	ssyncset.done $0x0  }
0x92: {  	[sflag:s25] =	ssyncadd.s32 $0xFFFFFF80  }
0x93: {  	[tilespmem:s24], [sflag:$0x1] =	stream.indirect.gather [hbm4b:s4+s26], $0x80, s3, s26, $0xb8;
	[tilespmem:$0x18100] =	vst v63  }
0x94: {  	_ =	swait.ge [sflag:s28], $0x4000  }
0x95: {  	[sflag:s28] =	ssyncset.done $0x0  }
.Ltmp4:
0x96: {  	[sflag:s28] =	ssyncadd.s32 $0xFFFFC000;
	(pc) =	sbr.rel .LBB2_8-.Ltmp4, $4  }
0x97: {  	[spmem:s2] =	stream.indirect.scatter.add.f32 [tilespmem:s24], [sflag:$0x2], $0x80, s26, s26, $0xb8;
	[tilespmem:$0x18100] =	vst v63  }
0x98: {  	_ =	swait.ge [sflag:s25], $0x4000  }
0x99: {  	[sflag:s25] =	ssyncset.done $0x0  }
0x9a: {  	s30 =	rddreg [dreg:$0x4];
	[sflag:s25] =	ssyncadd.s32 $0xFFFFC000  }
.LBB2_5:
0x9b: {  	s0 =	sadd.s32 $0x0, s23  }
0x9c: {  	s5 =	sand.u32 $0x70, s3;
	s0 =	sand.u32 $0xFF80, s0  }
0x9d: {  	s0 =	sor.u32 s5, s0  }
0x9e: {  	s5 =	sadd.s32 s8, s0  }
0x9f: {  	[tilespmem:s3], [sflag:$0x2] =	stream.linear.gather [hbm4b:s5+s3], $0x80, $0x38;
	[tilespmem:$0x18100] =	vst v63  }
0xa0: {  	_ =	swait.ge [sflag:s25], $0x80  }
0xa1: {  	[sflag:s25] =	ssyncset.done $0x0  }
0xa2: {  	s0 =	sadd.s32 s1, s0;
	[sflag:s25] =	ssyncadd.s32 $0xFFFFFF80  }
0xa3: {  	[tilespmem:s26], [sflag:$0x2] =	stream.linear.gather [hbm4b:s0+s3], $0x80, $0x38;
	[tilespmem:$0x18100] =	vst v63  }
0xa4: {  	_ =	swait.ge [sflag:s25], $0x80  }
0xa5: {  	[sflag:s25] =	ssyncset.done $0x0  }
0xa6: {  	[sflag:s25] =	ssyncadd.s32 $0xFFFFFF80  }
0xa7: {  	[tilespmem:s24], [sflag:$0x1] =	stream.indirect.gather [hbm4b:s4+s26], $0x80, s3, s26, $0xb8;
	[tilespmem:$0x18100] =	vst v63  }
0xa8: {  	_ =	swait.ge [sflag:s28], $0x4000  }
0xa9: {  	[sflag:s28] =	ssyncset.done $0x0  }
0xaa: {  	s10 =	sadd.s32 $0x10, s23;
	s0 =	simm.s32 $0x10;
	[sflag:s28] =	ssyncadd.s32 $0xFFFFC000  }
0xab: {  	[spmem:s2] =	stream.indirect.scatter.add.f32 [tilespmem:s24], [sflag:$0x2], $0x80, s26, s26, $0xb8;
	[tilespmem:$0x18100] =	vst v63  }
0xac: {  	s5 =	sand.u32 $0xFF80, s10;
	s0 =	sand.u32 $0x70, s0;
	_ =	swait.ge [sflag:s25], $0x4000  }
0xad: {  	s31 =	simm.s32 $0x20;
	s30 =	sor.u32 s0, s5;
	[sflag:s25] =	ssyncset.done $0x0  }
.LBB2_6:
0xae: {  	s0 =	sadd.s32 s8, s30  }
0xaf: {  	[sflag:s25] =	ssyncadd.s32 $0xFFFFC000;
	s5 =	smov.u32 s31;
	s10 =	sadd.s32 $0x10, s31  }
0xb0: {  	[tilespmem:s3], [sflag:$0x2] =	stream.linear.gather [hbm4b:s0+s3], $0x80, $0x38;
	[tilespmem:$0x18100] =	vst v63  }
0xb1: {  	p1 =	sne.s32 s31, $0x4F0;
	_ =	swait.ge [sflag:s25], $0x80  }
0xb2: {  	[sflag:s25] =	ssyncset.done $0x0  }
0xb3: {  	s0 =	sadd.s32 s1, s30;
	[sflag:s25] =	ssyncadd.s32 $0xFFFFFF80  }
0xb4: {  	[tilespmem:s26], [sflag:$0x2] =	stream.linear.gather [hbm4b:s0+s3], $0x80, $0x38;
	[tilespmem:$0x18100] =	vst v63  }
0xb5: {  	_ =	swait.ge [sflag:s25], $0x80  }
0xb6: {  	[sflag:s25] =	ssyncset.done $0x0  }
0xb7: {  	[sflag:s25] =	ssyncadd.s32 $0xFFFFFF80  }
0xb8: {  	[tilespmem:s24], [sflag:$0x1] =	stream.indirect.gather [hbm4b:s4+s26], $0x80, s3, s26, $0xb8;
	[tilespmem:$0x18100] =	vst v63  }
0xb9: {  	_ =	swait.ge [sflag:s28], $0x4000  }
.Ltmp5:
0xba: {  	[sflag:s28] =	ssyncset.done $0x0;
	(pc) =	sbr.rel @p1 .LBB2_6-.Ltmp5, $4  }
0xbb: {  	s0 =	sadd.s32 s5, s23;
	[sflag:s28] =	ssyncadd.s32 $0xFFFFC000  }
0xbc: {  	[spmem:s2] =	stream.indirect.scatter.add.f32 [tilespmem:s24], [sflag:$0x2], $0x80, s26, s26, $0xb8;
	[tilespmem:$0x18100] =	vst v63  }
0xbd: {  	s5 =	sand.u32 $0x70, s5;
	s0 =	sand.u32 $0xFF80, s0;
	_ =	swait.ge [sflag:s25], $0x4000  }
0xbe: {  	s31 =	smov.u32 s10;
	s30 =	sor.u32 s5, s0;
	[sflag:s25] =	ssyncset.done $0x0  }
.Ltmp6:
0xbf: {  	_ = 	snop;
	(pc) =	sbr.rel .LBB2_7-.Ltmp6, $1  }
0xc0: {  	_ =	sdelay $0x3  }
.LBB2_9:
0xc1: {  	_ =	sfence.sel $0x180000  }
0xc2: {  	[bflag:$0x0] =	sbarrier.arrive $0xFFFF  }
0xc3: {  	_ =	strace $0x90000047  }
0xc4: {  	s0 =	stileid.u32;
	[bflag:$0x2] =	sbarrier.arrive $0xFFFF  }
0xc5: {  	p0 =	sne.s32 s0, $0x0;
	s0 =	rddreg [dreg:$0x3]  }
0xc6: {  	s0 =	sadd.s32 @!p0 $0x100000, s0  }
0xc7: {  	[sflag:s0] =	ssyncadd.tile.s32 @!p0 $0x1;
	_ =	shalt  }
.Lfunc_end2:
_tile_overlayer_lowered:
.L_overlay_start_2:
0xc8: {  	(tag) =	ssettag $0x2  }
0xc9: {  	s0 =	rddreg [dreg:$0x0];
	s2 =	stileid.u32  }
0xca: {  	s1 =	rddreg [dreg:$0x1];
	p0 =	sne.s32 s2, $0x0  }
0xcb: {  	s3 =	rddreg [dreg:$0x2];
	[bflag:$0x3] =	sbarrier.arrive $0xFFFF;
	s2 =	simm.s32 @!p0 $0x1C02  }
0xcc: {  	[timem:s3], [sflag:s2] =	dma.local @!p0 [hbm:s0], s1  }
0xcd: {  	s0 =	simm.s32 @!p0 $0x2  }
0xce: {  	_ =	swait.ge @!p0 [sflag:s0], s1  }
0xcf: {  	s1 =	ssub.s32 @!p0 $0x0, s1;
	[sflag:s0] =	ssyncset.done @!p0 $0x0  }
0xd0: {  	[sflag:s0] =	ssyncadd.s32 @!p0 s1  }
0xd1: {  	[bflag:$0x3] =	sbarrier.arrive $0xFFFF  }
0xd2: {  	_ =	shalt  }

// kernel: kernel.13.cloned.1.call-start
scs
__scs_entry_jumppad:
0x0: {  	(pc) =	sbr.rel $0x88, $3  }
0x1: {  	(tag) =	ssettag $0x0;
	lr =	simm.s32 $0x1  }
0x2: {  	[smem:$0x3F96] =	sst lr;
	_ =	strace $0xD0000000  }
0x3: {  	_ = 	snop  }
0x4: {  	_ = 	snop  }
0x5: {  	_ = 	snop  }
0x6: {  	_ = 	snop  }
0x7: {  	_ = 	snop  }
__scs_overlays_trampoline_lowered:
0x8: {  	[smem:$0x3FA5] =	sst s0  }
0x9: {  	[smem:$0x3FA6] =	sst s1  }
0xa: {  	[smem:$0x3FA7] =	sst s2  }
0xb: {  	[smem:$0x3FA8] =	sst s3  }
0xc: {  	[smem:$0x3FA9] =	sst s4  }
0xd: {  	[smem:$0x3FAA] =	sst s5  }
0xe: {  	[smem:$0x3FAB] =	sst s6  }
0xf: {  	[smem:$0x3FAC] =	sst s7  }
0x10: {  	[smem:$0x3FAD] =	sst s8  }
0x11: {  	[smem:$0x3FAE] =	sst s9;
	s0 =	simm.s32 @!p0 $0x0  }
0x12: {  	s1 =	sld [smem:$0x3F94];
	s0 =	simm.s32 @p0 $0x1  }
0x13: {  	[smem:$0x3FAF] =	sst s0;
	s0 =	simm.s32 @!p1 $0x0  }
0x14: {  	s2 =	sld [smem:$0x3F93];
	s0 =	simm.s32 @p1 $0x1  }
0x15: {  	[smem:$0x3FB0] =	sst s0;
	s0 =	simm.s32 @!p2 $0x0  }
0x16: {  	s3 =	sld [smem:$0x3FDB];
	s0 =	simm.s32 @p2 $0x1  }
0x17: {  	s4 =	simm.s32 $0x1BF5;
	[smem:$0x3FB2] =	sst s0  }
0x18: {  	s0 =	sld [smem:$0x3F95];
	_ =	swait.ge [sflag:s4], $0x0  }
0x19: {  	s7 =	sld [smem:$0x3F96]  }
0x1a: {  	s8 =	sadd.s32 $0xFFFFE003, lr  }
0x1b: {  	s9 =	sadd.s32 $0xFFFFFEF7, lr;
	s5 =	simm.s32 $0xFFFFFFFF;
	p2 =	slt.u32 s8, $0xFFFFF086  }
0x1c: {  	p1 =	slt.u32 s9, $0xF7A;
	s5 =	simm.s32 @!p2 $0x0  }
0x1d: {  	s5 =	simm.s32 @p1 $0x1;
	p0 =	seq.s32 s7, s2  }
0x1e: {  	s7 =	smul.u32 @!p0 $0xF7A, s2;
	p2 =	seq.s32 @!p0 s5, $0x0  }
0x1f: {  	s9 =	smul.u32 $0xF7A, s1;
	s8 =	simm.s32 @!p0 $0x1BF5;
	p2 =	por !p2, p0  }
0x20: {  	[sflag:s8] =	ssyncset.s32 @!p0 $0xFFFFF086;
	s6 =	sadd.s32 @!p0 s3, s7;
	s7 =	simm.s32 @!p0 $0x108  }
0x21: {  	s3 =	sadd.s32 s3, s9;
	s6 =	sadd.s32 @!p0 $0x88, s6;
	s7 =	simm.s32 @p2 $0x1082  }
0x22: {  	[simem:s7], [sflag:s8] =	dma.local @!p0 [hbm:s6], $0xF7A  }
0x23: {  	s9 =	sor.u32 $0xD0000000, s2;
	s6 =	simm.s32 $0x108;
	_ =	swait.ge @!p0 [sflag:s8], $0x0  }
0x24: {  	s3 =	sadd.s32 $0x88, s3;
	s6 =	simm.s32 @!p1 $0x1082;
	[sflag:s4] =	ssyncset.s32 $0xFFFFF086  }
0x25: {  	[simem:s6], [sflag:s4] =	dma.local [hbm:s3], $0xF7A  }
0x26: {  	[smem:$0x3F96] =	sst s1;
	(tag) =	ssettag s2;
	_ =	strace s9  }
0x27: {  	s1 =	sld [smem:$0x3FA6]  }
0x28: {  	s2 =	sld [smem:$0x3FA7]  }
0x29: {  	s4 =	sld [smem:$0x3FA9]  }
0x2a: {  	p0 =	seq.s32 s5, $0x0;
	s5 =	sld [smem:$0x3FAA]  }
0x2b: {  	s6 =	sld [smem:$0x3FAB]  }
0x2c: {  	s7 =	sld [smem:$0x3FAC]  }
0x2d: {  	s3 =	simm.s32 $0x108;
	s8 =	sld [smem:$0x3FAD]  }
0x2e: {  	s3 =	simm.s32 @!p0 $0x1082;
	s9 =	sld [smem:$0x3FAE]  }
0x2f: {  	lr =	sadd.s32 s0, s3;
	s0 =	sld [smem:$0x3FA5]  }
0x30: {  	s3 =	sld [smem:$0x3FA8]  }
0x31: {  	[smem:$0x3FB1] =	sst s10  }
0x32: {  	s10 =	sld [smem:$0x3FAF];
	_ =	sdelay $0x3  }
0x33: {  	p0 =	seq.s32 s10, $0x1;
	s10 =	sld [smem:$0x3FB1];
	_ =	sdelay $0x3  }
0x34: {  	[smem:$0x3FB1] =	sst s10  }
0x35: {  	s10 =	sld [smem:$0x3FB0];
	_ =	sdelay $0x3  }
0x36: {  	p1 =	seq.s32 s10, $0x1;
	s10 =	sld [smem:$0x3FB1];
	_ =	sdelay $0x3  }
0x37: {  	[smem:$0x3FB1] =	sst s10  }
0x38: {  	s10 =	sld [smem:$0x3FB2]  }
0x39: {  	_ = 	snop;
	(pc) =	sbr.ind lr, $3  }
0x3a: {  	_ = 	snop  }
0x3b: {  	_ = 	snop  }
0x3c: {  	p2 =	seq.s32 s10, $0x1;
	s10 =	sld [smem:$0x3FB1]  }
0x3d: {  	_ =	shalt  }
0x3e: {  	_ =	shalt  }
0x3f: {  	_ =	shalt  }
0x40: {  	_ =	shalt  }
0x41: {  	_ =	shalt  }
0x42: {  	_ =	shalt  }
0x43: {  	_ =	shalt  }
0x44: {  	_ =	shalt  }
0x45: {  	_ =	shalt  }
0x46: {  	_ =	shalt  }
0x47: {  	_ =	shalt  }
0x48: {  	_ =	shalt  }
0x49: {  	_ =	shalt  }
0x4a: {  	_ =	shalt  }
0x4b: {  	_ =	shalt  }
0x4c: {  	_ =	shalt  }
0x4d: {  	_ =	shalt  }
0x4e: {  	_ =	shalt  }
0x4f: {  	_ =	shalt  }
0x50: {  	_ =	shalt  }
0x51: {  	_ =	shalt  }
0x52: {  	_ =	shalt  }
0x53: {  	_ =	shalt  }
0x54: {  	_ =	shalt  }
0x55: {  	_ =	shalt  }
0x56: {  	_ =	shalt  }
0x57: {  	_ =	shalt  }
0x58: {  	_ =	shalt  }
0x59: {  	_ =	shalt  }
0x5a: {  	_ =	shalt  }
0x5b: {  	_ =	shalt  }
0x5c: {  	_ =	shalt  }
0x5d: {  	_ =	shalt  }
0x5e: {  	_ =	shalt  }
0x5f: {  	_ =	shalt  }
0x60: {  	_ =	shalt  }
0x61: {  	_ =	shalt  }
0x62: {  	_ =	shalt  }
0x63: {  	_ =	shalt  }
0x64: {  	_ =	shalt  }
0x65: {  	_ =	shalt  }
0x66: {  	_ =	shalt  }
0x67: {  	_ =	shalt  }
0x68: {  	_ =	shalt  }
0x69: {  	_ =	shalt  }
0x6a: {  	_ =	shalt  }
0x6b: {  	_ =	shalt  }
0x6c: {  	_ =	shalt  }
0x6d: {  	_ =	shalt  }
0x6e: {  	_ =	shalt  }
0x6f: {  	_ =	shalt  }
0x70: {  	_ =	shalt  }
0x71: {  	_ =	shalt  }
0x72: {  	_ =	shalt  }
0x73: {  	_ =	shalt  }
0x74: {  	_ =	shalt  }
0x75: {  	_ =	shalt  }
0x76: {  	_ =	shalt  }
0x77: {  	_ =	shalt  }
0x78: {  	_ =	shalt  }
0x79: {  	_ =	shalt  }
0x7a: {  	_ =	shalt  }
0x7b: {  	_ =	shalt  }
0x7c: {  	_ =	shalt  }
0x7d: {  	_ =	shalt  }
0x7e: {  	_ =	shalt  }
0x7f: {  	_ =	shalt  }
0x80: {  	_ =	shalt  }
0x81: {  	_ =	shalt  }
0x82: {  	_ =	shalt  }
0x83: {  	_ =	shalt  }
0x84: {  	_ =	shalt  }
0x85: {  	_ =	shalt  }
0x86: {  	_ =	shalt  }
0x87: {  	_ =	shalt  }
.Lfunc_end0:
.L_simem_size_0:
called_computation.2_lowered:
.L_overlay_start_0:
0x88: {  	s2 =	sld [smem:$0x3FD9]  }
0x89: {  	s3 =	sld [smem:$0x3FFE];
	_ =	sdelay $0x1  }
0x8a: {  	s1 =	srdreg.scid  }
0x8b: {  	s0 =	sand.u32 $0x1, s1  }
0x8c: {  	s17 =	sshll.u32 s0, $0xA;
	s2 =	sadd.s32 s3, s2  }
0x8d: {  	s2 =	sadd.s32 s2, s17  }
0x8e: {  	[smem:$0x3FBD] =	sst s2  }
0x8f: {  	_ = 	snop  }
0x90: {  	s2 =	sld [smem:$0x3FD0];
	(tm) =	ssettm $0x1  }
0x91: {  	s18 =	sld [smem:$0x3FFB];
	_ =	sdelay $0x3  }
0x92: {  	_ =	strace s18  }
0x93: {  	s3 =	sld [smem:$0x3FFC];
	_ =	sdelay $0x3  }
0x94: {  	_ =	strace s3  }
0x95: {  	s3 =	sld [smem:$0x3FFD];
	_ =	sdelay $0x3  }
0x96: {  	_ =	strace s3  }
0x97: {  	_ =	strace $0x8FFFFFFF  }
0x98: {  	s19 =	sld [smem:$0x3FDB];
	_ =	sdelay $0x1  }
0x99: {  	s4 =	simm.s32 $_scs_section_size  }
0x9a: {  	s5 =	simm.s32 $_size__tile_overlayer_lowered;
	s6 =	simm.s32 $_tile_overlayer_lowered  }
0x9b: {  	s22 =	simm.s32 $0x1BFF;
	s21 =	sshll.u32 s6, $0x1;
	s3 =	sadd.s32 s4, s19  }
0x9c: {  	s7 =	simm.s32 $0x0;
	s20 =	sshll.u32 s5, $0x1;
	s5 =	sadd.s32 s21, s3  }
0x9d: {  	[timem:s7], [sflag:s22] =	dma.local [hbm:s5], s20  }
0x9e: {  	_ =	swait.ge [sflag:s22], s20  }
0x9f: {  	s4 =	ssub.s32 $0x0, s20;
	[sflag:s22] =	ssyncset.done $0x0  }
0xa0: {  	[sflag:s22] =	ssyncadd.s32 s4;
	_ =	sdelay $0x1  }
0xa1: {  	s23 =	simm.s32 $0x1B8B  }
0xa2: {  	_ =	swait.ge [sflag:s23], $0x1  }
0xa3: {  	[sflag:s23] =	ssyncset.done $0x0  }
0xa4: {  	s25 =	simm.s32 $0x1B8E;
	s24 =	sld [smem:$0x3FFE];
	[sflag:s23] =	ssyncadd.s32 $0xFFFFFFFF  }
0xa5: {  	s26 =	simm.s32 $execute0_lowered;
	[smem:$0x3FD2] =	sst s25  }
0xa6: {  	s5 =	sshll.u32 s26, $0x1;
	_ =	strace $0x8000004C;
	[dreg:$0x1] =	wrdreg $0xFFFFFFFF  }
0xa7: {  	s28 =	simm.s32 $_size_execute0_lowered;
	s3 =	sadd.s32 s3, s5;
	[dreg:$0x0] =	wrdreg $0x0  }
0xa8: {  	s5 =	sshll.u32 s28, $0x1;
	[dreg:$0x2] =	wrdreg s3  }
0xa9: {  	[dreg:$0x3] =	wrdreg s5  }
0xaa: {  	[dreg:$0x4] =	wrdreg $0xC0  }
0xab: {  	_ =	task [dreg:s7], $0x5FFFF  }
0xac: {  	[dreg:$0x1] =	wrdreg $0xFFFFFFFF  }
0xad: {  	[dreg:$0x0] =	wrdreg $0x60  }
0xae: {  	[dreg:$0x2] =	wrdreg s24  }
0xaf: {  	[dreg:$0x3] =	wrdreg s2  }
0xb0: {  	[dreg:$0x4] =	wrdreg $0x41000  }
0xb1: {  	[dreg:$0x5] =	wrdreg $0x9  }
0xb2: {  	_ =	task.clear_ibuf [dreg:s7], $0x6FFFF;
	_ =	strace $0x9000004C  }
0xb3: {  	s29 =	simm.s32 $0x9;
	_ =	strace $0x8000004E  }
0xb4: {  	_ =	swait.ge [sflag:s29], $0x1  }
0xb5: {  	[sflag:s29] =	ssyncadd.s32 $0xFFFFFFFF  }
0xb6: {  	_ =	strace $0x9000004E  }
0xb7: {  	_ =	sfence  }
0xb8: {  	s30 =	sld [smem:$0x0];
	_ =	sdelay $0x2  }
0xb9: {  	s31 =	sshll.u32 s1, $0xD;
	s1 =	sshrl.u32 s1, $0x2  }
0xba: {  	s3 =	sand.u32 $0x4000, s31;
	s1 =	sadd.s32 s1, s30  }
0xbb: {  	s0 =	sor.u32 s3, s0;
	s1 =	sshll.u32 s1, $0x11  }
0xbc: {  	s0 =	sor.u32 s1, s0  }
0xbd: {  	s0 =	sadd.s32 $0x8F2B, s0  }
0xbe: {  	[sflag:s0] =	ssyncadd.remote.s32 $0x1  }
0xbf: {  	_ =	sfence.sel $0xFFFF  }
0xc0: {  	[dreg:$0x0] =	wrdreg $0xFFFFFFFF;
	(pc) =	sbr.abs _section_cstart, $3  }
0xc1: {  	[dreg:$0x1] =	wrdreg $0xFFFFFFFF  }
0xc2: {  	_ =	task.clear_ibuf [dreg:s7], $0x2FFFF;
	_ =	strace $0x9FFFFFFF  }
0xc3: {  	(tm) =	ssettm $0x7FFFFFFF  }
tec
execute0_lowered:
.L_overlay_start_1:
0x0: {  	(tag) =	ssettag $0x1  }
0x1: {  	s11 =	rddreg [dreg:$0x0]  }
0x2: {  	s1 =	rddreg [dreg:$0x1]  }
0x3: {  	s2 =	rddreg [dreg:$0x2];
	s3 =	simm.s32 $0x0;
	s10 =	srdreg.scid  }
0x4: {  	s0 =	stileid.u32;
	s28 =	simm.s32 $0x1;
	s29 =	simm.s32 $0x0  }
0x5: {  	[smem:$0x7FF] =	sst s3;
	s4 =	sadd.s32 $0x38A00, s11;
	s6 =	sadd.s32 $0x7000, s11  }
0x6: {  	s7 =	sadd.s32 $0x2000, s11;
	s8 =	sadd.s32 $0xC000, s11;
	s14 =	smul.u32 $0x280, s0  }
0x7: {  	s9 =	sadd.s32 $0x11000, s11;
	s24 =	sand.u32 $0x1, s10;
	s13 =	smul.u32 $0x50000, s0  }
0x8: {  	s5 =	sadd.s32 $0x5FC00, s11;
	s11 =	sadd.s32 $0x87C00, s11;
	s17 =	smul.u32 $0x2800, s0  }
0x9: {  	s23 =	smul.u32 $0x500, s0;
	_ =	strace $0x8000004D;
	[dreg:$0x4] =	wrdreg s5  }
0xa: {  	s12 =	ssub.s32 $0x2, s24;
	p0 =	sne.s32 s24, $0x0;
	s24 =	simm.s32 $0x100  }
0xb: {  	s15 =	sshrl.u32 s12, $0x1;
	s18 =	sadd.s32 $0x80, s14;
	s25 =	sshrl.u32 s13, $0x2  }
0xc: {  	s19 =	sadd.s32 $0x100, s14;
	s20 =	sadd.s32 $0x180, s14;
	s21 =	sadd.s32 $0x200, s14  }
0xd: {  	s22 =	ssub.s32 s12, s15;
	s26 =	sshll.u32 s18, $0x7;
	s12 =	sadd.s32 s25, s2  }
.Ltmp0:
0xe: {  	s30 =	sshll.u32 s19, $0x7;
	s31 =	sshll.u32 s20, $0x7;
	(pc) =	sbr.rel .LBB2_1-.Ltmp0, $4  }
0xf: {  	s16 =	sshll.u32 s21, $0x7;
	s18 =	sshll.u32 s18, $0x4;
	s19 =	sshll.u32 s19, $0x4  }
0x10: {  	s20 =	sshll.u32 s20, $0x4;
	s21 =	sshll.u32 s21, $0x4;
	s25 =	simm.s32 $0x2  }
0x11: {  	s13 =	sadd.s32 s26, s2;
	s14 =	sadd.s32 s30, s2;
	s15 =	sadd.s32 s31, s2  }
0x12: {  	s16 =	sadd.s32 s16, s2;
	s22 =	smax.u32 s22, $0x1;
	s26 =	simm.s32 $0x80  }
.LBB2_7:
0x13: {  	s0 =	sadd.s32 s8, s30;
	[sflag:s25] =	ssyncadd.s32 $0xFFFFC000  }
0x14: {  	[tilespmem:s3], [sflag:$0x2] =	stream.linear.gather [hbm4b:s0+s3], $0x80, $0x38;
	[tilespmem:$0x18100] =	vst v63  }
0x15: {  	_ =	swait.ge [sflag:s25], $0x80  }
0x16: {  	[sflag:s25] =	ssyncset.done $0x0  }
0x17: {  	s31 =	sadd.s32 s1, s30;
	[sflag:s25] =	ssyncadd.s32 $0xFFFFFF80  }
0x18: {  	[tilespmem:s26], [sflag:$0x2] =	stream.linear.gather [hbm4b:s31+s3], $0x80, $0x38;
	[tilespmem:$0x18100] =	vst v63  }
0x19: {  	_ =	swait.ge [sflag:s25], $0x80  }
0x1a: {  	[sflag:s25] =	ssyncset.done $0x0  }
0x1b: {  	[sflag:s25] =	ssyncadd.s32 $0xFFFFFF80  }
0x1c: {  	[tilespmem:s24], [sflag:$0x1] =	stream.indirect.gather [hbm4b:s4+s26], $0x80, s3, s26, $0xb8;
	[tilespmem:$0x18100] =	vst v63  }
0x1d: {  	_ =	swait.ge [sflag:s28], $0x4000  }
0x1e: {  	[sflag:s28] =	ssyncset.done $0x0  }
0x1f: {  	[sflag:s28] =	ssyncadd.s32 $0xFFFFC000  }
0x20: {  	[spmem:s2] =	stream.indirect.scatter.add.f32 [tilespmem:s24], [sflag:$0x2], $0x80, s26, s26, $0xb8;
	[tilespmem:$0x18100] =	vst v63  }
0x21: {  	_ =	swait.ge [sflag:s25], $0x4000  }
0x22: {  	[sflag:s25] =	ssyncset.done $0x0  }
0x23: {  	s30 =	smov.u32 s11;
	[sflag:s25] =	ssyncadd.s32 $0xFFFFC000  }
.LBB2_8:
0x24: {  	[bflag:$0x0] =	sbarrier.arrive $0xFFFF  }
0x25: {  	[tilespmem:s24], [sflag:$0x2] =	stream.linear.gather [spmem:s12], $0x4000, $0x38;
	[tilespmem:$0x18100] =	vst v63  }
0x26: {  	_ =	swait.ge [sflag:s25], $0x4000  }
0x27: {  	[sflag:s25] =	ssyncset.done $0x0  }
0x28: {  	s0 =	sadd.s32 s30, s17;
	[sflag:s25] =	ssyncadd.s32 $0xFFFFC000  }
0x29: {  	[hbm4b:s0+s3] =	stream.linear.scatter [tilespmem:s24], [sflag:$0x2], $0x4000, $0x38;
	[tilespmem:$0x18100] =	vst v63  }
0x2a: {  	_ =	swait.ge [sflag:s25], $0x4000  }
0x2b: {  	[sflag:s25] =	ssyncset.done $0x0  }
0x2c: {  	[sflag:s25] =	ssyncadd.s32 $0xFFFFC000  }
0x2d: {  	[tilespmem:s24], [sflag:$0x2] =	stream.linear.gather [spmem:s13], $0x4000, $0x38;
	[tilespmem:$0x18100] =	vst v63  }
0x2e: {  	_ =	swait.ge [sflag:s25], $0x4000  }
0x2f: {  	[sflag:s25] =	ssyncset.done $0x0  }
0x30: {  	s31 =	sadd.s32 s30, s18;
	[sflag:s25] =	ssyncadd.s32 $0xFFFFC000  }
0x31: {  	[hbm4b:s31+s3] =	stream.linear.scatter [tilespmem:s24], [sflag:$0x2], $0x4000, $0x38;
	[tilespmem:$0x18100] =	vst v63  }
0x32: {  	_ =	swait.ge [sflag:s25], $0x4000  }
0x33: {  	[sflag:s25] =	ssyncset.done $0x0  }
0x34: {  	[sflag:s25] =	ssyncadd.s32 $0xFFFFC000  }
0x35: {  	[tilespmem:s24], [sflag:$0x2] =	stream.linear.gather [spmem:s14], $0x4000, $0x38;
	[tilespmem:$0x18100] =	vst v63  }
0x36: {  	_ =	swait.ge [sflag:s25], $0x4000  }
0x37: {  	[sflag:s25] =	ssyncset.done $0x0  }
0x38: {  	s5 =	sadd.s32 s30, s19;
	[sflag:s25] =	ssyncadd.s32 $0xFFFFC000  }
0x39: {  	[hbm4b:s5+s3] =	stream.linear.scatter [tilespmem:s24], [sflag:$0x2], $0x4000, $0x38;
	[tilespmem:$0x18100] =	vst v63  }
0x3a: {  	_ =	swait.ge [sflag:s25], $0x4000  }
0x3b: {  	[sflag:s25] =	ssyncset.done $0x0  }
0x3c: {  	[sflag:s25] =	ssyncadd.s32 $0xFFFFC000  }
0x3d: {  	[tilespmem:s24], [sflag:$0x2] =	stream.linear.gather [spmem:s15], $0x4000, $0x38;
	[tilespmem:$0x18100] =	vst v63  }
0x3e: {  	_ =	swait.ge [sflag:s25], $0x4000  }
0x3f: {  	[sflag:s25] =	ssyncset.done $0x0  }
0x40: {  	s10 =	sadd.s32 s30, s20;
	[sflag:s25] =	ssyncadd.s32 $0xFFFFC000  }
0x41: {  	[hbm4b:s10+s3] =	stream.linear.scatter [tilespmem:s24], [sflag:$0x2], $0x4000, $0x38;
	[tilespmem:$0x18100] =	vst v63  }
0x42: {  	_ =	swait.ge [sflag:s25], $0x4000  }
0x43: {  	[sflag:s25] =	ssyncset.done $0x0  }
0x44: {  	[sflag:s25] =	ssyncadd.s32 $0xFFFFC000  }
0x45: {  	[tilespmem:s24], [sflag:$0x2] =	stream.linear.gather [spmem:s16], $0x4000, $0x38;
	[tilespmem:$0x18100] =	vst v63  }
0x46: {  	s29 =	sadd.s32 $0x1, s29;
	_ =	swait.ge [sflag:s25], $0x4000  }
0x47: {  	p1 =	sne.s32 s29, s22;
	[sflag:s25] =	ssyncset.done $0x0  }
.Ltmp1:
0x48: {  	s31 =	sadd.s32 s30, s21;
	[sflag:s25] =	ssyncadd.s32 $0xFFFFC000;
	(pc) =	sbr.rel @!p1 .LBB2_9-.Ltmp1, $4  }
0x49: {  	[hbm4b:s31+s3] =	stream.linear.scatter [tilespmem:s24], [sflag:$0x2], $0x4000, $0x38;
	[tilespmem:$0x18100] =	vst v63  }
0x4a: {  	_ =	swait.ge [sflag:s25], $0x4000  }
0x4b: {  	[sflag:s25] =	ssyncset.done $0x0  }
0x4c: {  	[sflag:s25] =	ssyncadd.s32 $0xFFFFC000  }
.LBB2_1:
0x4d: {  	[tilespmem:s24], [sflag:$0x2] =	stream.linear.gather [hbm4b:s9+s3], $0x4000, $0x38;
	[tilespmem:$0x18100] =	vst v63  }
0x4e: {  	_ =	swait.ge [sflag:s25], $0x4000  }
0x4f: {  	[sflag:s25] =	ssyncset.done $0x0  }
0x50: {  	[sflag:s25] =	ssyncadd.s32 $0xFFFFC000  }
0x51: {  	[spmem:s12] =	stream.linear.scatter [tilespmem:s24], [sflag:$0x2], $0x4000, $0x38;
	[tilespmem:$0x18100] =	vst v63  }
0x52: {  	_ =	swait.ge [sflag:s25], $0x4000  }
0x53: {  	[sflag:s25] =	ssyncset.done $0x0  }
0x54: {  	[sflag:s25] =	ssyncadd.s32 $0xFFFFC000  }
0x55: {  	[spmem:s13] =	stream.linear.scatter [tilespmem:s24], [sflag:$0x2], $0x4000, $0x38;
	[tilespmem:$0x18100] =	vst v63  }
0x56: {  	_ =	swait.ge [sflag:s25], $0x4000  }
0x57: {  	[sflag:s25] =	ssyncset.done $0x0  }
0x58: {  	[sflag:s25] =	ssyncadd.s32 $0xFFFFC000  }
0x59: {  	[spmem:s14] =	stream.linear.scatter [tilespmem:s24], [sflag:$0x2], $0x4000, $0x38;
	[tilespmem:$0x18100] =	vst v63  }
0x5a: {  	_ =	swait.ge [sflag:s25], $0x4000  }
0x5b: {  	[sflag:s25] =	ssyncset.done $0x0  }
0x5c: {  	[sflag:s25] =	ssyncadd.s32 $0xFFFFC000  }
0x5d: {  	[spmem:s15] =	stream.linear.scatter [tilespmem:s24], [sflag:$0x2], $0x4000, $0x38;
	[tilespmem:$0x18100] =	vst v63  }
0x5e: {  	_ =	swait.ge [sflag:s25], $0x4000  }
0x5f: {  	[sflag:s25] =	ssyncset.done $0x0  }
0x60: {  	[sflag:s25] =	ssyncadd.s32 $0xFFFFC000  }
0x61: {  	[spmem:s16] =	stream.linear.scatter [tilespmem:s24], [sflag:$0x2], $0x4000, $0x38;
	[tilespmem:$0x18100] =	vst v63  }
.Ltmp2:
0x62: {  	_ =	swait.ge [sflag:s25], $0x4000;
	(pc) =	sbr.rel @p0 .LBB2_5-.Ltmp2, $3  }
0x63: {  	[sflag:s25] =	ssyncset.done $0x0  }
0x64: {  	[sflag:s25] =	ssyncadd.s32 $0xFFFFC000  }
0x65: {  	[bflag:$0x0] =	sbarrier.arrive $0xFFFF;
	_ =	sdelay $0x1  }
0x66: {  	s30 =	sadd.s32 $0x0, s23  }
0x67: {  	s31 =	sand.u32 $0x70, s3;
	s30 =	sand.u32 $0xFF80, s30  }
0x68: {  	s30 =	sor.u32 s31, s30  }
0x69: {  	s31 =	sadd.s32 s6, s30  }
0x6a: {  	[tilespmem:s3], [sflag:$0x2] =	stream.linear.gather [hbm4b:s31+s3], $0x80, $0x38;
	[tilespmem:$0x18100] =	vst v63  }
0x6b: {  	_ =	swait.ge [sflag:s25], $0x80  }
0x6c: {  	[sflag:s25] =	ssyncset.done $0x0  }
0x6d: {  	s30 =	sadd.s32 s7, s30;
	[sflag:s25] =	ssyncadd.s32 $0xFFFFFF80  }
0x6e: {  	[tilespmem:s26], [sflag:$0x2] =	stream.linear.gather [hbm4b:s30+s3], $0x80, $0x38;
	[tilespmem:$0x18100] =	vst v63  }
0x6f: {  	_ =	swait.ge [sflag:s25], $0x80  }
0x70: {  	[sflag:s25] =	ssyncset.done $0x0  }
0x71: {  	[sflag:s25] =	ssyncadd.s32 $0xFFFFFF80  }
0x72: {  	[tilespmem:s24], [sflag:$0x1] =	stream.indirect.gather [hbm4b:s4+s26], $0x80, s3, s26, $0xb8;
	[tilespmem:$0x18100] =	vst v63  }
0x73: {  	_ =	swait.ge [sflag:s28], $0x4000  }
0x74: {  	[sflag:s28] =	ssyncset.done $0x0  }
0x75: {  	s31 =	sadd.s32 $0x10, s23;
	s30 =	simm.s32 $0x10;
	[sflag:s28] =	ssyncadd.s32 $0xFFFFC000  }
0x76: {  	[spmem:s2] =	stream.indirect.scatter.add.f32 [tilespmem:s24], [sflag:$0x2], $0x80, s26, s26, $0xb8;
	[tilespmem:$0x18100] =	vst v63  }
0x77: {  	s0 =	sand.u32 $0xFF80, s31;
	s30 =	sand.u32 $0x70, s30;
	_ =	swait.ge [sflag:s25], $0x4000  }
0x78: {  	s31 =	simm.s32 $0x20;
	s30 =	sor.u32 s30, s0;
	[sflag:s25] =	ssyncset.done $0x0  }
.LBB2_3:
0x79: {  	s0 =	sadd.s32 s6, s30  }
0x7a: {  	[sflag:s25] =	ssyncadd.s32 $0xFFFFC000;
	s5 =	smov.u32 s31;
	s10 =	sadd.s32 $0x10, s31  }
0x7b: {  	[tilespmem:s3], [sflag:$0x2] =	stream.linear.gather [hbm4b:s0+s3], $0x80, $0x38;
	[tilespmem:$0x18100] =	vst v63  }
0x7c: {  	p1 =	seq.s32 s31, $0x4F0;
	_ =	swait.ge [sflag:s25], $0x80  }
0x7d: {  	[sflag:s25] =	ssyncset.done $0x0  }
0x7e: {  	s0 =	sadd.s32 s7, s30;
	[sflag:s25] =	ssyncadd.s32 $0xFFFFFF80  }
0x7f: {  	[tilespmem:s26], [sflag:$0x2] =	stream.linear.gather [hbm4b:s0+s3], $0x80, $0x38;
	[tilespmem:$0x18100] =	vst v63  }
0x80: {  	_ =	swait.ge [sflag:s25], $0x80  }
0x81: {  	[sflag:s25] =	ssyncset.done $0x0  }
0x82: {  	[sflag:s25] =	ssyncadd.s32 $0xFFFFFF80  }
0x83: {  	[tilespmem:s24], [sflag:$0x1] =	stream.indirect.gather [hbm4b:s4+s26], $0x80, s3, s26, $0xb8;
	[tilespmem:$0x18100] =	vst v63  }
0x84: {  	_ =	swait.ge [sflag:s28], $0x4000  }
.Ltmp3:
0x85: {  	[sflag:s28] =	ssyncset.done $0x0;
	(pc) =	sbr.rel @!p1 .LBB2_3-.Ltmp3, $4  }
0x86: {  	s0 =	sadd.s32 s5, s23;
	[sflag:s28] =	ssyncadd.s32 $0xFFFFC000  }
0x87: {  	[spmem:s2] =	stream.indirect.scatter.add.f32 [tilespmem:s24], [sflag:$0x2], $0x80, s26, s26, $0xb8;
	[tilespmem:$0x18100] =	vst v63  }
0x88: {  	s5 =	sand.u32 $0x70, s5;
	s0 =	sand.u32 $0xFF80, s0;
	_ =	swait.ge [sflag:s25], $0x4000  }
0x89: {  	s31 =	smov.u32 s10;
	s30 =	sor.u32 s5, s0;
	[sflag:s25] =	ssyncset.done $0x0  }
0x8a: {  	s0 =	sadd.s32 s6, s30;
	[sflag:s25] =	ssyncadd.s32 $0xFFFFC000  }
0x8b: {  	[tilespmem:s3], [sflag:$0x2] =	stream.linear.gather [hbm4b:s0+s3], $0x80, $0x38;
	[tilespmem:$0x18100] =	vst v63  }
0x8c: {  	_ =	swait.ge [sflag:s25], $0x80  }
0x8d: {  	[sflag:s25] =	ssyncset.done $0x0  }
0x8e: {  	s31 =	sadd.s32 s7, s30;
	[sflag:s25] =	ssyncadd.s32 $0xFFFFFF80  }
0x8f: {  	[tilespmem:s26], [sflag:$0x2] =	stream.linear.gather [hbm4b:s31+s3], $0x80, $0x38;
	[tilespmem:$0x18100] =	vst v63  }
0x90: {  	_ =	swait.ge [sflag:s25], $0x80  }
0x91: {  	[sflag:s25] =	ssyncset.done $0x0  }
0x92: {  	[sflag:s25] =	ssyncadd.s32 $0xFFFFFF80  }
0x93: {  	[tilespmem:s24], [sflag:$0x1] =	stream.indirect.gather [hbm4b:s4+s26], $0x80, s3, s26, $0xb8;
	[tilespmem:$0x18100] =	vst v63  }
0x94: {  	_ =	swait.ge [sflag:s28], $0x4000  }
0x95: {  	[sflag:s28] =	ssyncset.done $0x0  }
.Ltmp4:
0x96: {  	[sflag:s28] =	ssyncadd.s32 $0xFFFFC000;
	(pc) =	sbr.rel .LBB2_8-.Ltmp4, $4  }
0x97: {  	[spmem:s2] =	stream.indirect.scatter.add.f32 [tilespmem:s24], [sflag:$0x2], $0x80, s26, s26, $0xb8;
	[tilespmem:$0x18100] =	vst v63  }
0x98: {  	_ =	swait.ge [sflag:s25], $0x4000  }
0x99: {  	[sflag:s25] =	ssyncset.done $0x0  }
0x9a: {  	s30 =	rddreg [dreg:$0x4];
	[sflag:s25] =	ssyncadd.s32 $0xFFFFC000  }
.LBB2_5:
0x9b: {  	s0 =	sadd.s32 $0x0, s23  }
0x9c: {  	s5 =	sand.u32 $0x70, s3;
	s0 =	sand.u32 $0xFF80, s0  }
0x9d: {  	s0 =	sor.u32 s5, s0  }
0x9e: {  	s5 =	sadd.s32 s8, s0  }
0x9f: {  	[tilespmem:s3], [sflag:$0x2] =	stream.linear.gather [hbm4b:s5+s3], $0x80, $0x38;
	[tilespmem:$0x18100] =	vst v63  }
0xa0: {  	_ =	swait.ge [sflag:s25], $0x80  }
0xa1: {  	[sflag:s25] =	ssyncset.done $0x0  }
0xa2: {  	s0 =	sadd.s32 s1, s0;
	[sflag:s25] =	ssyncadd.s32 $0xFFFFFF80  }
0xa3: {  	[tilespmem:s26], [sflag:$0x2] =	stream.linear.gather [hbm4b:s0+s3], $0x80, $0x38;
	[tilespmem:$0x18100] =	vst v63  }
0xa4: {  	_ =	swait.ge [sflag:s25], $0x80  }
0xa5: {  	[sflag:s25] =	ssyncset.done $0x0  }
0xa6: {  	[sflag:s25] =	ssyncadd.s32 $0xFFFFFF80  }
0xa7: {  	[tilespmem:s24], [sflag:$0x1] =	stream.indirect.gather [hbm4b:s4+s26], $0x80, s3, s26, $0xb8;
	[tilespmem:$0x18100] =	vst v63  }
0xa8: {  	_ =	swait.ge [sflag:s28], $0x4000  }
0xa9: {  	[sflag:s28] =	ssyncset.done $0x0  }
0xaa: {  	s10 =	sadd.s32 $0x10, s23;
	s0 =	simm.s32 $0x10;
	[sflag:s28] =	ssyncadd.s32 $0xFFFFC000  }
0xab: {  	[spmem:s2] =	stream.indirect.scatter.add.f32 [tilespmem:s24], [sflag:$0x2], $0x80, s26, s26, $0xb8;
	[tilespmem:$0x18100] =	vst v63  }
0xac: {  	s5 =	sand.u32 $0xFF80, s10;
	s0 =	sand.u32 $0x70, s0;
	_ =	swait.ge [sflag:s25], $0x4000  }
0xad: {  	s31 =	simm.s32 $0x20;
	s30 =	sor.u32 s0, s5;
	[sflag:s25] =	ssyncset.done $0x0  }
.LBB2_6:
0xae: {  	s0 =	sadd.s32 s8, s30  }
0xaf: {  	[sflag:s25] =	ssyncadd.s32 $0xFFFFC000;
	s5 =	smov.u32 s31;
	s10 =	sadd.s32 $0x10, s31  }
0xb0: {  	[tilespmem:s3], [sflag:$0x2] =	stream.linear.gather [hbm4b:s0+s3], $0x80, $0x38;
	[tilespmem:$0x18100] =	vst v63  }
0xb1: {  	p1 =	sne.s32 s31, $0x4F0;
	_ =	swait.ge [sflag:s25], $0x80  }
0xb2: {  	[sflag:s25] =	ssyncset.done $0x0  }
0xb3: {  	s0 =	sadd.s32 s1, s30;
	[sflag:s25] =	ssyncadd.s32 $0xFFFFFF80  }
0xb4: {  	[tilespmem:s26], [sflag:$0x2] =	stream.linear.gather [hbm4b:s0+s3], $0x80, $0x38;
	[tilespmem:$0x18100] =	vst v63  }
0xb5: {  	_ =	swait.ge [sflag:s25], $0x80  }
0xb6: {  	[sflag:s25] =	ssyncset.done $0x0  }
0xb7: {  	[sflag:s25] =	ssyncadd.s32 $0xFFFFFF80  }
0xb8: {  	[tilespmem:s24], [sflag:$0x1] =	stream.indirect.gather [hbm4b:s4+s26], $0x80, s3, s26, $0xb8;
	[tilespmem:$0x18100] =	vst v63  }
0xb9: {  	_ =	swait.ge [sflag:s28], $0x4000  }
.Ltmp5:
0xba: {  	[sflag:s28] =	ssyncset.done $0x0;
	(pc) =	sbr.rel @p1 .LBB2_6-.Ltmp5, $4  }
0xbb: {  	s0 =	sadd.s32 s5, s23;
	[sflag:s28] =	ssyncadd.s32 $0xFFFFC000  }
0xbc: {  	[spmem:s2] =	stream.indirect.scatter.add.f32 [tilespmem:s24], [sflag:$0x2], $0x80, s26, s26, $0xb8;
	[tilespmem:$0x18100] =	vst v63  }
0xbd: {  	s5 =	sand.u32 $0x70, s5;
	s0 =	sand.u32 $0xFF80, s0;
	_ =	swait.ge [sflag:s25], $0x4000  }
0xbe: {  	s31 =	smov.u32 s10;
	s30 =	sor.u32 s5, s0;
	[sflag:s25] =	ssyncset.done $0x0  }
.Ltmp6:
0xbf: {  	_ = 	snop;
	(pc) =	sbr.rel .LBB2_7-.Ltmp6, $1  }
0xc0: {  	_ =	sdelay $0x3  }
.LBB2_9:
0xc1: {  	_ =	sfence.sel $0x180000  }
0xc2: {  	[bflag:$0x0] =	sbarrier.arrive $0xFFFF  }
0xc3: {  	_ =	strace $0x9000004D  }
0xc4: {  	s0 =	stileid.u32;
	[bflag:$0x2] =	sbarrier.arrive $0xFFFF  }
0xc5: {  	p0 =	sne.s32 s0, $0x0;
	s0 =	rddreg [dreg:$0x3]  }
0xc6: {  	s0 =	sadd.s32 @!p0 $0x100000, s0  }
0xc7: {  	[sflag:s0] =	ssyncadd.tile.s32 @!p0 $0x1;
	_ =	shalt  }
.Lfunc_end2:
_tile_overlayer_lowered:
.L_overlay_start_2:
0xc8: {  	(tag) =	ssettag $0x2  }
0xc9: {  	s0 =	rddreg [dreg:$0x0];
	s2 =	stileid.u32  }
0xca: {  	s1 =	rddreg [dreg:$0x1];
	p0 =	sne.s32 s2, $0x0  }
0xcb: {  	s3 =	rddreg [dreg:$0x2];
	[bflag:$0x3] =	sbarrier.arrive $0xFFFF;
	s2 =	simm.s32 @!p0 $0x1C02  }
0xcc: {  	[timem:s3], [sflag:s2] =	dma.local @!p0 [hbm:s0], s1  }
0xcd: {  	s0 =	simm.s32 @!p0 $0x2  }
0xce: {  	_ =	swait.ge @!p0 [sflag:s0], s1  }
0xcf: {  	s1 =	ssub.s32 @!p0 $0x0, s1;
	[sflag:s0] =	ssyncset.done @!p0 $0x0  }
0xd0: {  	[sflag:s0] =	ssyncadd.s32 @!p0 s1  }
0xd1: {  	[bflag:$0x3] =	sbarrier.arrive $0xFFFF  }
0xd2: {  	_ =	shalt  }

// kernel: kernel.7.cloned.1.call-start
scs
__scs_entry_jumppad:
0x0: {  	(pc) =	sbr.rel $0x88, $3  }
0x1: {  	(tag) =	ssettag $0x0;
	lr =	simm.s32 $0x1  }
0x2: {  	[smem:$0x3F96] =	sst lr;
	_ =	strace $0xD0000000  }
0x3: {  	_ = 	snop  }
0x4: {  	_ = 	snop  }
0x5: {  	_ = 	snop  }
0x6: {  	_ = 	snop  }
0x7: {  	_ = 	snop  }
__scs_overlays_trampoline_lowered:
0x8: {  	[smem:$0x3FA5] =	sst s0  }
0x9: {  	[smem:$0x3FA6] =	sst s1  }
0xa: {  	[smem:$0x3FA7] =	sst s2  }
0xb: {  	[smem:$0x3FA8] =	sst s3  }
0xc: {  	[smem:$0x3FA9] =	sst s4  }
0xd: {  	[smem:$0x3FAA] =	sst s5  }
0xe: {  	[smem:$0x3FAB] =	sst s6  }
0xf: {  	[smem:$0x3FAC] =	sst s7  }
0x10: {  	[smem:$0x3FAD] =	sst s8  }
0x11: {  	[smem:$0x3FAE] =	sst s9;
	s0 =	simm.s32 @!p0 $0x0  }
0x12: {  	s1 =	sld [smem:$0x3F94];
	s0 =	simm.s32 @p0 $0x1  }
0x13: {  	[smem:$0x3FAF] =	sst s0;
	s0 =	simm.s32 @!p1 $0x0  }
0x14: {  	s2 =	sld [smem:$0x3F93];
	s0 =	simm.s32 @p1 $0x1  }
0x15: {  	[smem:$0x3FB0] =	sst s0;
	s0 =	simm.s32 @!p2 $0x0  }
0x16: {  	s3 =	sld [smem:$0x3FDB];
	s0 =	simm.s32 @p2 $0x1  }
0x17: {  	s4 =	simm.s32 $0x1BF5;
	[smem:$0x3FB2] =	sst s0  }
0x18: {  	s0 =	sld [smem:$0x3F95];
	_ =	swait.ge [sflag:s4], $0x0  }
0x19: {  	s7 =	sld [smem:$0x3F96]  }
0x1a: {  	s8 =	sadd.s32 $0xFFFFE003, lr  }
0x1b: {  	s9 =	sadd.s32 $0xFFFFFEF7, lr;
	s5 =	simm.s32 $0xFFFFFFFF;
	p2 =	slt.u32 s8, $0xFFFFF086  }
0x1c: {  	p1 =	slt.u32 s9, $0xF7A;
	s5 =	simm.s32 @!p2 $0x0  }
0x1d: {  	s5 =	simm.s32 @p1 $0x1;
	p0 =	seq.s32 s7, s2  }
0x1e: {  	s7 =	smul.u32 @!p0 $0xF7A, s2;
	p2 =	seq.s32 @!p0 s5, $0x0  }
0x1f: {  	s9 =	smul.u32 $0xF7A, s1;
	s8 =	simm.s32 @!p0 $0x1BF5;
	p2 =	por !p2, p0  }
0x20: {  	[sflag:s8] =	ssyncset.s32 @!p0 $0xFFFFF086;
	s6 =	sadd.s32 @!p0 s3, s7;
	s7 =	simm.s32 @!p0 $0x108  }
0x21: {  	s3 =	sadd.s32 s3, s9;
	s6 =	sadd.s32 @!p0 $0x88, s6;
	s7 =	simm.s32 @p2 $0x1082  }
0x22: {  	[simem:s7], [sflag:s8] =	dma.local @!p0 [hbm:s6], $0xF7A  }
0x23: {  	s9 =	sor.u32 $0xD0000000, s2;
	s6 =	simm.s32 $0x108;
	_ =	swait.ge @!p0 [sflag:s8], $0x0  }
0x24: {  	s3 =	sadd.s32 $0x88, s3;
	s6 =	simm.s32 @!p1 $0x1082;
	[sflag:s4] =	ssyncset.s32 $0xFFFFF086  }
0x25: {  	[simem:s6], [sflag:s4] =	dma.local [hbm:s3], $0xF7A  }
0x26: {  	[smem:$0x3F96] =	sst s1;
	(tag) =	ssettag s2;
	_ =	strace s9  }
0x27: {  	s1 =	sld [smem:$0x3FA6]  }
0x28: {  	s2 =	sld [smem:$0x3FA7]  }
0x29: {  	s4 =	sld [smem:$0x3FA9]  }
0x2a: {  	p0 =	seq.s32 s5, $0x0;
	s5 =	sld [smem:$0x3FAA]  }
0x2b: {  	s6 =	sld [smem:$0x3FAB]  }
0x2c: {  	s7 =	sld [smem:$0x3FAC]  }
0x2d: {  	s3 =	simm.s32 $0x108;
	s8 =	sld [smem:$0x3FAD]  }
0x2e: {  	s3 =	simm.s32 @!p0 $0x1082;
	s9 =	sld [smem:$0x3FAE]  }
0x2f: {  	lr =	sadd.s32 s0, s3;
	s0 =	sld [smem:$0x3FA5]  }
0x30: {  	s3 =	sld [smem:$0x3FA8]  }
0x31: {  	[smem:$0x3FB1] =	sst s10  }
0x32: {  	s10 =	sld [smem:$0x3FAF];
	_ =	sdelay $0x3  }
0x33: {  	p0 =	seq.s32 s10, $0x1;
	s10 =	sld [smem:$0x3FB1];
	_ =	sdelay $0x3  }
0x34: {  	[smem:$0x3FB1] =	sst s10  }
0x35: {  	s10 =	sld [smem:$0x3FB0];
	_ =	sdelay $0x3  }
0x36: {  	p1 =	seq.s32 s10, $0x1;
	s10 =	sld [smem:$0x3FB1];
	_ =	sdelay $0x3  }
0x37: {  	[smem:$0x3FB1] =	sst s10  }
0x38: {  	s10 =	sld [smem:$0x3FB2]  }
0x39: {  	_ = 	snop;
	(pc) =	sbr.ind lr, $3  }
0x3a: {  	_ = 	snop  }
0x3b: {  	_ = 	snop  }
0x3c: {  	p2 =	seq.s32 s10, $0x1;
	s10 =	sld [smem:$0x3FB1]  }
0x3d: {  	_ =	shalt  }
0x3e: {  	_ =	shalt  }
0x3f: {  	_ =	shalt  }
0x40: {  	_ =	shalt  }
0x41: {  	_ =	shalt  }
0x42: {  	_ =	shalt  }
0x43: {  	_ =	shalt  }
0x44: {  	_ =	shalt  }
0x45: {  	_ =	shalt  }
0x46: {  	_ =	shalt  }
0x47: {  	_ =	shalt  }
0x48: {  	_ =	shalt  }
0x49: {  	_ =	shalt  }
0x4a: {  	_ =	shalt  }
0x4b: {  	_ =	shalt  }
0x4c: {  	_ =	shalt  }
0x4d: {  	_ =	shalt  }
0x4e: {  	_ =	shalt  }
0x4f: {  	_ =	shalt  }
0x50: {  	_ =	shalt  }
0x51: {  	_ =	shalt  }
0x52: {  	_ =	shalt  }
0x53: {  	_ =	shalt  }
0x54: {  	_ =	shalt  }
0x55: {  	_ =	shalt  }
0x56: {  	_ =	shalt  }
0x57: {  	_ =	shalt  }
0x58: {  	_ =	shalt  }
0x59: {  	_ =	shalt  }
0x5a: {  	_ =	shalt  }
0x5b: {  	_ =	shalt  }
0x5c: {  	_ =	shalt  }
0x5d: {  	_ =	shalt  }
0x5e: {  	_ =	shalt  }
0x5f: {  	_ =	shalt  }
0x60: {  	_ =	shalt  }
0x61: {  	_ =	shalt  }
0x62: {  	_ =	shalt  }
0x63: {  	_ =	shalt  }
0x64: {  	_ =	shalt  }
0x65: {  	_ =	shalt  }
0x66: {  	_ =	shalt  }
0x67: {  	_ =	shalt  }
0x68: {  	_ =	shalt  }
0x69: {  	_ =	shalt  }
0x6a: {  	_ =	shalt  }
0x6b: {  	_ =	shalt  }
0x6c: {  	_ =	shalt  }
0x6d: {  	_ =	shalt  }
0x6e: {  	_ =	shalt  }
0x6f: {  	_ =	shalt  }
0x70: {  	_ =	shalt  }
0x71: {  	_ =	shalt  }
0x72: {  	_ =	shalt  }
0x73: {  	_ =	shalt  }
0x74: {  	_ =	shalt  }
0x75: {  	_ =	shalt  }
0x76: {  	_ =	shalt  }
0x77: {  	_ =	shalt  }
0x78: {  	_ =	shalt  }
0x79: {  	_ =	shalt  }
0x7a: {  	_ =	shalt  }
0x7b: {  	_ =	shalt  }
0x7c: {  	_ =	shalt  }
0x7d: {  	_ =	shalt  }
0x7e: {  	_ =	shalt  }
0x7f: {  	_ =	shalt  }
0x80: {  	_ =	shalt  }
0x81: {  	_ =	shalt  }
0x82: {  	_ =	shalt  }
0x83: {  	_ =	shalt  }
0x84: {  	_ =	shalt  }
0x85: {  	_ =	shalt  }
0x86: {  	_ =	shalt  }
0x87: {  	_ =	shalt  }
.Lfunc_end0:
.L_simem_size_0:
called_computation_lowered:
.L_overlay_start_0:
0x88: {  	s2 =	sld [smem:$0x3FD9]  }
0x89: {  	s3 =	sld [smem:$0x3FFE];
	_ =	sdelay $0x1  }
0x8a: {  	s1 =	srdreg.scid  }
0x8b: {  	s0 =	sand.u32 $0x1, s1  }
0x8c: {  	s17 =	sshll.u32 s0, $0xA;
	s2 =	sadd.s32 s3, s2  }
0x8d: {  	s2 =	sadd.s32 s2, s17  }
0x8e: {  	[smem:$0x3FBD] =	sst s2  }
0x8f: {  	_ = 	snop  }
0x90: {  	s4 =	sld [smem:$0x3FC9]  }
0x91: {  	s18 =	sld [smem:$0x3FD0];
	(tm) =	ssettm $0x1  }
0x92: {  	s19 =	sld [smem:$0x3FFB];
	_ =	sdelay $0x3  }
0x93: {  	_ =	strace s19  }
0x94: {  	s2 =	sld [smem:$0x3FFC];
	_ =	sdelay $0x3  }
0x95: {  	_ =	strace s2  }
0x96: {  	s2 =	sld [smem:$0x3FFD];
	_ =	sdelay $0x3  }
0x97: {  	_ =	strace s2  }
0x98: {  	_ =	strace $0x8FFFFFFF  }
0x99: {  	s20 =	sld [smem:$0x3FDB];
	_ =	sdelay $0x1  }
0x9a: {  	s5 =	simm.s32 $_scs_section_size  }
0x9b: {  	s6 =	simm.s32 $_size__tile_overlayer_lowered;
	s7 =	simm.s32 $_tile_overlayer_lowered  }
0x9c: {  	s8 =	simm.s32 $0x1BFF;
	s21 =	sshll.u32 s7, $0x1;
	s5 =	sadd.s32 s5, s20  }
0x9d: {  	s22 =	simm.s32 $0x0;
	s6 =	sshll.u32 s6, $0x1;
	s7 =	sadd.s32 s21, s5  }
0x9e: {  	[timem:s22], [sflag:s8] =	dma.local [hbm:s7], s6  }
0x9f: {  	_ =	swait.ge [sflag:s8], s6  }
0xa0: {  	s6 =	ssub.s32 $0x0, s6;
	[sflag:s8] =	ssyncset.done $0x0  }
0xa1: {  	[sflag:s8] =	ssyncadd.s32 s6;
	_ =	sdelay $0x1  }
0xa2: {  	s23 =	simm.s32 $0x1B8B  }
0xa3: {  	_ =	swait.ge [sflag:s23], $0x1  }
0xa4: {  	[sflag:s23] =	ssyncset.done $0x0  }
0xa5: {  	[sflag:s23] =	ssyncadd.s32 $0xFFFFFFFF  }
0xa6: {  	s6 =	sld [smem:$0x0]  }
0xa7: {  	s7 =	sand.u32 $0xFFFFFFFE, s1  }
0xa8: {  	p0 =	sne.s32 s1, s7  }
0xa9: {  	s7 =	sshll.u32 @p0 s7, $0xE  }
0xaa: {  	s7 =	sadd.s32 @p0 $0x11B8D, s7;
	s8 =	sshll.u32 @p0 s6, $0x11  }
0xab: {  	s7 =	sor.u32 @p0 s8, s7  }
0xac: {  	[sflag:s7] =	ssyncadd.remote.s32 @p0 $0x1;
	_ =	sdelay $0x1  }
0xad: {  	s7 =	simm.s32 @p0 $0x1B8D  }
0xae: {  	_ =	swait.eq @p0 [sflag:s7], $0x1  }
0xaf: {  	[sflag:s7] =	ssyncadd.s32 @p0 $0xFFFFFFFF  }
0xb0: {  	s8 =	sshll.u32 @!p0 s1, $0xE  }
0xb1: {  	s8 =	sor.u32 @!p0 $0x4000, s8;
	s7 =	simm.s32 @!p0 $0x1B8D  }
0xb2: {  	s6 =	sshll.u32 @!p0 s6, $0x11;
	s8 =	sadd.s32 @!p0 $0x11B8D, s8;
	_ =	swait.eq @!p0 [sflag:s7], $0x1  }
0xb3: {  	s6 =	sor.u32 @!p0 s6, s8;
	[sflag:s7] =	ssyncadd.s32 @!p0 $0xFFFFFFFF  }
0xb4: {  	s25 =	simm.s32 $0x1B8E;
	s24 =	sld [smem:$0x3FFE];
	[sflag:s6] =	ssyncadd.remote.s32 @!p0 $0x1  }
0xb5: {  	s26 =	simm.s32 $execute0_lowered;
	[smem:$0x3FD2] =	sst s25  }
0xb6: {  	s7 =	sshll.u32 s26, $0x1;
	_ =	strace $0x80000049;
	[dreg:$0x1] =	wrdreg $0xFFFFFFFF  }
0xb7: {  	s28 =	simm.s32 $_size_execute0_lowered;
	s5 =	sadd.s32 s5, s7;
	[dreg:$0x0] =	wrdreg $0x0  }
0xb8: {  	s7 =	sshll.u32 s28, $0x1;
	[dreg:$0x2] =	wrdreg s5  }
0xb9: {  	[dreg:$0x3] =	wrdreg s7  }
0xba: {  	[dreg:$0x4] =	wrdreg $0xC0  }
0xbb: {  	_ =	task [dreg:s22], $0x5FFFF  }
0xbc: {  	[dreg:$0x1] =	wrdreg $0xFFFFFFFF  }
0xbd: {  	[dreg:$0x0] =	wrdreg $0x60  }
0xbe: {  	[dreg:$0x2] =	wrdreg s4  }
0xbf: {  	[dreg:$0x3] =	wrdreg s24  }
0xc0: {  	[dreg:$0x4] =	wrdreg s18  }
0xc1: {  	[dreg:$0x5] =	wrdreg $0x41000  }
0xc2: {  	[dreg:$0x6] =	wrdreg $0x9  }
0xc3: {  	_ =	task.clear_ibuf [dreg:s22], $0x7FFFF;
	_ =	strace $0x90000049  }
0xc4: {  	s29 =	simm.s32 $0x9;
	_ =	strace $0x8000004B  }
0xc5: {  	_ =	swait.ge [sflag:s29], $0x1  }
0xc6: {  	[sflag:s29] =	ssyncadd.s32 $0xFFFFFFFF  }
0xc7: {  	_ =	strace $0x9000004B  }
0xc8: {  	_ =	sfence  }
0xc9: {  	s30 =	sld [smem:$0x0];
	_ =	sdelay $0x2  }
0xca: {  	s31 =	sshll.u32 s1, $0xD;
	s1 =	sshrl.u32 s1, $0x2  }
0xcb: {  	s4 =	sand.u32 $0x4000, s31;
	s1 =	sadd.s32 s1, s30  }
0xcc: {  	s0 =	sor.u32 s4, s0;
	s1 =	sshll.u32 s1, $0x11  }
0xcd: {  	s0 =	sor.u32 s1, s0  }
0xce: {  	s0 =	sadd.s32 $0x8F2B, s0  }
0xcf: {  	[sflag:s0] =	ssyncadd.remote.s32 $0x1  }
0xd0: {  	_ =	sfence.sel $0xFFFF  }
0xd1: {  	[dreg:$0x0] =	wrdreg $0xFFFFFFFF;
	(pc) =	sbr.abs _section_cstart, $3  }
0xd2: {  	[dreg:$0x1] =	wrdreg $0xFFFFFFFF  }
0xd3: {  	_ =	task.clear_ibuf [dreg:s22], $0x2FFFF;
	_ =	strace $0x9FFFFFFF  }
0xd4: {  	(tm) =	ssettm $0x7FFFFFFF  }
0xd5: {  	_ =	shalt  }
tec
execute0_lowered:
.L_overlay_start_1:
0x0: {  	(tag) =	ssettag $0x1  }
0x1: {  	s1 =	rddreg [dreg:$0x0]  }
0x2: {  	s11 =	rddreg [dreg:$0x1]  }
0x3: {  	s2 =	rddreg [dreg:$0x2]  }
0x4: {  	s3 =	rddreg [dreg:$0x3];
	s4 =	simm.s32 $0x0  }
0x5: {  	s10 =	srdreg.scid;
	s0 =	stileid.u32;
	s28 =	simm.s32 $0x1  }
0x6: {  	s29 =	simm.s32 $0x0;
	[smem:$0x7FF] =	sst s4;
	s6 =	sadd.s32 $0x7000, s11  }
0x7: {  	s7 =	sadd.s32 $0x2000, s11;
	s8 =	sadd.s32 $0xC000, s11;
	s14 =	smul.u32 $0x280, s0  }
0x8: {  	s9 =	sadd.s32 $0x11000, s11;
	s24 =	sand.u32 $0x1, s10;
	s13 =	smul.u32 $0x50000, s0  }
0x9: {  	s5 =	sadd.s32 $0x88A00, s11;
	s11 =	sadd.s32 $0xB0A00, s11;
	s17 =	smul.u32 $0x2800, s0  }
0xa: {  	s23 =	smul.u32 $0x500, s0;
	_ =	strace $0x8000004A;
	[dreg:$0x5] =	wrdreg s5  }
0xb: {  	s12 =	ssub.s32 $0x2, s24;
	p0 =	sne.s32 s24, $0x0;
	s24 =	simm.s32 $0x100  }
0xc: {  	s15 =	sshrl.u32 s12, $0x1;
	s18 =	sadd.s32 $0x80, s14;
	s25 =	sshrl.u32 s13, $0x2  }
0xd: {  	s19 =	sadd.s32 $0x100, s14;
	s20 =	sadd.s32 $0x180, s14;
	s21 =	sadd.s32 $0x200, s14  }
0xe: {  	s22 =	ssub.s32 s12, s15;
	s26 =	sshll.u32 s18, $0x7;
	s12 =	sadd.s32 s25, s3  }
.Ltmp0:
0xf: {  	s30 =	sshll.u32 s19, $0x7;
	s31 =	sshll.u32 s20, $0x7;
	(pc) =	sbr.rel .LBB2_1-.Ltmp0, $4  }
0x10: {  	s16 =	sshll.u32 s21, $0x7;
	s18 =	sshll.u32 s18, $0x4;
	s19 =	sshll.u32 s19, $0x4  }
0x11: {  	s20 =	sshll.u32 s20, $0x4;
	s21 =	sshll.u32 s21, $0x4;
	s25 =	simm.s32 $0x2  }
0x12: {  	s13 =	sadd.s32 s26, s3;
	s14 =	sadd.s32 s30, s3;
	s15 =	sadd.s32 s31, s3  }
0x13: {  	s16 =	sadd.s32 s16, s3;
	s22 =	smax.u32 s22, $0x1;
	s26 =	simm.s32 $0x80  }
.LBB2_7:
0x14: {  	s0 =	sadd.s32 s8, s30;
	[sflag:s25] =	ssyncadd.s32 $0xFFFFC000  }
0x15: {  	[tilespmem:s4], [sflag:$0x2] =	stream.linear.gather [hbm4b:s0+s4], $0x80, $0x38;
	[tilespmem:$0x18100] =	vst v63  }
0x16: {  	_ =	swait.ge [sflag:s25], $0x80  }
0x17: {  	[sflag:s25] =	ssyncset.done $0x0  }
0x18: {  	s31 =	sadd.s32 s2, s30;
	[sflag:s25] =	ssyncadd.s32 $0xFFFFFF80  }
0x19: {  	[tilespmem:s26], [sflag:$0x2] =	stream.linear.gather [hbm4b:s31+s4], $0x80, $0x38;
	[tilespmem:$0x18100] =	vst v63  }
0x1a: {  	_ =	swait.ge [sflag:s25], $0x80  }
0x1b: {  	[sflag:s25] =	ssyncset.done $0x0  }
0x1c: {  	[sflag:s25] =	ssyncadd.s32 $0xFFFFFF80  }
0x1d: {  	[tilespmem:s24], [sflag:$0x1] =	stream.indirect.gather [hbm4b:s1+s26], $0x80, s4, s26, $0xb8;
	[tilespmem:$0x18100] =	vst v63  }
0x1e: {  	_ =	swait.ge [sflag:s28], $0x4000  }
0x1f: {  	[sflag:s28] =	ssyncset.done $0x0  }
0x20: {  	[sflag:s28] =	ssyncadd.s32 $0xFFFFC000  }
0x21: {  	[spmem:s3] =	stream.indirect.scatter.add.f32 [tilespmem:s24], [sflag:$0x2], $0x80, s26, s26, $0xb8;
	[tilespmem:$0x18100] =	vst v63  }
0x22: {  	_ =	swait.ge [sflag:s25], $0x4000  }
0x23: {  	[sflag:s25] =	ssyncset.done $0x0  }
0x24: {  	s30 =	smov.u32 s11;
	[sflag:s25] =	ssyncadd.s32 $0xFFFFC000  }
.LBB2_8:
0x25: {  	[bflag:$0x0] =	sbarrier.arrive $0xFFFF  }
0x26: {  	[tilespmem:s24], [sflag:$0x2] =	stream.linear.gather [spmem:s12], $0x4000, $0x38;
	[tilespmem:$0x18100] =	vst v63  }
0x27: {  	_ =	swait.ge [sflag:s25], $0x4000  }
0x28: {  	[sflag:s25] =	ssyncset.done $0x0  }
0x29: {  	s0 =	sadd.s32 s30, s17;
	[sflag:s25] =	ssyncadd.s32 $0xFFFFC000  }
0x2a: {  	[hbm4b:s0+s4] =	stream.linear.scatter [tilespmem:s24], [sflag:$0x2], $0x4000, $0x38;
	[tilespmem:$0x18100] =	vst v63  }
0x2b: {  	_ =	swait.ge [sflag:s25], $0x4000  }
0x2c: {  	[sflag:s25] =	ssyncset.done $0x0  }
0x2d: {  	[sflag:s25] =	ssyncadd.s32 $0xFFFFC000  }
0x2e: {  	[tilespmem:s24], [sflag:$0x2] =	stream.linear.gather [spmem:s13], $0x4000, $0x38;
	[tilespmem:$0x18100] =	vst v63  }
0x2f: {  	_ =	swait.ge [sflag:s25], $0x4000  }
0x30: {  	[sflag:s25] =	ssyncset.done $0x0  }
0x31: {  	s31 =	sadd.s32 s30, s18;
	[sflag:s25] =	ssyncadd.s32 $0xFFFFC000  }
0x32: {  	[hbm4b:s31+s4] =	stream.linear.scatter [tilespmem:s24], [sflag:$0x2], $0x4000, $0x38;
	[tilespmem:$0x18100] =	vst v63  }
0x33: {  	_ =	swait.ge [sflag:s25], $0x4000  }
0x34: {  	[sflag:s25] =	ssyncset.done $0x0  }
0x35: {  	[sflag:s25] =	ssyncadd.s32 $0xFFFFC000  }
0x36: {  	[tilespmem:s24], [sflag:$0x2] =	stream.linear.gather [spmem:s14], $0x4000, $0x38;
	[tilespmem:$0x18100] =	vst v63  }
0x37: {  	_ =	swait.ge [sflag:s25], $0x4000  }
0x38: {  	[sflag:s25] =	ssyncset.done $0x0  }
0x39: {  	s5 =	sadd.s32 s30, s19;
	[sflag:s25] =	ssyncadd.s32 $0xFFFFC000  }
0x3a: {  	[hbm4b:s5+s4] =	stream.linear.scatter [tilespmem:s24], [sflag:$0x2], $0x4000, $0x38;
	[tilespmem:$0x18100] =	vst v63  }
0x3b: {  	_ =	swait.ge [sflag:s25], $0x4000  }
0x3c: {  	[sflag:s25] =	ssyncset.done $0x0  }
0x3d: {  	[sflag:s25] =	ssyncadd.s32 $0xFFFFC000  }
0x3e: {  	[tilespmem:s24], [sflag:$0x2] =	stream.linear.gather [spmem:s15], $0x4000, $0x38;
	[tilespmem:$0x18100] =	vst v63  }
0x3f: {  	_ =	swait.ge [sflag:s25], $0x4000  }
0x40: {  	[sflag:s25] =	ssyncset.done $0x0  }
0x41: {  	s10 =	sadd.s32 s30, s20;
	[sflag:s25] =	ssyncadd.s32 $0xFFFFC000  }
0x42: {  	[hbm4b:s10+s4] =	stream.linear.scatter [tilespmem:s24], [sflag:$0x2], $0x4000, $0x38;
	[tilespmem:$0x18100] =	vst v63  }
0x43: {  	_ =	swait.ge [sflag:s25], $0x4000  }
0x44: {  	[sflag:s25] =	ssyncset.done $0x0  }
0x45: {  	[sflag:s25] =	ssyncadd.s32 $0xFFFFC000  }
0x46: {  	[tilespmem:s24], [sflag:$0x2] =	stream.linear.gather [spmem:s16], $0x4000, $0x38;
	[tilespmem:$0x18100] =	vst v63  }
0x47: {  	s29 =	sadd.s32 $0x1, s29;
	_ =	swait.ge [sflag:s25], $0x4000  }
0x48: {  	p1 =	sne.s32 s29, s22;
	[sflag:s25] =	ssyncset.done $0x0  }
.Ltmp1:
0x49: {  	s31 =	sadd.s32 s30, s21;
	[sflag:s25] =	ssyncadd.s32 $0xFFFFC000;
	(pc) =	sbr.rel @!p1 .LBB2_9-.Ltmp1, $4  }
0x4a: {  	[hbm4b:s31+s4] =	stream.linear.scatter [tilespmem:s24], [sflag:$0x2], $0x4000, $0x38;
	[tilespmem:$0x18100] =	vst v63  }
0x4b: {  	_ =	swait.ge [sflag:s25], $0x4000  }
0x4c: {  	[sflag:s25] =	ssyncset.done $0x0  }
0x4d: {  	[sflag:s25] =	ssyncadd.s32 $0xFFFFC000  }
.LBB2_1:
0x4e: {  	[tilespmem:s24], [sflag:$0x2] =	stream.linear.gather [hbm4b:s9+s4], $0x4000, $0x38;
	[tilespmem:$0x18100] =	vst v63  }
0x4f: {  	_ =	swait.ge [sflag:s25], $0x4000  }
0x50: {  	[sflag:s25] =	ssyncset.done $0x0  }
0x51: {  	[sflag:s25] =	ssyncadd.s32 $0xFFFFC000  }
0x52: {  	[spmem:s12] =	stream.linear.scatter [tilespmem:s24], [sflag:$0x2], $0x4000, $0x38;
	[tilespmem:$0x18100] =	vst v63  }
0x53: {  	_ =	swait.ge [sflag:s25], $0x4000  }
0x54: {  	[sflag:s25] =	ssyncset.done $0x0  }
0x55: {  	[sflag:s25] =	ssyncadd.s32 $0xFFFFC000  }
0x56: {  	[spmem:s13] =	stream.linear.scatter [tilespmem:s24], [sflag:$0x2], $0x4000, $0x38;
	[tilespmem:$0x18100] =	vst v63  }
0x57: {  	_ =	swait.ge [sflag:s25], $0x4000  }
0x58: {  	[sflag:s25] =	ssyncset.done $0x0  }
0x59: {  	[sflag:s25] =	ssyncadd.s32 $0xFFFFC000  }
0x5a: {  	[spmem:s14] =	stream.linear.scatter [tilespmem:s24], [sflag:$0x2], $0x4000, $0x38;
	[tilespmem:$0x18100] =	vst v63  }
0x5b: {  	_ =	swait.ge [sflag:s25], $0x4000  }
0x5c: {  	[sflag:s25] =	ssyncset.done $0x0  }
0x5d: {  	[sflag:s25] =	ssyncadd.s32 $0xFFFFC000  }
0x5e: {  	[spmem:s15] =	stream.linear.scatter [tilespmem:s24], [sflag:$0x2], $0x4000, $0x38;
	[tilespmem:$0x18100] =	vst v63  }
0x5f: {  	_ =	swait.ge [sflag:s25], $0x4000  }
0x60: {  	[sflag:s25] =	ssyncset.done $0x0  }
0x61: {  	[sflag:s25] =	ssyncadd.s32 $0xFFFFC000  }
0x62: {  	[spmem:s16] =	stream.linear.scatter [tilespmem:s24], [sflag:$0x2], $0x4000, $0x38;
	[tilespmem:$0x18100] =	vst v63  }
.Ltmp2:
0x63: {  	_ =	swait.ge [sflag:s25], $0x4000;
	(pc) =	sbr.rel @p0 .LBB2_5-.Ltmp2, $3  }
0x64: {  	[sflag:s25] =	ssyncset.done $0x0  }
0x65: {  	[sflag:s25] =	ssyncadd.s32 $0xFFFFC000  }
0x66: {  	[bflag:$0x0] =	sbarrier.arrive $0xFFFF;
	_ =	sdelay $0x1  }
0x67: {  	s30 =	sadd.s32 $0x0, s23  }
0x68: {  	s31 =	sand.u32 $0x70, s4;
	s30 =	sand.u32 $0xFF80, s30  }
0x69: {  	s30 =	sor.u32 s31, s30  }
0x6a: {  	s31 =	sadd.s32 s6, s30  }
0x6b: {  	[tilespmem:s4], [sflag:$0x2] =	stream.linear.gather [hbm4b:s31+s4], $0x80, $0x38;
	[tilespmem:$0x18100] =	vst v63  }
0x6c: {  	_ =	swait.ge [sflag:s25], $0x80  }
0x6d: {  	[sflag:s25] =	ssyncset.done $0x0  }
0x6e: {  	s30 =	sadd.s32 s7, s30;
	[sflag:s25] =	ssyncadd.s32 $0xFFFFFF80  }
0x6f: {  	[tilespmem:s26], [sflag:$0x2] =	stream.linear.gather [hbm4b:s30+s4], $0x80, $0x38;
	[tilespmem:$0x18100] =	vst v63  }
0x70: {  	_ =	swait.ge [sflag:s25], $0x80  }
0x71: {  	[sflag:s25] =	ssyncset.done $0x0  }
0x72: {  	[sflag:s25] =	ssyncadd.s32 $0xFFFFFF80  }
0x73: {  	[tilespmem:s24], [sflag:$0x1] =	stream.indirect.gather [hbm4b:s1+s26], $0x80, s4, s26, $0xb8;
	[tilespmem:$0x18100] =	vst v63  }
0x74: {  	_ =	swait.ge [sflag:s28], $0x4000  }
0x75: {  	[sflag:s28] =	ssyncset.done $0x0  }
0x76: {  	s31 =	sadd.s32 $0x10, s23;
	s30 =	simm.s32 $0x10;
	[sflag:s28] =	ssyncadd.s32 $0xFFFFC000  }
0x77: {  	[spmem:s3] =	stream.indirect.scatter.add.f32 [tilespmem:s24], [sflag:$0x2], $0x80, s26, s26, $0xb8;
	[tilespmem:$0x18100] =	vst v63  }
0x78: {  	s0 =	sand.u32 $0xFF80, s31;
	s30 =	sand.u32 $0x70, s30;
	_ =	swait.ge [sflag:s25], $0x4000  }
0x79: {  	s31 =	simm.s32 $0x20;
	s30 =	sor.u32 s30, s0;
	[sflag:s25] =	ssyncset.done $0x0  }
.LBB2_3:
0x7a: {  	s0 =	sadd.s32 s6, s30  }
0x7b: {  	[sflag:s25] =	ssyncadd.s32 $0xFFFFC000;
	s5 =	smov.u32 s31;
	s10 =	sadd.s32 $0x10, s31  }
0x7c: {  	[tilespmem:s4], [sflag:$0x2] =	stream.linear.gather [hbm4b:s0+s4], $0x80, $0x38;
	[tilespmem:$0x18100] =	vst v63  }
0x7d: {  	p1 =	seq.s32 s31, $0x4F0;
	_ =	swait.ge [sflag:s25], $0x80  }
0x7e: {  	[sflag:s25] =	ssyncset.done $0x0  }
0x7f: {  	s0 =	sadd.s32 s7, s30;
	[sflag:s25] =	ssyncadd.s32 $0xFFFFFF80  }
0x80: {  	[tilespmem:s26], [sflag:$0x2] =	stream.linear.gather [hbm4b:s0+s4], $0x80, $0x38;
	[tilespmem:$0x18100] =	vst v63  }
0x81: {  	_ =	swait.ge [sflag:s25], $0x80  }
0x82: {  	[sflag:s25] =	ssyncset.done $0x0  }
0x83: {  	[sflag:s25] =	ssyncadd.s32 $0xFFFFFF80  }
0x84: {  	[tilespmem:s24], [sflag:$0x1] =	stream.indirect.gather [hbm4b:s1+s26], $0x80, s4, s26, $0xb8;
	[tilespmem:$0x18100] =	vst v63  }
0x85: {  	_ =	swait.ge [sflag:s28], $0x4000  }
.Ltmp3:
0x86: {  	[sflag:s28] =	ssyncset.done $0x0;
	(pc) =	sbr.rel @!p1 .LBB2_3-.Ltmp3, $4  }
0x87: {  	s0 =	sadd.s32 s5, s23;
	[sflag:s28] =	ssyncadd.s32 $0xFFFFC000  }
0x88: {  	[spmem:s3] =	stream.indirect.scatter.add.f32 [tilespmem:s24], [sflag:$0x2], $0x80, s26, s26, $0xb8;
	[tilespmem:$0x18100] =	vst v63  }
0x89: {  	s5 =	sand.u32 $0x70, s5;
	s0 =	sand.u32 $0xFF80, s0;
	_ =	swait.ge [sflag:s25], $0x4000  }
0x8a: {  	s31 =	smov.u32 s10;
	s30 =	sor.u32 s5, s0;
	[sflag:s25] =	ssyncset.done $0x0  }
0x8b: {  	s0 =	sadd.s32 s6, s30;
	[sflag:s25] =	ssyncadd.s32 $0xFFFFC000  }
0x8c: {  	[tilespmem:s4], [sflag:$0x2] =	stream.linear.gather [hbm4b:s0+s4], $0x80, $0x38;
	[tilespmem:$0x18100] =	vst v63  }
0x8d: {  	_ =	swait.ge [sflag:s25], $0x80  }
0x8e: {  	[sflag:s25] =	ssyncset.done $0x0  }
0x8f: {  	s31 =	sadd.s32 s7, s30;
	[sflag:s25] =	ssyncadd.s32 $0xFFFFFF80  }
0x90: {  	[tilespmem:s26], [sflag:$0x2] =	stream.linear.gather [hbm4b:s31+s4], $0x80, $0x38;
	[tilespmem:$0x18100] =	vst v63  }
0x91: {  	_ =	swait.ge [sflag:s25], $0x80  }
0x92: {  	[sflag:s25] =	ssyncset.done $0x0  }
0x93: {  	[sflag:s25] =	ssyncadd.s32 $0xFFFFFF80  }
0x94: {  	[tilespmem:s24], [sflag:$0x1] =	stream.indirect.gather [hbm4b:s1+s26], $0x80, s4, s26, $0xb8;
	[tilespmem:$0x18100] =	vst v63  }
0x95: {  	_ =	swait.ge [sflag:s28], $0x4000  }
0x96: {  	[sflag:s28] =	ssyncset.done $0x0  }
.Ltmp4:
0x97: {  	[sflag:s28] =	ssyncadd.s32 $0xFFFFC000;
	(pc) =	sbr.rel .LBB2_8-.Ltmp4, $4  }
0x98: {  	[spmem:s3] =	stream.indirect.scatter.add.f32 [tilespmem:s24], [sflag:$0x2], $0x80, s26, s26, $0xb8;
	[tilespmem:$0x18100] =	vst v63  }
0x99: {  	_ =	swait.ge [sflag:s25], $0x4000  }
0x9a: {  	[sflag:s25] =	ssyncset.done $0x0  }
0x9b: {  	s30 =	rddreg [dreg:$0x5];
	[sflag:s25] =	ssyncadd.s32 $0xFFFFC000  }
.LBB2_5:
0x9c: {  	s0 =	sadd.s32 $0x0, s23  }
0x9d: {  	s5 =	sand.u32 $0x70, s4;
	s0 =	sand.u32 $0xFF80, s0  }
0x9e: {  	s0 =	sor.u32 s5, s0  }
0x9f: {  	s5 =	sadd.s32 s8, s0  }
0xa0: {  	[tilespmem:s4], [sflag:$0x2] =	stream.linear.gather [hbm4b:s5+s4], $0x80, $0x38;
	[tilespmem:$0x18100] =	vst v63  }
0xa1: {  	_ =	swait.ge [sflag:s25], $0x80  }
0xa2: {  	[sflag:s25] =	ssyncset.done $0x0  }
0xa3: {  	s0 =	sadd.s32 s2, s0;
	[sflag:s25] =	ssyncadd.s32 $0xFFFFFF80  }
0xa4: {  	[tilespmem:s26], [sflag:$0x2] =	stream.linear.gather [hbm4b:s0+s4], $0x80, $0x38;
	[tilespmem:$0x18100] =	vst v63  }
0xa5: {  	_ =	swait.ge [sflag:s25], $0x80  }
0xa6: {  	[sflag:s25] =	ssyncset.done $0x0  }
0xa7: {  	[sflag:s25] =	ssyncadd.s32 $0xFFFFFF80  }
0xa8: {  	[tilespmem:s24], [sflag:$0x1] =	stream.indirect.gather [hbm4b:s1+s26], $0x80, s4, s26, $0xb8;
	[tilespmem:$0x18100] =	vst v63  }
0xa9: {  	_ =	swait.ge [sflag:s28], $0x4000  }
0xaa: {  	[sflag:s28] =	ssyncset.done $0x0  }
0xab: {  	s10 =	sadd.s32 $0x10, s23;
	s0 =	simm.s32 $0x10;
	[sflag:s28] =	ssyncadd.s32 $0xFFFFC000  }
0xac: {  	[spmem:s3] =	stream.indirect.scatter.add.f32 [tilespmem:s24], [sflag:$0x2], $0x80, s26, s26, $0xb8;
	[tilespmem:$0x18100] =	vst v63  }
0xad: {  	s5 =	sand.u32 $0xFF80, s10;
	s0 =	sand.u32 $0x70, s0;
	_ =	swait.ge [sflag:s25], $0x4000  }
0xae: {  	s31 =	simm.s32 $0x20;
	s30 =	sor.u32 s0, s5;
	[sflag:s25] =	ssyncset.done $0x0  }
.LBB2_6:
0xaf: {  	s0 =	sadd.s32 s8, s30  }
0xb0: {  	[sflag:s25] =	ssyncadd.s32 $0xFFFFC000;
	s5 =	smov.u32 s31;
	s10 =	sadd.s32 $0x10, s31  }
0xb1: {  	[tilespmem:s4], [sflag:$0x2] =	stream.linear.gather [hbm4b:s0+s4], $0x80, $0x38;
	[tilespmem:$0x18100] =	vst v63  }
0xb2: {  	p1 =	sne.s32 s31, $0x4F0;
	_ =	swait.ge [sflag:s25], $0x80  }
0xb3: {  	[sflag:s25] =	ssyncset.done $0x0  }
0xb4: {  	s0 =	sadd.s32 s2, s30;
	[sflag:s25] =	ssyncadd.s32 $0xFFFFFF80  }
0xb5: {  	[tilespmem:s26], [sflag:$0x2] =	stream.linear.gather [hbm4b:s0+s4], $0x80, $0x38;
	[tilespmem:$0x18100] =	vst v63  }
0xb6: {  	_ =	swait.ge [sflag:s25], $0x80  }
0xb7: {  	[sflag:s25] =	ssyncset.done $0x0  }
0xb8: {  	[sflag:s25] =	ssyncadd.s32 $0xFFFFFF80  }
0xb9: {  	[tilespmem:s24], [sflag:$0x1] =	stream.indirect.gather [hbm4b:s1+s26], $0x80, s4, s26, $0xb8;
	[tilespmem:$0x18100] =	vst v63  }
0xba: {  	_ =	swait.ge [sflag:s28], $0x4000  }
.Ltmp5:
0xbb: {  	[sflag:s28] =	ssyncset.done $0x0;
	(pc) =	sbr.rel @p1 .LBB2_6-.Ltmp5, $4  }
0xbc: {  	s0 =	sadd.s32 s5, s23;
	[sflag:s28] =	ssyncadd.s32 $0xFFFFC000  }
0xbd: {  	[spmem:s3] =	stream.indirect.scatter.add.f32 [tilespmem:s24], [sflag:$0x2], $0x80, s26, s26, $0xb8;
	[tilespmem:$0x18100] =	vst v63  }
0xbe: {  	s5 =	sand.u32 $0x70, s5;
	s0 =	sand.u32 $0xFF80, s0;
	_ =	swait.ge [sflag:s25], $0x4000  }
0xbf: {  	s31 =	smov.u32 s10;
	s30 =	sor.u32 s5, s0;
	[sflag:s25] =	ssyncset.done $0x0  }
.Ltmp6:
0xc0: {  	_ = 	snop;
	(pc) =	sbr.rel .LBB2_7-.Ltmp6, $1  }
0xc1: {  	_ =	sdelay $0x3  }
.LBB2_9:
0xc2: {  	_ =	sfence.sel $0x180000  }
0xc3: {  	[bflag:$0x0] =	sbarrier.arrive $0xFFFF  }
0xc4: {  	_ =	strace $0x9000004A  }
0xc5: {  	s0 =	stileid.u32;
	[bflag:$0x2] =	sbarrier.arrive $0xFFFF  }
0xc6: {  	p0 =	sne.s32 s0, $0x0;
	s0 =	rddreg [dreg:$0x4]  }
0xc7: {  	s0 =	sadd.s32 @!p0 $0x100000, s0  }
0xc8: {  	[sflag:s0] =	ssyncadd.tile.s32 @!p0 $0x1;
	_ =	shalt  }
.Lfunc_end2:
_tile_overlayer_lowered:
.L_overlay_start_2:
0xc9: {  	(tag) =	ssettag $0x2  }
0xca: {  	s0 =	rddreg [dreg:$0x0];
	s2 =	stileid.u32  }
0xcb: {  	s1 =	rddreg [dreg:$0x1];
	p0 =	sne.s32 s2, $0x0  }
0xcc: {  	s3 =	rddreg [dreg:$0x2];
	[bflag:$0x3] =	sbarrier.arrive $0xFFFF;
	s2 =	simm.s32 @!p0 $0x1C02  }
0xcd: {  	[timem:s3], [sflag:s2] =	dma.local @!p0 [hbm:s0], s1  }
0xce: {  	s0 =	simm.s32 @!p0 $0x2  }
0xcf: {  	_ =	swait.ge @!p0 [sflag:s0], s1  }
0xd0: {  	s1 =	ssub.s32 @!p0 $0x0, s1;
	[sflag:s0] =	ssyncset.done @!p0 $0x0  }
0xd1: {  	[sflag:s0] =	ssyncadd.s32 @!p0 s1  }
0xd2: {  	[bflag:$0x3] =	sbarrier.arrive $0xFFFF  }
0xd3: {  	_ =	shalt  }

</sc_bundles>
